<compile_context>
chip_gen: v7x
topology: tpu7x:2x2x1
jax: 0.10.2.dev20260603
libtpu: 0.0.44.dev20260713+nightly
codegen_flags: <defaults>
</compile_context>

<pallas_src>
import functools

import jax
import jax.numpy as jnp
from jax import lax
from jax.experimental import pallas as pl
from jax.experimental.pallas import tpu as pltpu
from jax.experimental.pallas import tpu_sc as plsc

N_NODES = 10000
N_EDGES = 320000
D = 128
DH = D // 2
NB = 4
NC = 2
NS = 16
EPW = N_EDGES // NS
C = 80
NCH = EPW // C
NBUF = 5
GRP = NCH // NBUF
NPAD = 10240
RPS = NPAD // NS
ZCH = 80
DEGW = 16


def _sc_body(x0_hbm, x1_hbm, src_hbm, dst_hbm, zacc_hbm, zdeg_hbm, ones_hbm,
             acc_out, deg_out,
             acc_sh, deg_sh, sidx_v, didx_v,
             r0_v, r1_v, r2_v, r3_v, r4_v, w16_v,
             g0, g1, g2, g3, g4, s0, s1, s2, s3, s4, dsem):
    c = lax.axis_index("c")
    s = lax.axis_index("s")
    r0 = s * RPS
    bufs = (r0_v, r1_v, r2_v, r3_v, r4_v)
    gsems = (g0, g1, g2, g3, g4)
    ssems = (s0, s1, s2, s3, s4)

    is0 = c == 0
    def deg_on(i):
        return (i < GRP // 2) == is0

    pltpu.async_copy(src_hbm.at[s], sidx_v, s3)
    pltpu.async_copy(dst_hbm.at[s], didx_v, s4)

    pltpu.sync_copy(zacc_hbm, r0_v)
    for j in range(RPS // ZCH):
        pltpu.async_copy(r0_v, acc_sh.at[pl.ds(r0 + j * ZCH, ZCH)],
                         gsems[j % 3])
    pltpu.sync_copy(zdeg_hbm, w16_v)
    for j in range(RPS // ZCH):
        pltpu.async_copy(w16_v, deg_sh.at[pl.ds(r0 + j * ZCH, ZCH)], dsem)
    for j in range(RPS // ZCH):
        pltpu.make_async_copy(r0_v, acc_sh.at[pl.ds(r0 + j * ZCH, ZCH)],
                              gsems[j % 3]).wait()
        pltpu.make_async_copy(w16_v, deg_sh.at[pl.ds(r0 + j * ZCH, ZCH)],
                              dsem).wait()
    pltpu.sync_copy(ones_hbm, w16_v)
    pltpu.make_async_copy(src_hbm.at[s], sidx_v, s3).wait()
    pltpu.make_async_copy(dst_hbm.at[s], didx_v, s4).wait()
    plsc.subcore_barrier()

    def gather(k, buf, sem):
        @pl.when(is0)
        def _():
            pltpu.async_copy(x0_hbm.at[sidx_v.at[k]], buf, sem)

        @pl.when(jnp.logical_not(is0))
        def _():
            pltpu.async_copy(x1_hbm.at[sidx_v.at[k]], buf, sem)

    def wait_gather(buf, sem):
        pltpu.make_async_copy(x0_hbm.at[sidx_v.at[0]], buf, sem).wait()

    for b in range(NBUF):
        gather(b, bufs[b], gsems[b])

    def group(i, carry):
        k0 = NBUF * i
        on = deg_on(i)
        for b in range(NBUF):
            k = k0 + b
            wait_gather(bufs[b], gsems[b])
            pltpu.async_copy(bufs[b], acc_sh.at[didx_v.at[k]], ssems[b],
                             add=True)

            @pl.when(on)
            def _():
                pltpu.async_copy(w16_v, deg_sh.at[didx_v.at[k]], dsem,
                                 add=True)

        for b in range(NBUF):
            pltpu.make_async_copy(bufs[b], acc_sh.at[didx_v.at[0]],
                                  ssems[b]).wait()

            @pl.when(i + 1 < GRP)
            def _():
                gather(k0 + NBUF + b, bufs[b], gsems[b])

        for b in range(NBUF):
            @pl.when(on)
            def _():
                pltpu.make_async_copy(w16_v, deg_sh.at[didx_v.at[0]],
                                      dsem).wait()
        return carry

    lax.fori_loop(0, GRP, group, 0)
    plsc.subcore_barrier()

    for j in range(RPS // ZCH):
        b = j % NBUF
        if j >= NBUF:
            pltpu.make_async_copy(
                bufs[b], acc_out.at[c, pl.ds(r0 + (j - NBUF) * ZCH, ZCH)],
                ssems[b]).wait()
        pltpu.sync_copy(acc_sh.at[pl.ds(r0 + j * ZCH, ZCH)], bufs[b])
        pltpu.async_copy(bufs[b], acc_out.at[c, pl.ds(r0 + j * ZCH, ZCH)],
                         ssems[b])

    for j in range(RPS // ZCH):
        pltpu.sync_copy(deg_sh.at[pl.ds(r0 + j * ZCH, ZCH)], w16_v)
        pltpu.sync_copy(w16_v, deg_out.at[c, pl.ds(r0 + j * ZCH, ZCH)])

    for j in range(RPS // ZCH - NBUF, RPS // ZCH):
        b = j % NBUF
        pltpu.make_async_copy(bufs[b],
                              acc_out.at[c, pl.ds(r0 + j * ZCH, ZCH)],
                              ssems[b]).wait()


_sc_scatter = functools.partial(
    pl.kernel,
    out_type=(jax.ShapeDtypeStruct((NC, NPAD, DH), jnp.float32),
              jax.ShapeDtypeStruct((NC, NPAD, DEGW), jnp.float32)),
    mesh=plsc.VectorSubcoreMesh(core_axis_name="c", subcore_axis_name="s"),
    compiler_params=pltpu.CompilerParams(use_tc_tiling_on_sc=False),
    scratch_types=[
        pltpu.VMEM_SHARED((NPAD, DH), jnp.float32),
        pltpu.VMEM_SHARED((NPAD, DEGW), jnp.float32),
        pltpu.VMEM((NCH, C), jnp.int32),
        pltpu.VMEM((NCH, C), jnp.int32),
        pltpu.VMEM((C, DH), jnp.float32),
        pltpu.VMEM((C, DH), jnp.float32),
        pltpu.VMEM((C, DH), jnp.float32),
        pltpu.VMEM((C, DH), jnp.float32),
        pltpu.VMEM((C, DH), jnp.float32),
        pltpu.VMEM((ZCH, DEGW), jnp.float32),
        pltpu.SemaphoreType.DMA,
        pltpu.SemaphoreType.DMA,
        pltpu.SemaphoreType.DMA,
        pltpu.SemaphoreType.DMA,
        pltpu.SemaphoreType.DMA,
        pltpu.SemaphoreType.DMA,
        pltpu.SemaphoreType.DMA,
        pltpu.SemaphoreType.DMA,
        pltpu.SemaphoreType.DMA,
        pltpu.SemaphoreType.DMA,
        pltpu.SemaphoreType.DMA,
    ],
)(_sc_body)


RB = 2000


def _tc_body(acc_ref, deg_ref, x_ref, bmw_ref, bmb_ref, bsw_ref, bsb_ref,
             coef_ref, out_ref):
    c0 = coef_ref[0, 0]
    c1 = coef_ref[0, 1]
    c2 = coef_ref[0, 2]
    c3 = coef_ref[0, 3]
    wm = c0 * bmw_ref[0] + c1 * bmw_ref[1] + c2 * bmw_ref[2] + c3 * bmw_ref[3]
    ws = c0 * bsw_ref[0] + c1 * bsw_ref[1] + c2 * bsw_ref[2] + c3 * bsw_ref[3]
    bm = c0 * bmb_ref[0] + c1 * bmb_ref[1] + c2 * bmb_ref[2] + c3 * bmb_ref[3]
    bs = c0 * bsb_ref[0] + c1 * bsb_ref[1] + c2 * bsb_ref[2] + c3 * bsb_ref[3]

    deg = deg_ref[0, :, 0:1] + deg_ref[1, :, 0:1]
    out = (jnp.dot(acc_ref[0], wm[:DH], preferred_element_type=jnp.float32,
                   precision=lax.Precision.HIGHEST)
           + jnp.dot(acc_ref[1], wm[DH:], preferred_element_type=jnp.float32,
                     precision=lax.Precision.HIGHEST)
           + jnp.dot(x_ref[...], ws, preferred_element_type=jnp.float32,
                     precision=lax.Precision.HIGHEST)
           + deg * bm.reshape(1, D) + bs.reshape(1, D))
    nrm = jnp.sqrt(jnp.sum(out * out, axis=1, keepdims=True))
    out_ref[...] = out / jnp.maximum(nrm, 1e-12)


def _tc_combine(acc, deg, x, bmw, bmb, bsw, bsb, coef):
    return pl.pallas_call(
        _tc_body,
        grid=(N_NODES // RB,),
        in_specs=[
            pl.BlockSpec((NC, RB, DH), lambda i: (0, i, 0)),
            pl.BlockSpec((NC, RB, DEGW), lambda i: (0, i, 0)),
            pl.BlockSpec((RB, D), lambda i: (i, 0)),
            pl.BlockSpec((NB, D, D), lambda i: (0, 0, 0)),
            pl.BlockSpec((NB, D), lambda i: (0, 0)),
            pl.BlockSpec((NB, D, D), lambda i: (0, 0, 0)),
            pl.BlockSpec((NB, D), lambda i: (0, 0)),
            pl.BlockSpec((1, NB), lambda i: (0, 0)),
        ],
        out_specs=pl.BlockSpec((RB, D), lambda i: (i, 0)),
        out_shape=jax.ShapeDtypeStruct((N_NODES, D), jnp.float32),
    )(acc, deg, x, bmw, bmb, bsw, bsb, coef)


def kernel(x, edge_index, basis_lin_msg_wt, basis_lin_msg_biases,
           basis_lin_self_wt, basis_lin_self_biases, linear_combinations):
    src = edge_index[0].astype(jnp.int32).reshape(NS, NCH, C)
    dst = edge_index[1].astype(jnp.int32).reshape(NS, NCH, C)
    x0 = x[:, :DH]
    x1 = x[:, DH:]
    zacc = jnp.zeros((ZCH, DH), jnp.float32)
    zdeg = jnp.zeros((ZCH, DEGW), jnp.float32)
    ones = jnp.ones((C, DEGW), jnp.float32)

    acc, deg = _sc_scatter(x0, x1, src, dst, zacc, zdeg, ones)

    bmw = jnp.transpose(basis_lin_msg_wt, (2, 0, 1))
    bsw = jnp.transpose(basis_lin_self_wt, (2, 0, 1))
    bmb = jnp.transpose(basis_lin_msg_biases, (1, 0))
    bsb = jnp.transpose(basis_lin_self_biases, (1, 0))
    return _tc_combine(acc, deg, x, bmw, bmb, bsw, bsb, linear_combinations)

# --- scband reference (transcript-rebuilt; emitter-appended) ---
"""Pipeline reference for scband-hetero-gae-22574348107990 (READ-ONLY COPY).

The authoritative reference and input builder live on the scoring server;
editing this copy changes nothing except your own understanding.
"""

import jax, jax.numpy as jnp
import numpy as np

N_NODES = 10000
N_EDGES = 320000
D_IN = 128
D_OUT = 128
N_BASES = 4


def setup_inputs(seed: int = 0) -> dict:
    key = jax.random.key(seed)
    ks = jax.random.split(key, 8)
    x = jax.random.normal(ks[0], (N_NODES, D_IN), dtype=jnp.float32)
    edge_index = jax.random.randint(ks[1], (2, N_EDGES), 0, N_NODES, dtype=jnp.int64)
    scale_w = 1.0 / np.sqrt(D_IN)
    basis_lin_msg_wt = jax.random.normal(ks[2], (D_IN, D_OUT, N_BASES), dtype=jnp.float32) * scale_w
    basis_lin_msg_biases = jax.random.normal(ks[3], (D_OUT, N_BASES), dtype=jnp.float32) * 0.1
    basis_lin_self_wt = jax.random.normal(ks[4], (D_IN, D_OUT, N_BASES), dtype=jnp.float32) * scale_w
    basis_lin_self_biases = jax.random.normal(ks[5], (D_OUT, N_BASES), dtype=jnp.float32) * 0.1
    linear_combinations = jax.random.normal(ks[6], (1, N_BASES), dtype=jnp.float32)
    return {
        "x": x,
        "edge_index": edge_index,
        "basis_lin_msg_wt": basis_lin_msg_wt,
        "basis_lin_msg_biases": basis_lin_msg_biases,
        "basis_lin_self_wt": basis_lin_self_wt,
        "basis_lin_self_biases": basis_lin_self_biases,
        "linear_combinations": linear_combinations,
    }


def reference(x, edge_index, basis_lin_msg_wt, basis_lin_msg_biases,
              basis_lin_self_wt, basis_lin_self_biases, linear_combinations):
    # basis decomposition: W = sum_b coeff_b * basis_b
    coeff = linear_combinations[0]  # [B]
    # torch.matmul(basis[in,out,B], lc.t()[B,1]).squeeze() -> [in,out]
    lin_msg_wt = jnp.einsum('iob,b->io', basis_lin_msg_wt, coeff)
    lin_msg_biases = basis_lin_msg_biases @ coeff  # [out]
    lin_self_wt = jnp.einsum('iob,b->io', basis_lin_self_wt, coeff)
    lin_self_biases = basis_lin_self_biases @ coeff

    src = edge_index[0]
    dst = edge_index[1]

    # message: customlinear(x_j, W, b) = F.linear(x_j, W.t(), b) = x_j @ W + b
    x_j = jnp.take(x, src, axis=0)  # gather [E, in]
    msg = x_j @ lin_msg_wt + lin_msg_biases  # [E, out]

    # aggr='sum': scatter-add messages to dst nodes
    agg = jax.ops.segment_sum(msg, dst, num_segments=x.shape[0])  # [N, out]

    # skip_linear self-loop transform
    x_self = x @ lin_self_wt + lin_self_biases  # [N, out]
    out = agg + x_self

    # F.normalize(out, p=2, dim=-1), eps=1e-12
    norm = jnp.linalg.norm(out, axis=-1, keepdims=True)
    out = out / jnp.maximum(norm, 1e-12)
    return out

if __name__ == "__main__":
    import jax
    _d = setup_inputs()
    print(jax.jit(kernel)(*tuple(_d.values())))

</pallas_src>

<mosaic_0001>
#map = affine_map<(d0, d1) -> (0, 0)>
#map1 = affine_map<(d0, d1) -> (0, 0, 0)>
module attributes {stable_mosaic.version = 14 : i64} {
  func.func @_sc_body(%arg0: i32, %arg1: i32, %arg2: memref<10000x64xf32, #tpu.memory_space<hbm>>, %arg3: memref<10000x64xf32, #tpu.memory_space<hbm>>, %arg4: memref<16x250x80xi32, #tpu.memory_space<hbm>>, %arg5: memref<16x250x80xi32, #tpu.memory_space<hbm>>, %arg6: memref<80x64xf32, #tpu.memory_space<hbm>>, %arg7: memref<80x16xf32, #tpu.memory_space<hbm>>, %arg8: memref<80x16xf32, #tpu.memory_space<hbm>>, %arg9: memref<2x10240x64xf32, #tpu.memory_space<hbm>>, %arg10: memref<2x10240x16xf32, #tpu.memory_space<hbm>>, %arg11: memref<10240x64xf32, #tpu.memory_space<vmem_shared>>, %arg12: memref<10240x16xf32, #tpu.memory_space<vmem_shared>>, %arg13: memref<250x80xi32, #tpu.memory_space<vmem>>, %arg14: memref<250x80xi32, #tpu.memory_space<vmem>>, %arg15: memref<80x64xf32, #tpu.memory_space<vmem>>, %arg16: memref<80x64xf32, #tpu.memory_space<vmem>>, %arg17: memref<80x64xf32, #tpu.memory_space<vmem>>, %arg18: memref<80x64xf32, #tpu.memory_space<vmem>>, %arg19: memref<80x64xf32, #tpu.memory_space<vmem>>, %arg20: memref<80x16xf32, #tpu.memory_space<vmem>>, %arg21: memref<!tpu.dma_semaphore, #tpu.memory_space<semaphore_mem>>, %arg22: memref<!tpu.dma_semaphore, #tpu.memory_space<semaphore_mem>>, %arg23: memref<!tpu.dma_semaphore, #tpu.memory_space<semaphore_mem>>, %arg24: memref<!tpu.dma_semaphore, #tpu.memory_space<semaphore_mem>>, %arg25: memref<!tpu.dma_semaphore, #tpu.memory_space<semaphore_mem>>, %arg26: memref<!tpu.dma_semaphore, #tpu.memory_space<semaphore_mem>>, %arg27: memref<!tpu.dma_semaphore, #tpu.memory_space<semaphore_mem>>, %arg28: memref<!tpu.dma_semaphore, #tpu.memory_space<semaphore_mem>>, %arg29: memref<!tpu.dma_semaphore, #tpu.memory_space<semaphore_mem>>, %arg30: memref<!tpu.dma_semaphore, #tpu.memory_space<semaphore_mem>>, %arg31: memref<!tpu.dma_semaphore, #tpu.memory_space<semaphore_mem>>) attributes {dimension_semantics = [#tpu.dimension_semantics<core_parallel>, #tpu.dimension_semantics<subcore_parallel>], iteration_bounds = array<i64: 2, 16>, scalar_prefetch = 0 : i64, scratch_operands = 21 : i64, tpu.core_type = #tpu.core_type<sc_vector_subcore>, window_params = [{transform_indices = #map}, {transform_indices = #map}, {transform_indices = #map1}, {transform_indices = #map1}, {transform_indices = #map}, {transform_indices = #map}, {transform_indices = #map}, {transform_indices = #map1}, {transform_indices = #map1}]} {
    %mul3A = arith.constant 640 : i32
    %mul3A_0 = arith.muli %arg1, %mul3A : i32
    %eq3A = arith.constant 0 : i32
    %eq3A_1 = arith.cmpi eq, %arg0, %eq3A : i32
    %dma_start3A = arith.constant 0 : i32
    %dma_start3A_2 = arith.constant 0 : i32
    %dma_start3A_3 = tpu.memref_slice %arg4[%arg1, %dma_start3A, %dma_start3A_2] : memref<16x250x80xi32, #tpu.memory_space<hbm>> -> memref<1x250x80xi32, #tpu.memory_space<hbm>>
    %dma_start3A_4 = tpu.memref_squeeze %dma_start3A_3 : memref<1x250x80xi32, #tpu.memory_space<hbm>> -> memref<250x80xi32, #tpu.memory_space<hbm>>
    %dma_start3A_5 = arith.constant 0 : i32
    %dma_start3A_6 = arith.constant 0 : i32
    %dma_start3A_7 = tpu.memref_slice %arg4[%arg1, %dma_start3A_5, %dma_start3A_6] : memref<16x250x80xi32, #tpu.memory_space<hbm>> -> memref<1x250x80xi32, #tpu.memory_space<hbm>>
    %dma_start3A_8 = tpu.memref_squeeze %dma_start3A_7 : memref<1x250x80xi32, #tpu.memory_space<hbm>> -> memref<250x80xi32, #tpu.memory_space<hbm>>
    tpu.enqueue_dma source(%dma_start3A_8 : memref<250x80xi32, #tpu.memory_space<hbm>>) target(%arg13 : memref<250x80xi32, #tpu.memory_space<vmem>>) target_semaphore(%arg29 : memref<!tpu.dma_semaphore, #tpu.memory_space<semaphore_mem>>)
    %dma_start3A_9 = arith.constant 0 : i32
    %dma_start3A_10 = arith.constant 0 : i32
    %dma_start3A_11 = tpu.memref_slice %arg5[%arg1, %dma_start3A_9, %dma_start3A_10] : memref<16x250x80xi32, #tpu.memory_space<hbm>> -> memref<1x250x80xi32, #tpu.memory_space<hbm>>
    %dma_start3A_12 = tpu.memref_squeeze %dma_start3A_11 : memref<1x250x80xi32, #tpu.memory_space<hbm>> -> memref<250x80xi32, #tpu.memory_space<hbm>>
    %dma_start3A_13 = arith.constant 0 : i32
    %dma_start3A_14 = arith.constant 0 : i32
    %dma_start3A_15 = tpu.memref_slice %arg5[%arg1, %dma_start3A_13, %dma_start3A_14] : memref<16x250x80xi32, #tpu.memory_space<hbm>> -> memref<1x250x80xi32, #tpu.memory_space<hbm>>
    %dma_start3A_16 = tpu.memref_squeeze %dma_start3A_15 : memref<1x250x80xi32, #tpu.memory_space<hbm>> -> memref<250x80xi32, #tpu.memory_space<hbm>>
    tpu.enqueue_dma source(%dma_start3A_16 : memref<250x80xi32, #tpu.memory_space<hbm>>) target(%arg14 : memref<250x80xi32, #tpu.memory_space<vmem>>) target_semaphore(%arg30 : memref<!tpu.dma_semaphore, #tpu.memory_space<semaphore_mem>>)
    "tpu.region"() ({
      %run_scoped3A = tpu.sem_alloc : memref<!tpu.dma_semaphore, #tpu.memory_space<semaphore_mem>>
      tpu.enqueue_dma source(%arg6 : memref<80x64xf32, #tpu.memory_space<hbm>>) target(%arg15 : memref<80x64xf32, #tpu.memory_space<vmem>>) target_semaphore(%run_scoped3A : memref<!tpu.dma_semaphore, #tpu.memory_space<semaphore_mem>>)
      tpu.wait_dma2 semaphore(%run_scoped3A : memref<!tpu.dma_semaphore, #tpu.memory_space<semaphore_mem>>) src(%arg6 : memref<80x64xf32, #tpu.memory_space<hbm>>) dst(%arg15 : memref<80x64xf32, #tpu.memory_space<vmem>>)
      tpu.yield
    }) : () -> ()
    %add3A = arith.constant 0 : i32
    %add3A_17 = arith.addi %mul3A_0, %add3A : i32
    %dma_start3A_18 = arith.constant 0 : i32
    %dma_start3A_19 = tpu.memref_slice %arg11[%add3A_17, %dma_start3A_18] : memref<10240x64xf32, #tpu.memory_space<vmem_shared>> -> memref<80x64xf32, #tpu.memory_space<vmem_shared>>
    %dma_start3A_20 = arith.constant 0 : i32
    %dma_start3A_21 = tpu.memref_slice %arg11[%add3A_17, %dma_start3A_20] : memref<10240x64xf32, #tpu.memory_space<vmem_shared>> -> memref<80x64xf32, #tpu.memory_space<vmem_shared>>
    tpu.enqueue_dma source(%arg15 : memref<80x64xf32, #tpu.memory_space<vmem>>) target(%dma_start3A_21 : memref<80x64xf32, #tpu.memory_space<vmem_shared>>) target_semaphore(%arg21 : memref<!tpu.dma_semaphore, #tpu.memory_space<semaphore_mem>>)
    %add3A_22 = arith.constant 80 : i32
    %add3A_23 = arith.addi %mul3A_0, %add3A_22 : i32
    %dma_start3A_24 = arith.constant 0 : i32
    %dma_start3A_25 = tpu.memref_slice %arg11[%add3A_23, %dma_start3A_24] : memref<10240x64xf32, #tpu.memory_space<vmem_shared>> -> memref<80x64xf32, #tpu.memory_space<vmem_shared>>
    %dma_start3A_26 = arith.constant 0 : i32
    %dma_start3A_27 = tpu.memref_slice %arg11[%add3A_23, %dma_start3A_26] : memref<10240x64xf32, #tpu.memory_space<vmem_shared>> -> memref<80x64xf32, #tpu.memory_space<vmem_shared>>
    tpu.enqueue_dma source(%arg15 : memref<80x64xf32, #tpu.memory_space<vmem>>) target(%dma_start3A_27 : memref<80x64xf32, #tpu.memory_space<vmem_shared>>) target_semaphore(%arg22 : memref<!tpu.dma_semaphore, #tpu.memory_space<semaphore_mem>>)
    %add3A_28 = arith.constant 160 : i32
    %add3A_29 = arith.addi %mul3A_0, %add3A_28 : i32
    %dma_start3A_30 = arith.constant 0 : i32
    %dma_start3A_31 = tpu.memref_slice %arg11[%add3A_29, %dma_start3A_30] : memref<10240x64xf32, #tpu.memory_space<vmem_shared>> -> memref<80x64xf32, #tpu.memory_space<vmem_shared>>
    %dma_start3A_32 = arith.constant 0 : i32
    %dma_start3A_33 = tpu.memref_slice %arg11[%add3A_29, %dma_start3A_32] : memref<10240x64xf32, #tpu.memory_space<vmem_shared>> -> memref<80x64xf32, #tpu.memory_space<vmem_shared>>
    tpu.enqueue_dma source(%arg15 : memref<80x64xf32, #tpu.memory_space<vmem>>) target(%dma_start3A_33 : memref<80x64xf32, #tpu.memory_space<vmem_shared>>) target_semaphore(%arg23 : memref<!tpu.dma_semaphore, #tpu.memory_space<semaphore_mem>>)
    %add3A_34 = arith.constant 240 : i32
    %add3A_35 = arith.addi %mul3A_0, %add3A_34 : i32
    %dma_start3A_36 = arith.constant 0 : i32
    %dma_start3A_37 = tpu.memref_slice %arg11[%add3A_35, %dma_start3A_36] : memref<10240x64xf32, #tpu.memory_space<vmem_shared>> -> memref<80x64xf32, #tpu.memory_space<vmem_shared>>
    %dma_start3A_38 = arith.constant 0 : i32
    %dma_start3A_39 = tpu.memref_slice %arg11[%add3A_35, %dma_start3A_38] : memref<10240x64xf32, #tpu.memory_space<vmem_shared>> -> memref<80x64xf32, #tpu.memory_space<vmem_shared>>
    tpu.enqueue_dma source(%arg15 : memref<80x64xf32, #tpu.memory_space<vmem>>) target(%dma_start3A_39 : memref<80x64xf32, #tpu.memory_space<vmem_shared>>) target_semaphore(%arg21 : memref<!tpu.dma_semaphore, #tpu.memory_space<semaphore_mem>>)
    %add3A_40 = arith.constant 320 : i32
    %add3A_41 = arith.addi %mul3A_0, %add3A_40 : i32
    %dma_start3A_42 = arith.constant 0 : i32
    %dma_start3A_43 = tpu.memref_slice %arg11[%add3A_41, %dma_start3A_42] : memref<10240x64xf32, #tpu.memory_space<vmem_shared>> -> memref<80x64xf32, #tpu.memory_space<vmem_shared>>
    %dma_start3A_44 = arith.constant 0 : i32
    %dma_start3A_45 = tpu.memref_slice %arg11[%add3A_41, %dma_start3A_44] : memref<10240x64xf32, #tpu.memory_space<vmem_shared>> -> memref<80x64xf32, #tpu.memory_space<vmem_shared>>
    tpu.enqueue_dma source(%arg15 : memref<80x64xf32, #tpu.memory_space<vmem>>) target(%dma_start3A_45 : memref<80x64xf32, #tpu.memory_space<vmem_shared>>) target_semaphore(%arg22 : memref<!tpu.dma_semaphore, #tpu.memory_space<semaphore_mem>>)
    %add3A_46 = arith.constant 400 : i32
    %add3A_47 = arith.addi %mul3A_0, %add3A_46 : i32
    %dma_start3A_48 = arith.constant 0 : i32
    %dma_start3A_49 = tpu.memref_slice %arg11[%add3A_47, %dma_start3A_48] : memref<10240x64xf32, #tpu.memory_space<vmem_shared>> -> memref<80x64xf32, #tpu.memory_space<vmem_shared>>
    %dma_start3A_50 = arith.constant 0 : i32
    %dma_start3A_51 = tpu.memref_slice %arg11[%add3A_47, %dma_start3A_50] : memref<10240x64xf32, #tpu.memory_space<vmem_shared>> -> memref<80x64xf32, #tpu.memory_space<vmem_shared>>
    tpu.enqueue_dma source(%arg15 : memref<80x64xf32, #tpu.memory_space<vmem>>) target(%dma_start3A_51 : memref<80x64xf32, #tpu.memory_space<vmem_shared>>) target_semaphore(%arg23 : memref<!tpu.dma_semaphore, #tpu.memory_space<semaphore_mem>>)
    %add3A_52 = arith.constant 480 : i32
    %add3A_53 = arith.addi %mul3A_0, %add3A_52 : i32
    %dma_start3A_54 = arith.constant 0 : i32
    %dma_start3A_55 = tpu.memref_slice %arg11[%add3A_53, %dma_start3A_54] : memref<10240x64xf32, #tpu.memory_space<vmem_shared>> -> memref<80x64xf32, #tpu.memory_space<vmem_shared>>
    %dma_start3A_56 = arith.constant 0 : i32
    %dma_start3A_57 = tpu.memref_slice %arg11[%add3A_53, %dma_start3A_56] : memref<10240x64xf32, #tpu.memory_space<vmem_shared>> -> memref<80x64xf32, #tpu.memory_space<vmem_shared>>
    tpu.enqueue_dma source(%arg15 : memref<80x64xf32, #tpu.memory_space<vmem>>) target(%dma_start3A_57 : memref<80x64xf32, #tpu.memory_space<vmem_shared>>) target_semaphore(%arg21 : memref<!tpu.dma_semaphore, #tpu.memory_space<semaphore_mem>>)
    %add3A_58 = arith.constant 560 : i32
    %add3A_59 = arith.addi %mul3A_0, %add3A_58 : i32
    %dma_start3A_60 = arith.constant 0 : i32
    %dma_start3A_61 = tpu.memref_slice %arg11[%add3A_59, %dma_start3A_60] : memref<10240x64xf32, #tpu.memory_space<vmem_shared>> -> memref<80x64xf32, #tpu.memory_space<vmem_shared>>
    %dma_start3A_62 = arith.constant 0 : i32
    %dma_start3A_63 = tpu.memref_slice %arg11[%add3A_59, %dma_start3A_62] : memref<10240x64xf32, #tpu.memory_space<vmem_shared>> -> memref<80x64xf32, #tpu.memory_space<vmem_shared>>
    tpu.enqueue_dma source(%arg15 : memref<80x64xf32, #tpu.memory_space<vmem>>) target(%dma_start3A_63 : memref<80x64xf32, #tpu.memory_space<vmem_shared>>) target_semaphore(%arg22 : memref<!tpu.dma_semaphore, #tpu.memory_space<semaphore_mem>>)
    "tpu.region"() ({
      %run_scoped3A = tpu.sem_alloc : memref<!tpu.dma_semaphore, #tpu.memory_space<semaphore_mem>>
      tpu.enqueue_dma source(%arg7 : memref<80x16xf32, #tpu.memory_space<hbm>>) target(%arg20 : memref<80x16xf32, #tpu.memory_space<vmem>>) target_semaphore(%run_scoped3A : memref<!tpu.dma_semaphore, #tpu.memory_space<semaphore_mem>>)
      tpu.wait_dma2 semaphore(%run_scoped3A : memref<!tpu.dma_semaphore, #tpu.memory_space<semaphore_mem>>) src(%arg7 : memref<80x16xf32, #tpu.memory_space<hbm>>) dst(%arg20 : memref<80x16xf32, #tpu.memory_space<vmem>>)
      tpu.yield
    }) : () -> ()
    %add3A_64 = arith.constant 0 : i32
    %add3A_65 = arith.addi %mul3A_0, %add3A_64 : i32
    %dma_start3A_66 = arith.constant 0 : i32
    %dma_start3A_67 = tpu.memref_slice %arg12[%add3A_65, %dma_start3A_66] : memref<10240x16xf32, #tpu.memory_space<vmem_shared>> -> memref<80x16xf32, #tpu.memory_space<vmem_shared>>
    %dma_start3A_68 = arith.constant 0 : i32
    %dma_start3A_69 = tpu.memref_slice %arg12[%add3A_65, %dma_start3A_68] : memref<10240x16xf32, #tpu.memory_space<vmem_shared>> -> memref<80x16xf32, #tpu.memory_space<vmem_shared>>
    tpu.enqueue_dma source(%arg20 : memref<80x16xf32, #tpu.memory_space<vmem>>) target(%dma_start3A_69 : memref<80x16xf32, #tpu.memory_space<vmem_shared>>) target_semaphore(%arg31 : memref<!tpu.dma_semaphore, #tpu.memory_space<semaphore_mem>>)
    %add3A_70 = arith.constant 80 : i32
    %add3A_71 = arith.addi %mul3A_0, %add3A_70 : i32
    %dma_start3A_72 = arith.constant 0 : i32
    %dma_start3A_73 = tpu.memref_slice %arg12[%add3A_71, %dma_start3A_72] : memref<10240x16xf32, #tpu.memory_space<vmem_shared>> -> memref<80x16xf32, #tpu.memory_space<vmem_shared>>
    %dma_start3A_74 = arith.constant 0 : i32
    %dma_start3A_75 = tpu.memref_slice %arg12[%add3A_71, %dma_start3A_74] : memref<10240x16xf32, #tpu.memory_space<vmem_shared>> -> memref<80x16xf32, #tpu.memory_space<vmem_shared>>
    tpu.enqueue_dma source(%arg20 : memref<80x16xf32, #tpu.memory_space<vmem>>) target(%dma_start3A_75 : memref<80x16xf32, #tpu.memory_space<vmem_shared>>) target_semaphore(%arg31 : memref<!tpu.dma_semaphore, #tpu.memory_space<semaphore_mem>>)
    %add3A_76 = arith.constant 160 : i32
    %add3A_77 = arith.addi %mul3A_0, %add3A_76 : i32
    %dma_start3A_78 = arith.constant 0 : i32
    %dma_start3A_79 = tpu.memref_slice %arg12[%add3A_77, %dma_start3A_78] : memref<10240x16xf32, #tpu.memory_space<vmem_shared>> -> memref<80x16xf32, #tpu.memory_space<vmem_shared>>
    %dma_start3A_80 = arith.constant 0 : i32
    %dma_start3A_81 = tpu.memref_slice %arg12[%add3A_77, %dma_start3A_80] : memref<10240x16xf32, #tpu.memory_space<vmem_shared>> -> memref<80x16xf32, #tpu.memory_space<vmem_shared>>
    tpu.enqueue_dma source(%arg20 : memref<80x16xf32, #tpu.memory_space<vmem>>) target(%dma_start3A_81 : memref<80x16xf32, #tpu.memory_space<vmem_shared>>) target_semaphore(%arg31 : memref<!tpu.dma_semaphore, #tpu.memory_space<semaphore_mem>>)
    %add3A_82 = arith.constant 240 : i32
    %add3A_83 = arith.addi %mul3A_0, %add3A_82 : i32
    %dma_start3A_84 = arith.constant 0 : i32
    %dma_start3A_85 = tpu.memref_slice %arg12[%add3A_83, %dma_start3A_84] : memref<10240x16xf32, #tpu.memory_space<vmem_shared>> -> memref<80x16xf32, #tpu.memory_space<vmem_shared>>
    %dma_start3A_86 = arith.constant 0 : i32
    %dma_start3A_87 = tpu.memref_slice %arg12[%add3A_83, %dma_start3A_86] : memref<10240x16xf32, #tpu.memory_space<vmem_shared>> -> memref<80x16xf32, #tpu.memory_space<vmem_shared>>
    tpu.enqueue_dma source(%arg20 : memref<80x16xf32, #tpu.memory_space<vmem>>) target(%dma_start3A_87 : memref<80x16xf32, #tpu.memory_space<vmem_shared>>) target_semaphore(%arg31 : memref<!tpu.dma_semaphore, #tpu.memory_space<semaphore_mem>>)
    %add3A_88 = arith.constant 320 : i32
    %add3A_89 = arith.addi %mul3A_0, %add3A_88 : i32
    %dma_start3A_90 = arith.constant 0 : i32
    %dma_start3A_91 = tpu.memref_slice %arg12[%add3A_89, %dma_start3A_90] : memref<10240x16xf32, #tpu.memory_space<vmem_shared>> -> memref<80x16xf32, #tpu.memory_space<vmem_shared>>
    %dma_start3A_92 = arith.constant 0 : i32
    %dma_start3A_93 = tpu.memref_slice %arg12[%add3A_89, %dma_start3A_92] : memref<10240x16xf32, #tpu.memory_space<vmem_shared>> -> memref<80x16xf32, #tpu.memory_space<vmem_shared>>
    tpu.enqueue_dma source(%arg20 : memref<80x16xf32, #tpu.memory_space<vmem>>) target(%dma_start3A_93 : memref<80x16xf32, #tpu.memory_space<vmem_shared>>) target_semaphore(%arg31 : memref<!tpu.dma_semaphore, #tpu.memory_space<semaphore_mem>>)
    %add3A_94 = arith.constant 400 : i32
    %add3A_95 = arith.addi %mul3A_0, %add3A_94 : i32
    %dma_start3A_96 = arith.constant 0 : i32
    %dma_start3A_97 = tpu.memref_slice %arg12[%add3A_95, %dma_start3A_96] : memref<10240x16xf32, #tpu.memory_space<vmem_shared>> -> memref<80x16xf32, #tpu.memory_space<vmem_shared>>
    %dma_start3A_98 = arith.constant 0 : i32
    %dma_start3A_99 = tpu.memref_slice %arg12[%add3A_95, %dma_start3A_98] : memref<10240x16xf32, #tpu.memory_space<vmem_shared>> -> memref<80x16xf32, #tpu.memory_space<vmem_shared>>
    tpu.enqueue_dma source(%arg20 : memref<80x16xf32, #tpu.memory_space<vmem>>) target(%dma_start3A_99 : memref<80x16xf32, #tpu.memory_space<vmem_shared>>) target_semaphore(%arg31 : memref<!tpu.dma_semaphore, #tpu.memory_space<semaphore_mem>>)
    %add3A_100 = arith.constant 480 : i32
    %add3A_101 = arith.addi %mul3A_0, %add3A_100 : i32
    %dma_start3A_102 = arith.constant 0 : i32
    %dma_start3A_103 = tpu.memref_slice %arg12[%add3A_101, %dma_start3A_102] : memref<10240x16xf32, #tpu.memory_space<vmem_shared>> -> memref<80x16xf32, #tpu.memory_space<vmem_shared>>
    %dma_start3A_104 = arith.constant 0 : i32
    %dma_start3A_105 = tpu.memref_slice %arg12[%add3A_101, %dma_start3A_104] : memref<10240x16xf32, #tpu.memory_space<vmem_shared>> -> memref<80x16xf32, #tpu.memory_space<vmem_shared>>
    tpu.enqueue_dma source(%arg20 : memref<80x16xf32, #tpu.memory_space<vmem>>) target(%dma_start3A_105 : memref<80x16xf32, #tpu.memory_space<vmem_shared>>) target_semaphore(%arg31 : memref<!tpu.dma_semaphore, #tpu.memory_space<semaphore_mem>>)
    %add3A_106 = arith.constant 560 : i32
    %add3A_107 = arith.addi %mul3A_0, %add3A_106 : i32
    %dma_start3A_108 = arith.constant 0 : i32
    %dma_start3A_109 = tpu.memref_slice %arg12[%add3A_107, %dma_start3A_108] : memref<10240x16xf32, #tpu.memory_space<vmem_shared>> -> memref<80x16xf32, #tpu.memory_space<vmem_shared>>
    %dma_start3A_110 = arith.constant 0 : i32
    %dma_start3A_111 = tpu.memref_slice %arg12[%add3A_107, %dma_start3A_110] : memref<10240x16xf32, #tpu.memory_space<vmem_shared>> -> memref<80x16xf32, #tpu.memory_space<vmem_shared>>
    tpu.enqueue_dma source(%arg20 : memref<80x16xf32, #tpu.memory_space<vmem>>) target(%dma_start3A_111 : memref<80x16xf32, #tpu.memory_space<vmem_shared>>) target_semaphore(%arg31 : memref<!tpu.dma_semaphore, #tpu.memory_space<semaphore_mem>>)
    %add3A_112 = arith.constant 0 : i32
    %add3A_113 = arith.addi %mul3A_0, %add3A_112 : i32
    %dma_wait3A = arith.constant 0 : i32
    %dma_wait3A_114 = tpu.memref_slice %arg11[%add3A_113, %dma_wait3A] : memref<10240x64xf32, #tpu.memory_space<vmem_shared>> -> memref<80x64xf32, #tpu.memory_space<vmem_shared>>
    %dma_wait3A_115 = arith.constant 0 : i32
    %dma_wait3A_116 = tpu.memref_slice %arg11[%add3A_113, %dma_wait3A_115] : memref<10240x64xf32, #tpu.memory_space<vmem_shared>> -> memref<80x64xf32, #tpu.memory_space<vmem_shared>>
    tpu.wait_dma2 semaphore(%arg21 : memref<!tpu.dma_semaphore, #tpu.memory_space<semaphore_mem>>) src(%arg15 : memref<80x64xf32, #tpu.memory_space<vmem>>) dst(%dma_wait3A_116 : memref<80x64xf32, #tpu.memory_space<vmem_shared>>)
    %add3A_117 = arith.constant 0 : i32
    %add3A_118 = arith.addi %mul3A_0, %add3A_117 : i32
    %dma_wait3A_119 = arith.constant 0 : i32
    %dma_wait3A_120 = tpu.memref_slice %arg12[%add3A_118, %dma_wait3A_119] : memref<10240x16xf32, #tpu.memory_space<vmem_shared>> -> memref<80x16xf32, #tpu.memory_space<vmem_shared>>
    %dma_wait3A_121 = arith.constant 0 : i32
    %dma_wait3A_122 = tpu.memref_slice %arg12[%add3A_118, %dma_wait3A_121] : memref<10240x16xf32, #tpu.memory_space<vmem_shared>> -> memref<80x16xf32, #tpu.memory_space<vmem_shared>>
    tpu.wait_dma2 semaphore(%arg31 : memref<!tpu.dma_semaphore, #tpu.memory_space<semaphore_mem>>) src(%arg20 : memref<80x16xf32, #tpu.memory_space<vmem>>) dst(%dma_wait3A_122 : memref<80x16xf32, #tpu.memory_space<vmem_shared>>)
    %add3A_123 = arith.constant 80 : i32
    %add3A_124 = arith.addi %mul3A_0, %add3A_123 : i32
    %dma_wait3A_125 = arith.constant 0 : i32
    %dma_wait3A_126 = tpu.memref_slice %arg11[%add3A_124, %dma_wait3A_125] : memref<10240x64xf32, #tpu.memory_space<vmem_shared>> -> memref<80x64xf32, #tpu.memory_space<vmem_shared>>
    %dma_wait3A_127 = arith.constant 0 : i32
    %dma_wait3A_128 = tpu.memref_slice %arg11[%add3A_124, %dma_wait3A_127] : memref<10240x64xf32, #tpu.memory_space<vmem_shared>> -> memref<80x64xf32, #tpu.memory_space<vmem_shared>>
    tpu.wait_dma2 semaphore(%arg22 : memref<!tpu.dma_semaphore, #tpu.memory_space<semaphore_mem>>) src(%arg15 : memref<80x64xf32, #tpu.memory_space<vmem>>) dst(%dma_wait3A_128 : memref<80x64xf32, #tpu.memory_space<vmem_shared>>)
    %add3A_129 = arith.constant 80 : i32
    %add3A_130 = arith.addi %mul3A_0, %add3A_129 : i32
    %dma_wait3A_131 = arith.constant 0 : i32
    %dma_wait3A_132 = tpu.memref_slice %arg12[%add3A_130, %dma_wait3A_131] : memref<10240x16xf32, #tpu.memory_space<vmem_shared>> -> memref<80x16xf32, #tpu.memory_space<vmem_shared>>
    %dma_wait3A_133 = arith.constant 0 : i32
    %dma_wait3A_134 = tpu.memref_slice %arg12[%add3A_130, %dma_wait3A_133] : memref<10240x16xf32, #tpu.memory_space<vmem_shared>> -> memref<80x16xf32, #tpu.memory_space<vmem_shared>>
    tpu.wait_dma2 semaphore(%arg31 : memref<!tpu.dma_semaphore, #tpu.memory_space<semaphore_mem>>) src(%arg20 : memref<80x16xf32, #tpu.memory_space<vmem>>) dst(%dma_wait3A_134 : memref<80x16xf32, #tpu.memory_space<vmem_shared>>)
    %add3A_135 = arith.constant 160 : i32
    %add3A_136 = arith.addi %mul3A_0, %add3A_135 : i32
    %dma_wait3A_137 = arith.constant 0 : i32
    %dma_wait3A_138 = tpu.memref_slice %arg11[%add3A_136, %dma_wait3A_137] : memref<10240x64xf32, #tpu.memory_space<vmem_shared>> -> memref<80x64xf32, #tpu.memory_space<vmem_shared>>
    %dma_wait3A_139 = arith.constant 0 : i32
    %dma_wait3A_140 = tpu.memref_slice %arg11[%add3A_136, %dma_wait3A_139] : memref<10240x64xf32, #tpu.memory_space<vmem_shared>> -> memref<80x64xf32, #tpu.memory_space<vmem_shared>>
    tpu.wait_dma2 semaphore(%arg23 : memref<!tpu.dma_semaphore, #tpu.memory_space<semaphore_mem>>) src(%arg15 : memref<80x64xf32, #tpu.memory_space<vmem>>) dst(%dma_wait3A_140 : memref<80x64xf32, #tpu.memory_space<vmem_shared>>)
    %add3A_141 = arith.constant 160 : i32
    %add3A_142 = arith.addi %mul3A_0, %add3A_141 : i32
    %dma_wait3A_143 = arith.constant 0 : i32
    %dma_wait3A_144 = tpu.memref_slice %arg12[%add3A_142, %dma_wait3A_143] : memref<10240x16xf32, #tpu.memory_space<vmem_shared>> -> memref<80x16xf32, #tpu.memory_space<vmem_shared>>
    %dma_wait3A_145 = arith.constant 0 : i32
    %dma_wait3A_146 = tpu.memref_slice %arg12[%add3A_142, %dma_wait3A_145] : memref<10240x16xf32, #tpu.memory_space<vmem_shared>> -> memref<80x16xf32, #tpu.memory_space<vmem_shared>>
    tpu.wait_dma2 semaphore(%arg31 : memref<!tpu.dma_semaphore, #tpu.memory_space<semaphore_mem>>) src(%arg20 : memref<80x16xf32, #tpu.memory_space<vmem>>) dst(%dma_wait3A_146 : memref<80x16xf32, #tpu.memory_space<vmem_shared>>)
    %add3A_147 = arith.constant 240 : i32
    %add3A_148 = arith.addi %mul3A_0, %add3A_147 : i32
    %dma_wait3A_149 = arith.constant 0 : i32
    %dma_wait3A_150 = tpu.memref_slice %arg11[%add3A_148, %dma_wait3A_149] : memref<10240x64xf32, #tpu.memory_space<vmem_shared>> -> memref<80x64xf32, #tpu.memory_space<vmem_shared>>
    %dma_wait3A_151 = arith.constant 0 : i32
    %dma_wait3A_152 = tpu.memref_slice %arg11[%add3A_148, %dma_wait3A_151] : memref<10240x64xf32, #tpu.memory_space<vmem_shared>> -> memref<80x64xf32, #tpu.memory_space<vmem_shared>>
    tpu.wait_dma2 semaphore(%arg21 : memref<!tpu.dma_semaphore, #tpu.memory_space<semaphore_mem>>) src(%arg15 : memref<80x64xf32, #tpu.memory_space<vmem>>) dst(%dma_wait3A_152 : memref<80x64xf32, #tpu.memory_space<vmem_shared>>)
    %add3A_153 = arith.constant 240 : i32
    %add3A_154 = arith.addi %mul3A_0, %add3A_153 : i32
    %dma_wait3A_155 = arith.constant 0 : i32
    %dma_wait3A_156 = tpu.memref_slice %arg12[%add3A_154, %dma_wait3A_155] : memref<10240x16xf32, #tpu.memory_space<vmem_shared>> -> memref<80x16xf32, #tpu.memory_space<vmem_shared>>
    %dma_wait3A_157 = arith.constant 0 : i32
    %dma_wait3A_158 = tpu.memref_slice %arg12[%add3A_154, %dma_wait3A_157] : memref<10240x16xf32, #tpu.memory_space<vmem_shared>> -> memref<80x16xf32, #tpu.memory_space<vmem_shared>>
    tpu.wait_dma2 semaphore(%arg31 : memref<!tpu.dma_semaphore, #tpu.memory_space<semaphore_mem>>) src(%arg20 : memref<80x16xf32, #tpu.memory_space<vmem>>) dst(%dma_wait3A_158 : memref<80x16xf32, #tpu.memory_space<vmem_shared>>)
    %add3A_159 = arith.constant 320 : i32
    %add3A_160 = arith.addi %mul3A_0, %add3A_159 : i32
    %dma_wait3A_161 = arith.constant 0 : i32
    %dma_wait3A_162 = tpu.memref_slice %arg11[%add3A_160, %dma_wait3A_161] : memref<10240x64xf32, #tpu.memory_space<vmem_shared>> -> memref<80x64xf32, #tpu.memory_space<vmem_shared>>
    %dma_wait3A_163 = arith.constant 0 : i32
    %dma_wait3A_164 = tpu.memref_slice %arg11[%add3A_160, %dma_wait3A_163] : memref<10240x64xf32, #tpu.memory_space<vmem_shared>> -> memref<80x64xf32, #tpu.memory_space<vmem_shared>>
    tpu.wait_dma2 semaphore(%arg22 : memref<!tpu.dma_semaphore, #tpu.memory_space<semaphore_mem>>) src(%arg15 : memref<80x64xf32, #tpu.memory_space<vmem>>) dst(%dma_wait3A_164 : memref<80x64xf32, #tpu.memory_space<vmem_shared>>)
    %add3A_165 = arith.constant 320 : i32
    %add3A_166 = arith.addi %mul3A_0, %add3A_165 : i32
    %dma_wait3A_167 = arith.constant 0 : i32
    %dma_wait3A_168 = tpu.memref_slice %arg12[%add3A_166, %dma_wait3A_167] : memref<10240x16xf32, #tpu.memory_space<vmem_shared>> -> memref<80x16xf32, #tpu.memory_space<vmem_shared>>
    %dma_wait3A_169 = arith.constant 0 : i32
    %dma_wait3A_170 = tpu.memref_slice %arg12[%add3A_166, %dma_wait3A_169] : memref<10240x16xf32, #tpu.memory_space<vmem_shared>> -> memref<80x16xf32, #tpu.memory_space<vmem_shared>>
    tpu.wait_dma2 semaphore(%arg31 : memref<!tpu.dma_semaphore, #tpu.memory_space<semaphore_mem>>) src(%arg20 : memref<80x16xf32, #tpu.memory_space<vmem>>) dst(%dma_wait3A_170 : memref<80x16xf32, #tpu.memory_space<vmem_shared>>)
    %add3A_171 = arith.constant 400 : i32
    %add3A_172 = arith.addi %mul3A_0, %add3A_171 : i32
    %dma_wait3A_173 = arith.constant 0 : i32
    %dma_wait3A_174 = tpu.memref_slice %arg11[%add3A_172, %dma_wait3A_173] : memref<10240x64xf32, #tpu.memory_space<vmem_shared>> -> memref<80x64xf32, #tpu.memory_space<vmem_shared>>
    %dma_wait3A_175 = arith.constant 0 : i32
    %dma_wait3A_176 = tpu.memref_slice %arg11[%add3A_172, %dma_wait3A_175] : memref<10240x64xf32, #tpu.memory_space<vmem_shared>> -> memref<80x64xf32, #tpu.memory_space<vmem_shared>>
    tpu.wait_dma2 semaphore(%arg23 : memref<!tpu.dma_semaphore, #tpu.memory_space<semaphore_mem>>) src(%arg15 : memref<80x64xf32, #tpu.memory_space<vmem>>) dst(%dma_wait3A_176 : memref<80x64xf32, #tpu.memory_space<vmem_shared>>)
    %add3A_177 = arith.constant 400 : i32
    %add3A_178 = arith.addi %mul3A_0, %add3A_177 : i32
    %dma_wait3A_179 = arith.constant 0 : i32
    %dma_wait3A_180 = tpu.memref_slice %arg12[%add3A_178, %dma_wait3A_179] : memref<10240x16xf32, #tpu.memory_space<vmem_shared>> -> memref<80x16xf32, #tpu.memory_space<vmem_shared>>
    %dma_wait3A_181 = arith.constant 0 : i32
    %dma_wait3A_182 = tpu.memref_slice %arg12[%add3A_178, %dma_wait3A_181] : memref<10240x16xf32, #tpu.memory_space<vmem_shared>> -> memref<80x16xf32, #tpu.memory_space<vmem_shared>>
    tpu.wait_dma2 semaphore(%arg31 : memref<!tpu.dma_semaphore, #tpu.memory_space<semaphore_mem>>) src(%arg20 : memref<80x16xf32, #tpu.memory_space<vmem>>) dst(%dma_wait3A_182 : memref<80x16xf32, #tpu.memory_space<vmem_shared>>)
    %add3A_183 = arith.constant 480 : i32
    %add3A_184 = arith.addi %mul3A_0, %add3A_183 : i32
    %dma_wait3A_185 = arith.constant 0 : i32
    %dma_wait3A_186 = tpu.memref_slice %arg11[%add3A_184, %dma_wait3A_185] : memref<10240x64xf32, #tpu.memory_space<vmem_shared>> -> memref<80x64xf32, #tpu.memory_space<vmem_shared>>
    %dma_wait3A_187 = arith.constant 0 : i32
    %dma_wait3A_188 = tpu.memref_slice %arg11[%add3A_184, %dma_wait3A_187] : memref<10240x64xf32, #tpu.memory_space<vmem_shared>> -> memref<80x64xf32, #tpu.memory_space<vmem_shared>>
    tpu.wait_dma2 semaphore(%arg21 : memref<!tpu.dma_semaphore, #tpu.memory_space<semaphore_mem>>) src(%arg15 : memref<80x64xf32, #tpu.memory_space<vmem>>) dst(%dma_wait3A_188 : memref<80x64xf32, #tpu.memory_space<vmem_shared>>)
    %add3A_189 = arith.constant 480 : i32
    %add3A_190 = arith.addi %mul3A_0, %add3A_189 : i32
    %dma_wait3A_191 = arith.constant 0 : i32
    %dma_wait3A_192 = tpu.memref_slice %arg12[%add3A_190, %dma_wait3A_191] : memref<10240x16xf32, #tpu.memory_space<vmem_shared>> -> memref<80x16xf32, #tpu.memory_space<vmem_shared>>
    %dma_wait3A_193 = arith.constant 0 : i32
    %dma_wait3A_194 = tpu.memref_slice %arg12[%add3A_190, %dma_wait3A_193] : memref<10240x16xf32, #tpu.memory_space<vmem_shared>> -> memref<80x16xf32, #tpu.memory_space<vmem_shared>>
    tpu.wait_dma2 semaphore(%arg31 : memref<!tpu.dma_semaphore, #tpu.memory_space<semaphore_mem>>) src(%arg20 : memref<80x16xf32, #tpu.memory_space<vmem>>) dst(%dma_wait3A_194 : memref<80x16xf32, #tpu.memory_space<vmem_shared>>)
    %add3A_195 = arith.constant 560 : i32
    %add3A_196 = arith.addi %mul3A_0, %add3A_195 : i32
    %dma_wait3A_197 = arith.constant 0 : i32
    %dma_wait3A_198 = tpu.memref_slice %arg11[%add3A_196, %dma_wait3A_197] : memref<10240x64xf32, #tpu.memory_space<vmem_shared>> -> memref<80x64xf32, #tpu.memory_space<vmem_shared>>
    %dma_wait3A_199 = arith.constant 0 : i32
    %dma_wait3A_200 = tpu.memref_slice %arg11[%add3A_196, %dma_wait3A_199] : memref<10240x64xf32, #tpu.memory_space<vmem_shared>> -> memref<80x64xf32, #tpu.memory_space<vmem_shared>>
    tpu.wait_dma2 semaphore(%arg22 : memref<!tpu.dma_semaphore, #tpu.memory_space<semaphore_mem>>) src(%arg15 : memref<80x64xf32, #tpu.memory_space<vmem>>) dst(%dma_wait3A_200 : memref<80x64xf32, #tpu.memory_space<vmem_shared>>)
    %add3A_201 = arith.constant 560 : i32
    %add3A_202 = arith.addi %mul3A_0, %add3A_201 : i32
    %dma_wait3A_203 = arith.constant 0 : i32
    %dma_wait3A_204 = tpu.memref_slice %arg12[%add3A_202, %dma_wait3A_203] : memref<10240x16xf32, #tpu.memory_space<vmem_shared>> -> memref<80x16xf32, #tpu.memory_space<vmem_shared>>
    %dma_wait3A_205 = arith.constant 0 : i32
    %dma_wait3A_206 = tpu.memref_slice %arg12[%add3A_202, %dma_wait3A_205] : memref<10240x16xf32, #tpu.memory_space<vmem_shared>> -> memref<80x16xf32, #tpu.memory_space<vmem_shared>>
    tpu.wait_dma2 semaphore(%arg31 : memref<!tpu.dma_semaphore, #tpu.memory_space<semaphore_mem>>) src(%arg20 : memref<80x16xf32, #tpu.memory_space<vmem>>) dst(%dma_wait3A_206 : memref<80x16xf32, #tpu.memory_space<vmem_shared>>)
    "tpu.region"() ({
      %run_scoped3A = tpu.sem_alloc : memref<!tpu.dma_semaphore, #tpu.memory_space<semaphore_mem>>
      tpu.enqueue_dma source(%arg8 : memref<80x16xf32, #tpu.memory_space<hbm>>) target(%arg20 : memref<80x16xf32, #tpu.memory_space<vmem>>) target_semaphore(%run_scoped3A : memref<!tpu.dma_semaphore, #tpu.memory_space<semaphore_mem>>)
      tpu.wait_dma2 semaphore(%run_scoped3A : memref<!tpu.dma_semaphore, #tpu.memory_space<semaphore_mem>>) src(%arg8 : memref<80x16xf32, #tpu.memory_space<hbm>>) dst(%arg20 : memref<80x16xf32, #tpu.memory_space<vmem>>)
      tpu.yield
    }) : () -> ()
    %dma_wait3A_207 = arith.constant 0 : i32
    %dma_wait3A_208 = arith.constant 0 : i32
    %dma_wait3A_209 = tpu.memref_slice %arg4[%arg1, %dma_wait3A_207, %dma_wait3A_208] : memref<16x250x80xi32, #tpu.memory_space<hbm>> -> memref<1x250x80xi32, #tpu.memory_space<hbm>>
    %dma_wait3A_210 = tpu.memref_squeeze %dma_wait3A_209 : memref<1x250x80xi32, #tpu.memory_space<hbm>> -> memref<250x80xi32, #tpu.memory_space<hbm>>
    %dma_wait3A_211 = arith.constant 0 : i32
    %dma_wait3A_212 = arith.constant 0 : i32
    %dma_wait3A_213 = tpu.memref_slice %arg4[%arg1, %dma_wait3A_211, %dma_wait3A_212] : memref<16x250x80xi32, #tpu.memory_space<hbm>> -> memref<1x250x80xi32, #tpu.memory_space<hbm>>
    %dma_wait3A_214 = tpu.memref_squeeze %dma_wait3A_213 : memref<1x250x80xi32, #tpu.memory_space<hbm>> -> memref<250x80xi32, #tpu.memory_space<hbm>>
    tpu.wait_dma2 semaphore(%arg29 : memref<!tpu.dma_semaphore, #tpu.memory_space<semaphore_mem>>) src(%dma_wait3A_214 : memref<250x80xi32, #tpu.memory_space<hbm>>) dst(%arg13 : memref<250x80xi32, #tpu.memory_space<vmem>>)
    %dma_wait3A_215 = arith.constant 0 : i32
    %dma_wait3A_216 = arith.constant 0 : i32
    %dma_wait3A_217 = tpu.memref_slice %arg5[%arg1, %dma_wait3A_215, %dma_wait3A_216] : memref<16x250x80xi32, #tpu.memory_space<hbm>> -> memref<1x250x80xi32, #tpu.memory_space<hbm>>
    %dma_wait3A_218 = tpu.memref_squeeze %dma_wait3A_217 : memref<1x250x80xi32, #tpu.memory_space<hbm>> -> memref<250x80xi32, #tpu.memory_space<hbm>>
    %dma_wait3A_219 = arith.constant 0 : i32
    %dma_wait3A_220 = arith.constant 0 : i32
    %dma_wait3A_221 = tpu.memref_slice %arg5[%arg1, %dma_wait3A_219, %dma_wait3A_220] : memref<16x250x80xi32, #tpu.memory_space<hbm>> -> memref<1x250x80xi32, #tpu.memory_space<hbm>>
    %dma_wait3A_222 = tpu.memref_squeeze %dma_wait3A_221 : memref<1x250x80xi32, #tpu.memory_space<hbm>> -> memref<250x80xi32, #tpu.memory_space<hbm>>
    tpu.wait_dma2 semaphore(%arg30 : memref<!tpu.dma_semaphore, #tpu.memory_space<semaphore_mem>>) src(%dma_wait3A_222 : memref<250x80xi32, #tpu.memory_space<hbm>>) dst(%arg14 : memref<250x80xi32, #tpu.memory_space<vmem>>)
    %barrier3A = arith.constant 0 : index
    tpu.barrier barrier_id(%barrier3A)
    %convert_element_type3A = arith.extui %eq3A_1 : i1 to i32
    %cond3A = arith.constant 0 : i32
    %cond3A_223 = arith.cmpi ne, %convert_element_type3A, %cond3A : i32
    scf.if %cond3A_223 {
      %dma_start3A_442 = arith.constant 0 : i32
      %dma_start3A_443 = arith.constant 0 : i32
      %dma_start3A_444 = tpu.memref_slice %arg13[%dma_start3A_442, %dma_start3A_443] : memref<250x80xi32, #tpu.memory_space<vmem>> -> memref<1x80xi32, #tpu.memory_space<vmem>>
      %dma_start3A_445 = tpu.memref_squeeze %dma_start3A_444 : memref<1x80xi32, #tpu.memory_space<vmem>> -> memref<80xi32, #tpu.memory_space<vmem>>
      %dma_start3A_446 = arith.constant 0 : i32
      %dma_start3A_447 = arith.constant 0 : i32
      %dma_start3A_448 = tpu.memref_slice %arg2[%dma_start3A_446, %dma_start3A_447] : memref<10000x64xf32, #tpu.memory_space<hbm>> -> memref<10000x64xf32, #tpu.memory_space<hbm>>
      tpu.enqueue_indirect_dma source(%dma_start3A_448 : memref<10000x64xf32, #tpu.memory_space<hbm>>) target(%arg15 : memref<80x64xf32, #tpu.memory_space<vmem>>) offsets(%dma_start3A_445 : memref<80xi32, #tpu.memory_space<vmem>>) semaphore(%arg21 : memref<!tpu.dma_semaphore, #tpu.memory_space<semaphore_mem>>)
    } else {
    }
    %not3A = arith.constant true
    %not3A_224 = arith.xori %eq3A_1, %not3A : i1
    %convert_element_type3A_225 = arith.extui %not3A_224 : i1 to i32
    %cond3A_226 = arith.constant 0 : i32
    %cond3A_227 = arith.cmpi ne, %convert_element_type3A_225, %cond3A_226 : i32
    scf.if %cond3A_227 {
      %dma_start3A_442 = arith.constant 0 : i32
      %dma_start3A_443 = arith.constant 0 : i32
      %dma_start3A_444 = tpu.memref_slice %arg13[%dma_start3A_442, %dma_start3A_443] : memref<250x80xi32, #tpu.memory_space<vmem>> -> memref<1x80xi32, #tpu.memory_space<vmem>>
      %dma_start3A_445 = tpu.memref_squeeze %dma_start3A_444 : memref<1x80xi32, #tpu.memory_space<vmem>> -> memref<80xi32, #tpu.memory_space<vmem>>
      %dma_start3A_446 = arith.constant 0 : i32
      %dma_start3A_447 = arith.constant 0 : i32
      %dma_start3A_448 = tpu.memref_slice %arg3[%dma_start3A_446, %dma_start3A_447] : memref<10000x64xf32, #tpu.memory_space<hbm>> -> memref<10000x64xf32, #tpu.memory_space<hbm>>
      tpu.enqueue_indirect_dma source(%dma_start3A_448 : memref<10000x64xf32, #tpu.memory_space<hbm>>) target(%arg15 : memref<80x64xf32, #tpu.memory_space<vmem>>) offsets(%dma_start3A_445 : memref<80xi32, #tpu.memory_space<vmem>>) semaphore(%arg21 : memref<!tpu.dma_semaphore, #tpu.memory_space<semaphore_mem>>)
    } else {
    }
    %convert_element_type3A_228 = arith.extui %eq3A_1 : i1 to i32
    %cond3A_229 = arith.constant 0 : i32
    %cond3A_230 = arith.cmpi ne, %convert_element_type3A_228, %cond3A_229 : i32
    scf.if %cond3A_230 {
      %dma_start3A_442 = arith.constant 1 : i32
      %dma_start3A_443 = arith.constant 0 : i32
      %dma_start3A_444 = tpu.memref_slice %arg13[%dma_start3A_442, %dma_start3A_443] : memref<250x80xi32, #tpu.memory_space<vmem>> -> memref<1x80xi32, #tpu.memory_space<vmem>>
      %dma_start3A_445 = tpu.memref_squeeze %dma_start3A_444 : memref<1x80xi32, #tpu.memory_space<vmem>> -> memref<80xi32, #tpu.memory_space<vmem>>
      %dma_start3A_446 = arith.constant 0 : i32
      %dma_start3A_447 = arith.constant 0 : i32
      %dma_start3A_448 = tpu.memref_slice %arg2[%dma_start3A_446, %dma_start3A_447] : memref<10000x64xf32, #tpu.memory_space<hbm>> -> memref<10000x64xf32, #tpu.memory_space<hbm>>
      tpu.enqueue_indirect_dma source(%dma_start3A_448 : memref<10000x64xf32, #tpu.memory_space<hbm>>) target(%arg16 : memref<80x64xf32, #tpu.memory_space<vmem>>) offsets(%dma_start3A_445 : memref<80xi32, #tpu.memory_space<vmem>>) semaphore(%arg22 : memref<!tpu.dma_semaphore, #tpu.memory_space<semaphore_mem>>)
    } else {
    }
    %not3A_231 = arith.constant true
    %not3A_232 = arith.xori %eq3A_1, %not3A_231 : i1
    %convert_element_type3A_233 = arith.extui %not3A_232 : i1 to i32
    %cond3A_234 = arith.constant 0 : i32
    %cond3A_235 = arith.cmpi ne, %convert_element_type3A_233, %cond3A_234 : i32
    scf.if %cond3A_235 {
      %dma_start3A_442 = arith.constant 1 : i32
      %dma_start3A_443 = arith.constant 0 : i32
      %dma_start3A_444 = tpu.memref_slice %arg13[%dma_start3A_442, %dma_start3A_443] : memref<250x80xi32, #tpu.memory_space<vmem>> -> memref<1x80xi32, #tpu.memory_space<vmem>>
      %dma_start3A_445 = tpu.memref_squeeze %dma_start3A_444 : memref<1x80xi32, #tpu.memory_space<vmem>> -> memref<80xi32, #tpu.memory_space<vmem>>
      %dma_start3A_446 = arith.constant 0 : i32
      %dma_start3A_447 = arith.constant 0 : i32
      %dma_start3A_448 = tpu.memref_slice %arg3[%dma_start3A_446, %dma_start3A_447] : memref<10000x64xf32, #tpu.memory_space<hbm>> -> memref<10000x64xf32, #tpu.memory_space<hbm>>
      tpu.enqueue_indirect_dma source(%dma_start3A_448 : memref<10000x64xf32, #tpu.memory_space<hbm>>) target(%arg16 : memref<80x64xf32, #tpu.memory_space<vmem>>) offsets(%dma_start3A_445 : memref<80xi32, #tpu.memory_space<vmem>>) semaphore(%arg22 : memref<!tpu.dma_semaphore, #tpu.memory_space<semaphore_mem>>)
    } else {
    }
    %convert_element_type3A_236 = arith.extui %eq3A_1 : i1 to i32
    %cond3A_237 = arith.constant 0 : i32
    %cond3A_238 = arith.cmpi ne, %convert_element_type3A_236, %cond3A_237 : i32
    scf.if %cond3A_238 {
      %dma_start3A_442 = arith.constant 2 : i32
      %dma_start3A_443 = arith.constant 0 : i32
      %dma_start3A_444 = tpu.memref_slice %arg13[%dma_start3A_442, %dma_start3A_443] : memref<250x80xi32, #tpu.memory_space<vmem>> -> memref<1x80xi32, #tpu.memory_space<vmem>>
      %dma_start3A_445 = tpu.memref_squeeze %dma_start3A_444 : memref<1x80xi32, #tpu.memory_space<vmem>> -> memref<80xi32, #tpu.memory_space<vmem>>
      %dma_start3A_446 = arith.constant 0 : i32
      %dma_start3A_447 = arith.constant 0 : i32
      %dma_start3A_448 = tpu.memref_slice %arg2[%dma_start3A_446, %dma_start3A_447] : memref<10000x64xf32, #tpu.memory_space<hbm>> -> memref<10000x64xf32, #tpu.memory_space<hbm>>
      tpu.enqueue_indirect_dma source(%dma_start3A_448 : memref<10000x64xf32, #tpu.memory_space<hbm>>) target(%arg17 : memref<80x64xf32, #tpu.memory_space<vmem>>) offsets(%dma_start3A_445 : memref<80xi32, #tpu.memory_space<vmem>>) semaphore(%arg23 : memref<!tpu.dma_semaphore, #tpu.memory_space<semaphore_mem>>)
    } else {
    }
    %not3A_239 = arith.constant true
    %not3A_240 = arith.xori %eq3A_1, %not3A_239 : i1
    %convert_element_type3A_241 = arith.extui %not3A_240 : i1 to i32
    %cond3A_242 = arith.constant 0 : i32
    %cond3A_243 = arith.cmpi ne, %convert_element_type3A_241, %cond3A_242 : i32
    scf.if %cond3A_243 {
      %dma_start3A_442 = arith.constant 2 : i32
      %dma_start3A_443 = arith.constant 0 : i32
      %dma_start3A_444 = tpu.memref_slice %arg13[%dma_start3A_442, %dma_start3A_443] : memref<250x80xi32, #tpu.memory_space<vmem>> -> memref<1x80xi32, #tpu.memory_space<vmem>>
      %dma_start3A_445 = tpu.memref_squeeze %dma_start3A_444 : memref<1x80xi32, #tpu.memory_space<vmem>> -> memref<80xi32, #tpu.memory_space<vmem>>
      %dma_start3A_446 = arith.constant 0 : i32
      %dma_start3A_447 = arith.constant 0 : i32
      %dma_start3A_448 = tpu.memref_slice %arg3[%dma_start3A_446, %dma_start3A_447] : memref<10000x64xf32, #tpu.memory_space<hbm>> -> memref<10000x64xf32, #tpu.memory_space<hbm>>
      tpu.enqueue_indirect_dma source(%dma_start3A_448 : memref<10000x64xf32, #tpu.memory_space<hbm>>) target(%arg17 : memref<80x64xf32, #tpu.memory_space<vmem>>) offsets(%dma_start3A_445 : memref<80xi32, #tpu.memory_space<vmem>>) semaphore(%arg23 : memref<!tpu.dma_semaphore, #tpu.memory_space<semaphore_mem>>)
    } else {
    }
    %convert_element_type3A_244 = arith.extui %eq3A_1 : i1 to i32
    %cond3A_245 = arith.constant 0 : i32
    %cond3A_246 = arith.cmpi ne, %convert_element_type3A_244, %cond3A_245 : i32
    scf.if %cond3A_246 {
      %dma_start3A_442 = arith.constant 3 : i32
      %dma_start3A_443 = arith.constant 0 : i32
      %dma_start3A_444 = tpu.memref_slice %arg13[%dma_start3A_442, %dma_start3A_443] : memref<250x80xi32, #tpu.memory_space<vmem>> -> memref<1x80xi32, #tpu.memory_space<vmem>>
      %dma_start3A_445 = tpu.memref_squeeze %dma_start3A_444 : memref<1x80xi32, #tpu.memory_space<vmem>> -> memref<80xi32, #tpu.memory_space<vmem>>
      %dma_start3A_446 = arith.constant 0 : i32
      %dma_start3A_447 = arith.constant 0 : i32
      %dma_start3A_448 = tpu.memref_slice %arg2[%dma_start3A_446, %dma_start3A_447] : memref<10000x64xf32, #tpu.memory_space<hbm>> -> memref<10000x64xf32, #tpu.memory_space<hbm>>
      tpu.enqueue_indirect_dma source(%dma_start3A_448 : memref<10000x64xf32, #tpu.memory_space<hbm>>) target(%arg18 : memref<80x64xf32, #tpu.memory_space<vmem>>) offsets(%dma_start3A_445 : memref<80xi32, #tpu.memory_space<vmem>>) semaphore(%arg24 : memref<!tpu.dma_semaphore, #tpu.memory_space<semaphore_mem>>)
    } else {
    }
    %not3A_247 = arith.constant true
    %not3A_248 = arith.xori %eq3A_1, %not3A_247 : i1
    %convert_element_type3A_249 = arith.extui %not3A_248 : i1 to i32
    %cond3A_250 = arith.constant 0 : i32
    %cond3A_251 = arith.cmpi ne, %convert_element_type3A_249, %cond3A_250 : i32
    scf.if %cond3A_251 {
      %dma_start3A_442 = arith.constant 3 : i32
      %dma_start3A_443 = arith.constant 0 : i32
      %dma_start3A_444 = tpu.memref_slice %arg13[%dma_start3A_442, %dma_start3A_443] : memref<250x80xi32, #tpu.memory_space<vmem>> -> memref<1x80xi32, #tpu.memory_space<vmem>>
      %dma_start3A_445 = tpu.memref_squeeze %dma_start3A_444 : memref<1x80xi32, #tpu.memory_space<vmem>> -> memref<80xi32, #tpu.memory_space<vmem>>
      %dma_start3A_446 = arith.constant 0 : i32
      %dma_start3A_447 = arith.constant 0 : i32
      %dma_start3A_448 = tpu.memref_slice %arg3[%dma_start3A_446, %dma_start3A_447] : memref<10000x64xf32, #tpu.memory_space<hbm>> -> memref<10000x64xf32, #tpu.memory_space<hbm>>
      tpu.enqueue_indirect_dma source(%dma_start3A_448 : memref<10000x64xf32, #tpu.memory_space<hbm>>) target(%arg18 : memref<80x64xf32, #tpu.memory_space<vmem>>) offsets(%dma_start3A_445 : memref<80xi32, #tpu.memory_space<vmem>>) semaphore(%arg24 : memref<!tpu.dma_semaphore, #tpu.memory_space<semaphore_mem>>)
    } else {
    }
    %convert_element_type3A_252 = arith.extui %eq3A_1 : i1 to i32
    %cond3A_253 = arith.constant 0 : i32
    %cond3A_254 = arith.cmpi ne, %convert_element_type3A_252, %cond3A_253 : i32
    scf.if %cond3A_254 {
      %dma_start3A_442 = arith.constant 4 : i32
      %dma_start3A_443 = arith.constant 0 : i32
      %dma_start3A_444 = tpu.memref_slice %arg13[%dma_start3A_442, %dma_start3A_443] : memref<250x80xi32, #tpu.memory_space<vmem>> -> memref<1x80xi32, #tpu.memory_space<vmem>>
      %dma_start3A_445 = tpu.memref_squeeze %dma_start3A_444 : memref<1x80xi32, #tpu.memory_space<vmem>> -> memref<80xi32, #tpu.memory_space<vmem>>
      %dma_start3A_446 = arith.constant 0 : i32
      %dma_start3A_447 = arith.constant 0 : i32
      %dma_start3A_448 = tpu.memref_slice %arg2[%dma_start3A_446, %dma_start3A_447] : memref<10000x64xf32, #tpu.memory_space<hbm>> -> memref<10000x64xf32, #tpu.memory_space<hbm>>
      tpu.enqueue_indirect_dma source(%dma_start3A_448 : memref<10000x64xf32, #tpu.memory_space<hbm>>) target(%arg19 : memref<80x64xf32, #tpu.memory_space<vmem>>) offsets(%dma_start3A_445 : memref<80xi32, #tpu.memory_space<vmem>>) semaphore(%arg25 : memref<!tpu.dma_semaphore, #tpu.memory_space<semaphore_mem>>)
    } else {
    }
    %not3A_255 = arith.constant true
    %not3A_256 = arith.xori %eq3A_1, %not3A_255 : i1
    %convert_element_type3A_257 = arith.extui %not3A_256 : i1 to i32
    %cond3A_258 = arith.constant 0 : i32
    %cond3A_259 = arith.cmpi ne, %convert_element_type3A_257, %cond3A_258 : i32
    scf.if %cond3A_259 {
      %dma_start3A_442 = arith.constant 4 : i32
      %dma_start3A_443 = arith.constant 0 : i32
      %dma_start3A_444 = tpu.memref_slice %arg13[%dma_start3A_442, %dma_start3A_443] : memref<250x80xi32, #tpu.memory_space<vmem>> -> memref<1x80xi32, #tpu.memory_space<vmem>>
      %dma_start3A_445 = tpu.memref_squeeze %dma_start3A_444 : memref<1x80xi32, #tpu.memory_space<vmem>> -> memref<80xi32, #tpu.memory_space<vmem>>
      %dma_start3A_446 = arith.constant 0 : i32
      %dma_start3A_447 = arith.constant 0 : i32
      %dma_start3A_448 = tpu.memref_slice %arg3[%dma_start3A_446, %dma_start3A_447] : memref<10000x64xf32, #tpu.memory_space<hbm>> -> memref<10000x64xf32, #tpu.memory_space<hbm>>
      tpu.enqueue_indirect_dma source(%dma_start3A_448 : memref<10000x64xf32, #tpu.memory_space<hbm>>) target(%arg19 : memref<80x64xf32, #tpu.memory_space<vmem>>) offsets(%dma_start3A_445 : memref<80xi32, #tpu.memory_space<vmem>>) semaphore(%arg25 : memref<!tpu.dma_semaphore, #tpu.memory_space<semaphore_mem>>)
    } else {
    }
    %scan3A = arith.constant 0 : i32
    %scan3A_260 = arith.constant 0 : i32
    %scan3A_261 = arith.constant 50 : i32
    %scan3A_262 = arith.addi %scan3A_260, %scan3A_261 : i32
    %scan3A_263 = arith.constant 1 : i32
    scf.for %scan3A_442 = %scan3A_260 to %scan3A_262 step %scan3A_263  : i32 {
      %mul3A_443 = arith.constant 5 : i32
      %mul3A_444 = arith.muli %mul3A_443, %scan3A_442 : i32
      %lt3A = arith.constant 25 : i32
      %lt3A_445 = arith.cmpi slt, %scan3A_442, %lt3A : i32
      %eq3A_446 = arith.xori %lt3A_445, %eq3A_1 : i1
      %eq3A_447 = arith.constant true
      %eq3A_448 = arith.xori %eq3A_446, %eq3A_447 : i1
      %add3A_449 = arith.constant 0 : i32
      %add3A_450 = arith.addi %mul3A_444, %add3A_449 : i32
      %dma_wait3A_451 = arith.constant 0 : i32
      %dma_wait3A_452 = arith.constant 0 : i32
      %dma_wait3A_453 = tpu.memref_slice %arg13[%dma_wait3A_451, %dma_wait3A_452] : memref<250x80xi32, #tpu.memory_space<vmem>> -> memref<1x80xi32, #tpu.memory_space<vmem>>
      %dma_wait3A_454 = tpu.memref_squeeze %dma_wait3A_453 : memref<1x80xi32, #tpu.memory_space<vmem>> -> memref<80xi32, #tpu.memory_space<vmem>>
      %dma_wait3A_455 = arith.constant 0 : i32
      %dma_wait3A_456 = arith.constant 0 : i32
      %dma_wait3A_457 = tpu.memref_slice %arg2[%dma_wait3A_455, %dma_wait3A_456] : memref<10000x64xf32, #tpu.memory_space<hbm>> -> memref<10000x64xf32, #tpu.memory_space<hbm>>
      tpu.wait_indirect_dma semaphore(%arg21 : memref<!tpu.dma_semaphore, #tpu.memory_space<semaphore_mem>>) src(%dma_wait3A_457 : memref<10000x64xf32, #tpu.memory_space<hbm>>) dst(%arg15 : memref<80x64xf32, #tpu.memory_space<vmem>>)
      %dma_start3A_458 = arith.constant 0 : i32
      %dma_start3A_459 = tpu.memref_slice %arg14[%add3A_450, %dma_start3A_458] : memref<250x80xi32, #tpu.memory_space<vmem>> -> memref<1x80xi32, #tpu.memory_space<vmem>>
      %dma_start3A_460 = tpu.memref_squeeze %dma_start3A_459 : memref<1x80xi32, #tpu.memory_space<vmem>> -> memref<80xi32, #tpu.memory_space<vmem>>
      %dma_start3A_461 = arith.constant 0 : i32
      %dma_start3A_462 = arith.constant 0 : i32
      %dma_start3A_463 = tpu.memref_slice %arg11[%dma_start3A_461, %dma_start3A_462] : memref<10240x64xf32, #tpu.memory_space<vmem_shared>> -> memref<10240x64xf32, #tpu.memory_space<vmem_shared>>
      tpu.enqueue_indirect_dma source(%arg15 : memref<80x64xf32, #tpu.memory_space<vmem>>) target(%dma_start3A_463 : memref<10240x64xf32, #tpu.memory_space<vmem_shared>>) offsets(%dma_start3A_460 : memref<80xi32, #tpu.memory_space<vmem>>) semaphore(%arg26 : memref<!tpu.dma_semaphore, #tpu.memory_space<semaphore_mem>>) {add = true}
      %convert_element_type3A_464 = arith.extui %eq3A_448 : i1 to i32
      %cond3A_465 = arith.constant 0 : i32
      %cond3A_466 = arith.cmpi ne, %convert_element_type3A_464, %cond3A_465 : i32
      scf.if %cond3A_466 {
        %dma_start3A_624 = arith.constant 0 : i32
        %dma_start3A_625 = tpu.memref_slice %arg14[%add3A_450, %dma_start3A_624] : memref<250x80xi32, #tpu.memory_space<vmem>> -> memref<1x80xi32, #tpu.memory_space<vmem>>
        %dma_start3A_626 = tpu.memref_squeeze %dma_start3A_625 : memref<1x80xi32, #tpu.memory_space<vmem>> -> memref<80xi32, #tpu.memory_space<vmem>>
        %dma_start3A_627 = arith.constant 0 : i32
        %dma_start3A_628 = arith.constant 0 : i32
        %dma_start3A_629 = tpu.memref_slice %arg12[%dma_start3A_627, %dma_start3A_628] : memref<10240x16xf32, #tpu.memory_space<vmem_shared>> -> memref<10240x16xf32, #tpu.memory_space<vmem_shared>>
        tpu.enqueue_indirect_dma source(%arg20 : memref<80x16xf32, #tpu.memory_space<vmem>>) target(%dma_start3A_629 : memref<10240x16xf32, #tpu.memory_space<vmem_shared>>) offsets(%dma_start3A_626 : memref<80xi32, #tpu.memory_space<vmem>>) semaphore(%arg31 : memref<!tpu.dma_semaphore, #tpu.memory_space<semaphore_mem>>) {add = true}
      } else {
      }
      %add3A_467 = arith.constant 1 : i32
      %add3A_468 = arith.addi %mul3A_444, %add3A_467 : i32
      %dma_wait3A_469 = arith.constant 0 : i32
      %dma_wait3A_470 = arith.constant 0 : i32
      %dma_wait3A_471 = tpu.memref_slice %arg13[%dma_wait3A_469, %dma_wait3A_470] : memref<250x80xi32, #tpu.memory_space<vmem>> -> memref<1x80xi32, #tpu.memory_space<vmem>>
      %dma_wait3A_472 = tpu.memref_squeeze %dma_wait3A_471 : memref<1x80xi32, #tpu.memory_space<vmem>> -> memref<80xi32, #tpu.memory_space<vmem>>
      %dma_wait3A_473 = arith.constant 0 : i32
      %dma_wait3A_474 = arith.constant 0 : i32
      %dma_wait3A_475 = tpu.memref_slice %arg2[%dma_wait3A_473, %dma_wait3A_474] : memref<10000x64xf32, #tpu.memory_space<hbm>> -> memref<10000x64xf32, #tpu.memory_space<hbm>>
      tpu.wait_indirect_dma semaphore(%arg22 : memref<!tpu.dma_semaphore, #tpu.memory_space<semaphore_mem>>) src(%dma_wait3A_475 : memref<10000x64xf32, #tpu.memory_space<hbm>>) dst(%arg16 : memref<80x64xf32, #tpu.memory_space<vmem>>)
      %dma_start3A_476 = arith.constant 0 : i32
      %dma_start3A_477 = tpu.memref_slice %arg14[%add3A_468, %dma_start3A_476] : memref<250x80xi32, #tpu.memory_space<vmem>> -> memref<1x80xi32, #tpu.memory_space<vmem>>
      %dma_start3A_478 = tpu.memref_squeeze %dma_start3A_477 : memref<1x80xi32, #tpu.memory_space<vmem>> -> memref<80xi32, #tpu.memory_space<vmem>>
      %dma_start3A_479 = arith.constant 0 : i32
      %dma_start3A_480 = arith.constant 0 : i32
      %dma_start3A_481 = tpu.memref_slice %arg11[%dma_start3A_479, %dma_start3A_480] : memref<10240x64xf32, #tpu.memory_space<vmem_shared>> -> memref<10240x64xf32, #tpu.memory_space<vmem_shared>>
      tpu.enqueue_indirect_dma source(%arg16 : memref<80x64xf32, #tpu.memory_space<vmem>>) target(%dma_start3A_481 : memref<10240x64xf32, #tpu.memory_space<vmem_shared>>) offsets(%dma_start3A_478 : memref<80xi32, #tpu.memory_space<vmem>>) semaphore(%arg27 : memref<!tpu.dma_semaphore, #tpu.memory_space<semaphore_mem>>) {add = true}
      %convert_element_type3A_482 = arith.extui %eq3A_448 : i1 to i32
      %cond3A_483 = arith.constant 0 : i32
      %cond3A_484 = arith.cmpi ne, %convert_element_type3A_482, %cond3A_483 : i32
      scf.if %cond3A_484 {
        %dma_start3A_624 = arith.constant 0 : i32
        %dma_start3A_625 = tpu.memref_slice %arg14[%add3A_468, %dma_start3A_624] : memref<250x80xi32, #tpu.memory_space<vmem>> -> memref<1x80xi32, #tpu.memory_space<vmem>>
        %dma_start3A_626 = tpu.memref_squeeze %dma_start3A_625 : memref<1x80xi32, #tpu.memory_space<vmem>> -> memref<80xi32, #tpu.memory_space<vmem>>
        %dma_start3A_627 = arith.constant 0 : i32
        %dma_start3A_628 = arith.constant 0 : i32
        %dma_start3A_629 = tpu.memref_slice %arg12[%dma_start3A_627, %dma_start3A_628] : memref<10240x16xf32, #tpu.memory_space<vmem_shared>> -> memref<10240x16xf32, #tpu.memory_space<vmem_shared>>
        tpu.enqueue_indirect_dma source(%arg20 : memref<80x16xf32, #tpu.memory_space<vmem>>) target(%dma_start3A_629 : memref<10240x16xf32, #tpu.memory_space<vmem_shared>>) offsets(%dma_start3A_626 : memref<80xi32, #tpu.memory_space<vmem>>) semaphore(%arg31 : memref<!tpu.dma_semaphore, #tpu.memory_space<semaphore_mem>>) {add = true}
      } else {
      }
      %add3A_485 = arith.constant 2 : i32
      %add3A_486 = arith.addi %mul3A_444, %add3A_485 : i32
      %dma_wait3A_487 = arith.constant 0 : i32
      %dma_wait3A_488 = arith.constant 0 : i32
      %dma_wait3A_489 = tpu.memref_slice %arg13[%dma_wait3A_487, %dma_wait3A_488] : memref<250x80xi32, #tpu.memory_space<vmem>> -> memref<1x80xi32, #tpu.memory_space<vmem>>
      %dma_wait3A_490 = tpu.memref_squeeze %dma_wait3A_489 : memref<1x80xi32, #tpu.memory_space<vmem>> -> memref<80xi32, #tpu.memory_space<vmem>>
      %dma_wait3A_491 = arith.constant 0 : i32
      %dma_wait3A_492 = arith.constant 0 : i32
      %dma_wait3A_493 = tpu.memref_slice %arg2[%dma_wait3A_491, %dma_wait3A_492] : memref<10000x64xf32, #tpu.memory_space<hbm>> -> memref<10000x64xf32, #tpu.memory_space<hbm>>
      tpu.wait_indirect_dma semaphore(%arg23 : memref<!tpu.dma_semaphore, #tpu.memory_space<semaphore_mem>>) src(%dma_wait3A_493 : memref<10000x64xf32, #tpu.memory_space<hbm>>) dst(%arg17 : memref<80x64xf32, #tpu.memory_space<vmem>>)
      %dma_start3A_494 = arith.constant 0 : i32
      %dma_start3A_495 = tpu.memref_slice %arg14[%add3A_486, %dma_start3A_494] : memref<250x80xi32, #tpu.memory_space<vmem>> -> memref<1x80xi32, #tpu.memory_space<vmem>>
      %dma_start3A_496 = tpu.memref_squeeze %dma_start3A_495 : memref<1x80xi32, #tpu.memory_space<vmem>> -> memref<80xi32, #tpu.memory_space<vmem>>
      %dma_start3A_497 = arith.constant 0 : i32
      %dma_start3A_498 = arith.constant 0 : i32
      %dma_start3A_499 = tpu.memref_slice %arg11[%dma_start3A_497, %dma_start3A_498] : memref<10240x64xf32, #tpu.memory_space<vmem_shared>> -> memref<10240x64xf32, #tpu.memory_space<vmem_shared>>
      tpu.enqueue_indirect_dma source(%arg17 : memref<80x64xf32, #tpu.memory_space<vmem>>) target(%dma_start3A_499 : memref<10240x64xf32, #tpu.memory_space<vmem_shared>>) offsets(%dma_start3A_496 : memref<80xi32, #tpu.memory_space<vmem>>) semaphore(%arg28 : memref<!tpu.dma_semaphore, #tpu.memory_space<semaphore_mem>>) {add = true}
      %convert_element_type3A_500 = arith.extui %eq3A_448 : i1 to i32
      %cond3A_501 = arith.constant 0 : i32
      %cond3A_502 = arith.cmpi ne, %convert_element_type3A_500, %cond3A_501 : i32
      scf.if %cond3A_502 {
        %dma_start3A_624 = arith.constant 0 : i32
        %dma_start3A_625 = tpu.memref_slice %arg14[%add3A_486, %dma_start3A_624] : memref<250x80xi32, #tpu.memory_space<vmem>> -> memref<1x80xi32, #tpu.memory_space<vmem>>
        %dma_start3A_626 = tpu.memref_squeeze %dma_start3A_625 : memref<1x80xi32, #tpu.memory_space<vmem>> -> memref<80xi32, #tpu.memory_space<vmem>>
        %dma_start3A_627 = arith.constant 0 : i32
        %dma_start3A_628 = arith.constant 0 : i32
        %dma_start3A_629 = tpu.memref_slice %arg12[%dma_start3A_627, %dma_start3A_628] : memref<10240x16xf32, #tpu.memory_space<vmem_shared>> -> memref<10240x16xf32, #tpu.memory_space<vmem_shared>>
        tpu.enqueue_indirect_dma source(%arg20 : memref<80x16xf32, #tpu.memory_space<vmem>>) target(%dma_start3A_629 : memref<10240x16xf32, #tpu.memory_space<vmem_shared>>) offsets(%dma_start3A_626 : memref<80xi32, #tpu.memory_space<vmem>>) semaphore(%arg31 : memref<!tpu.dma_semaphore, #tpu.memory_space<semaphore_mem>>) {add = true}
      } else {
      }
      %add3A_503 = arith.constant 3 : i32
      %add3A_504 = arith.addi %mul3A_444, %add3A_503 : i32
      %dma_wait3A_505 = arith.constant 0 : i32
      %dma_wait3A_506 = arith.constant 0 : i32
      %dma_wait3A_507 = tpu.memref_slice %arg13[%dma_wait3A_505, %dma_wait3A_506] : memref<250x80xi32, #tpu.memory_space<vmem>> -> memref<1x80xi32, #tpu.memory_space<vmem>>
      %dma_wait3A_508 = tpu.memref_squeeze %dma_wait3A_507 : memref<1x80xi32, #tpu.memory_space<vmem>> -> memref<80xi32, #tpu.memory_space<vmem>>
      %dma_wait3A_509 = arith.constant 0 : i32
      %dma_wait3A_510 = arith.constant 0 : i32
      %dma_wait3A_511 = tpu.memref_slice %arg2[%dma_wait3A_509, %dma_wait3A_510] : memref<10000x64xf32, #tpu.memory_space<hbm>> -> memref<10000x64xf32, #tpu.memory_space<hbm>>
      tpu.wait_indirect_dma semaphore(%arg24 : memref<!tpu.dma_semaphore, #tpu.memory_space<semaphore_mem>>) src(%dma_wait3A_511 : memref<10000x64xf32, #tpu.memory_space<hbm>>) dst(%arg18 : memref<80x64xf32, #tpu.memory_space<vmem>>)
      %dma_start3A_512 = arith.constant 0 : i32
      %dma_start3A_513 = tpu.memref_slice %arg14[%add3A_504, %dma_start3A_512] : memref<250x80xi32, #tpu.memory_space<vmem>> -> memref<1x80xi32, #tpu.memory_space<vmem>>
      %dma_start3A_514 = tpu.memref_squeeze %dma_start3A_513 : memref<1x80xi32, #tpu.memory_space<vmem>> -> memref<80xi32, #tpu.memory_space<vmem>>
      %dma_start3A_515 = arith.constant 0 : i32
      %dma_start3A_516 = arith.constant 0 : i32
      %dma_start3A_517 = tpu.memref_slice %arg11[%dma_start3A_515, %dma_start3A_516] : memref<10240x64xf32, #tpu.memory_space<vmem_shared>> -> memref<10240x64xf32, #tpu.memory_space<vmem_shared>>
      tpu.enqueue_indirect_dma source(%arg18 : memref<80x64xf32, #tpu.memory_space<vmem>>) target(%dma_start3A_517 : memref<10240x64xf32, #tpu.memory_space<vmem_shared>>) offsets(%dma_start3A_514 : memref<80xi32, #tpu.memory_space<vmem>>) semaphore(%arg29 : memref<!tpu.dma_semaphore, #tpu.memory_space<semaphore_mem>>) {add = true}
      %convert_element_type3A_518 = arith.extui %eq3A_448 : i1 to i32
      %cond3A_519 = arith.constant 0 : i32
      %cond3A_520 = arith.cmpi ne, %convert_element_type3A_518, %cond3A_519 : i32
      scf.if %cond3A_520 {
        %dma_start3A_624 = arith.constant 0 : i32
        %dma_start3A_625 = tpu.memref_slice %arg14[%add3A_504, %dma_start3A_624] : memref<250x80xi32, #tpu.memory_space<vmem>> -> memref<1x80xi32, #tpu.memory_space<vmem>>
        %dma_start3A_626 = tpu.memref_squeeze %dma_start3A_625 : memref<1x80xi32, #tpu.memory_space<vmem>> -> memref<80xi32, #tpu.memory_space<vmem>>
        %dma_start3A_627 = arith.constant 0 : i32
        %dma_start3A_628 = arith.constant 0 : i32
        %dma_start3A_629 = tpu.memref_slice %arg12[%dma_start3A_627, %dma_start3A_628] : memref<10240x16xf32, #tpu.memory_space<vmem_shared>> -> memref<10240x16xf32, #tpu.memory_space<vmem_shared>>
        tpu.enqueue_indirect_dma source(%arg20 : memref<80x16xf32, #tpu.memory_space<vmem>>) target(%dma_start3A_629 : memref<10240x16xf32, #tpu.memory_space<vmem_shared>>) offsets(%dma_start3A_626 : memref<80xi32, #tpu.memory_space<vmem>>) semaphore(%arg31 : memref<!tpu.dma_semaphore, #tpu.memory_space<semaphore_mem>>) {add = true}
      } else {
      }
      %add3A_521 = arith.constant 4 : i32
      %add3A_522 = arith.addi %mul3A_444, %add3A_521 : i32
      %dma_wait3A_523 = arith.constant 0 : i32
      %dma_wait3A_524 = arith.constant 0 : i32
      %dma_wait3A_525 = tpu.memref_slice %arg13[%dma_wait3A_523, %dma_wait3A_524] : memref<250x80xi32, #tpu.memory_space<vmem>> -> memref<1x80xi32, #tpu.memory_space<vmem>>
      %dma_wait3A_526 = tpu.memref_squeeze %dma_wait3A_525 : memref<1x80xi32, #tpu.memory_space<vmem>> -> memref<80xi32, #tpu.memory_space<vmem>>
      %dma_wait3A_527 = arith.constant 0 : i32
      %dma_wait3A_528 = arith.constant 0 : i32
      %dma_wait3A_529 = tpu.memref_slice %arg2[%dma_wait3A_527, %dma_wait3A_528] : memref<10000x64xf32, #tpu.memory_space<hbm>> -> memref<10000x64xf32, #tpu.memory_space<hbm>>
      tpu.wait_indirect_dma semaphore(%arg25 : memref<!tpu.dma_semaphore, #tpu.memory_space<semaphore_mem>>) src(%dma_wait3A_529 : memref<10000x64xf32, #tpu.memory_space<hbm>>) dst(%arg19 : memref<80x64xf32, #tpu.memory_space<vmem>>)
      %dma_start3A_530 = arith.constant 0 : i32
      %dma_start3A_531 = tpu.memref_slice %arg14[%add3A_522, %dma_start3A_530] : memref<250x80xi32, #tpu.memory_space<vmem>> -> memref<1x80xi32, #tpu.memory_space<vmem>>
      %dma_start3A_532 = tpu.memref_squeeze %dma_start3A_531 : memref<1x80xi32, #tpu.memory_space<vmem>> -> memref<80xi32, #tpu.memory_space<vmem>>
      %dma_start3A_533 = arith.constant 0 : i32
      %dma_start3A_534 = arith.constant 0 : i32
      %dma_start3A_535 = tpu.memref_slice %arg11[%dma_start3A_533, %dma_start3A_534] : memref<10240x64xf32, #tpu.memory_space<vmem_shared>> -> memref<10240x64xf32, #tpu.memory_space<vmem_shared>>
      tpu.enqueue_indirect_dma source(%arg19 : memref<80x64xf32, #tpu.memory_space<vmem>>) target(%dma_start3A_535 : memref<10240x64xf32, #tpu.memory_space<vmem_shared>>) offsets(%dma_start3A_532 : memref<80xi32, #tpu.memory_space<vmem>>) semaphore(%arg30 : memref<!tpu.dma_semaphore, #tpu.memory_space<semaphore_mem>>) {add = true}
      %convert_element_type3A_536 = arith.extui %eq3A_448 : i1 to i32
      %cond3A_537 = arith.constant 0 : i32
      %cond3A_538 = arith.cmpi ne, %convert_element_type3A_536, %cond3A_537 : i32
      scf.if %cond3A_538 {
        %dma_start3A_624 = arith.constant 0 : i32
        %dma_start3A_625 = tpu.memref_slice %arg14[%add3A_522, %dma_start3A_624] : memref<250x80xi32, #tpu.memory_space<vmem>> -> memref<1x80xi32, #tpu.memory_space<vmem>>
        %dma_start3A_626 = tpu.memref_squeeze %dma_start3A_625 : memref<1x80xi32, #tpu.memory_space<vmem>> -> memref<80xi32, #tpu.memory_space<vmem>>
        %dma_start3A_627 = arith.constant 0 : i32
        %dma_start3A_628 = arith.constant 0 : i32
        %dma_start3A_629 = tpu.memref_slice %arg12[%dma_start3A_627, %dma_start3A_628] : memref<10240x16xf32, #tpu.memory_space<vmem_shared>> -> memref<10240x16xf32, #tpu.memory_space<vmem_shared>>
        tpu.enqueue_indirect_dma source(%arg20 : memref<80x16xf32, #tpu.memory_space<vmem>>) target(%dma_start3A_629 : memref<10240x16xf32, #tpu.memory_space<vmem_shared>>) offsets(%dma_start3A_626 : memref<80xi32, #tpu.memory_space<vmem>>) semaphore(%arg31 : memref<!tpu.dma_semaphore, #tpu.memory_space<semaphore_mem>>) {add = true}
      } else {
      }
      %dma_wait3A_539 = arith.constant 0 : i32
      %dma_wait3A_540 = arith.constant 0 : i32
      %dma_wait3A_541 = tpu.memref_slice %arg14[%dma_wait3A_539, %dma_wait3A_540] : memref<250x80xi32, #tpu.memory_space<vmem>> -> memref<1x80xi32, #tpu.memory_space<vmem>>
      %dma_wait3A_542 = tpu.memref_squeeze %dma_wait3A_541 : memref<1x80xi32, #tpu.memory_space<vmem>> -> memref<80xi32, #tpu.memory_space<vmem>>
      %dma_wait3A_543 = arith.constant 0 : i32
      %dma_wait3A_544 = arith.constant 0 : i32
      %dma_wait3A_545 = tpu.memref_slice %arg11[%dma_wait3A_543, %dma_wait3A_544] : memref<10240x64xf32, #tpu.memory_space<vmem_shared>> -> memref<10240x64xf32, #tpu.memory_space<vmem_shared>>
      tpu.wait_indirect_dma semaphore(%arg26 : memref<!tpu.dma_semaphore, #tpu.memory_space<semaphore_mem>>) src(%arg15 : memref<80x64xf32, #tpu.memory_space<vmem>>) dst(%dma_wait3A_545 : memref<10240x64xf32, #tpu.memory_space<vmem_shared>>)
      %add3A_546 = arith.constant 1 : i32
      %add3A_547 = arith.addi %scan3A_442, %add3A_546 : i32
      %lt3A_548 = arith.constant 50 : i32
      %lt3A_549 = arith.cmpi slt, %add3A_547, %lt3A_548 : i32
      %convert_element_type3A_550 = arith.extui %lt3A_549 : i1 to i32
      %cond3A_551 = arith.constant 0 : i32
      %cond3A_552 = arith.cmpi ne, %convert_element_type3A_550, %cond3A_551 : i32
      scf.if %cond3A_552 {
        %add3A_624 = arith.constant 5 : i32
        %add3A_625 = arith.addi %mul3A_444, %add3A_624 : i32
        %add3A_626 = arith.constant 0 : i32
        %add3A_627 = arith.addi %add3A_625, %add3A_626 : i32
        %convert_element_type3A_628 = arith.extui %eq3A_1 : i1 to i32
        %cond3A_629 = arith.constant 0 : i32
        %cond3A_630 = arith.cmpi ne, %convert_element_type3A_628, %cond3A_629 : i32
        scf.if %cond3A_630 {
          %dma_start3A_636 = arith.constant 0 : i32
          %dma_start3A_637 = tpu.memref_slice %arg13[%add3A_627, %dma_start3A_636] : memref<250x80xi32, #tpu.memory_space<vmem>> -> memref<1x80xi32, #tpu.memory_space<vmem>>
          %dma_start3A_638 = tpu.memref_squeeze %dma_start3A_637 : memref<1x80xi32, #tpu.memory_space<vmem>> -> memref<80xi32, #tpu.memory_space<vmem>>
          %dma_start3A_639 = arith.constant 0 : i32
          %dma_start3A_640 = arith.constant 0 : i32
          %dma_start3A_641 = tpu.memref_slice %arg2[%dma_start3A_639, %dma_start3A_640] : memref<10000x64xf32, #tpu.memory_space<hbm>> -> memref<10000x64xf32, #tpu.memory_space<hbm>>
          tpu.enqueue_indirect_dma source(%dma_start3A_641 : memref<10000x64xf32, #tpu.memory_space<hbm>>) target(%arg15 : memref<80x64xf32, #tpu.memory_space<vmem>>) offsets(%dma_start3A_638 : memref<80xi32, #tpu.memory_space<vmem>>) semaphore(%arg21 : memref<!tpu.dma_semaphore, #tpu.memory_space<semaphore_mem>>)
        } else {
        }
        %not3A_631 = arith.constant true
        %not3A_632 = arith.xori %eq3A_1, %not3A_631 : i1
        %convert_element_type3A_633 = arith.extui %not3A_632 : i1 to i32
        %cond3A_634 = arith.constant 0 : i32
        %cond3A_635 = arith.cmpi ne, %convert_element_type3A_633, %cond3A_634 : i32
        scf.if %cond3A_635 {
          %dma_start3A_636 = arith.constant 0 : i32
          %dma_start3A_637 = tpu.memref_slice %arg13[%add3A_627, %dma_start3A_636] : memref<250x80xi32, #tpu.memory_space<vmem>> -> memref<1x80xi32, #tpu.memory_space<vmem>>
          %dma_start3A_638 = tpu.memref_squeeze %dma_start3A_637 : memref<1x80xi32, #tpu.memory_space<vmem>> -> memref<80xi32, #tpu.memory_space<vmem>>
          %dma_start3A_639 = arith.constant 0 : i32
          %dma_start3A_640 = arith.constant 0 : i32
          %dma_start3A_641 = tpu.memref_slice %arg3[%dma_start3A_639, %dma_start3A_640] : memref<10000x64xf32, #tpu.memory_space<hbm>> -> memref<10000x64xf32, #tpu.memory_space<hbm>>
          tpu.enqueue_indirect_dma source(%dma_start3A_641 : memref<10000x64xf32, #tpu.memory_space<hbm>>) target(%arg15 : memref<80x64xf32, #tpu.memory_space<vmem>>) offsets(%dma_start3A_638 : memref<80xi32, #tpu.memory_space<vmem>>) semaphore(%arg21 : memref<!tpu.dma_semaphore, #tpu.memory_space<semaphore_mem>>)
        } else {
        }
      } else {
      }
      %dma_wait3A_553 = arith.constant 0 : i32
      %dma_wait3A_554 = arith.constant 0 : i32
      %dma_wait3A_555 = tpu.memref_slice %arg14[%dma_wait3A_553, %dma_wait3A_554] : memref<250x80xi32, #tpu.memory_space<vmem>> -> memref<1x80xi32, #tpu.memory_space<vmem>>
      %dma_wait3A_556 = tpu.memref_squeeze %dma_wait3A_555 : memref<1x80xi32, #tpu.memory_space<vmem>> -> memref<80xi32, #tpu.memory_space<vmem>>
      %dma_wait3A_557 = arith.constant 0 : i32
      %dma_wait3A_558 = arith.constant 0 : i32
      %dma_wait3A_559 = tpu.memref_slice %arg11[%dma_wait3A_557, %dma_wait3A_558] : memref<10240x64xf32, #tpu.memory_space<vmem_shared>> -> memref<10240x64xf32, #tpu.memory_space<vmem_shared>>
      tpu.wait_indirect_dma semaphore(%arg27 : memref<!tpu.dma_semaphore, #tpu.memory_space<semaphore_mem>>) src(%arg16 : memref<80x64xf32, #tpu.memory_space<vmem>>) dst(%dma_wait3A_559 : memref<10240x64xf32, #tpu.memory_space<vmem_shared>>)
      %add3A_560 = arith.constant 1 : i32
      %add3A_561 = arith.addi %scan3A_442, %add3A_560 : i32
      %lt3A_562 = arith.constant 50 : i32
      %lt3A_563 = arith.cmpi slt, %add3A_561, %lt3A_562 : i32
      %convert_element_type3A_564 = arith.extui %lt3A_563 : i1 to i32
      %cond3A_565 = arith.constant 0 : i32
      %cond3A_566 = arith.cmpi ne, %convert_element_type3A_564, %cond3A_565 : i32
      scf.if %cond3A_566 {
        %add3A_624 = arith.constant 5 : i32
        %add3A_625 = arith.addi %mul3A_444, %add3A_624 : i32
        %add3A_626 = arith.constant 1 : i32
        %add3A_627 = arith.addi %add3A_625, %add3A_626 : i32
        %convert_element_type3A_628 = arith.extui %eq3A_1 : i1 to i32
        %cond3A_629 = arith.constant 0 : i32
        %cond3A_630 = arith.cmpi ne, %convert_element_type3A_628, %cond3A_629 : i32
        scf.if %cond3A_630 {
          %dma_start3A_636 = arith.constant 0 : i32
          %dma_start3A_637 = tpu.memref_slice %arg13[%add3A_627, %dma_start3A_636] : memref<250x80xi32, #tpu.memory_space<vmem>> -> memref<1x80xi32, #tpu.memory_space<vmem>>
          %dma_start3A_638 = tpu.memref_squeeze %dma_start3A_637 : memref<1x80xi32, #tpu.memory_space<vmem>> -> memref<80xi32, #tpu.memory_space<vmem>>
          %dma_start3A_639 = arith.constant 0 : i32
          %dma_start3A_640 = arith.constant 0 : i32
          %dma_start3A_641 = tpu.memref_slice %arg2[%dma_start3A_639, %dma_start3A_640] : memref<10000x64xf32, #tpu.memory_space<hbm>> -> memref<10000x64xf32, #tpu.memory_space<hbm>>
          tpu.enqueue_indirect_dma source(%dma_start3A_641 : memref<10000x64xf32, #tpu.memory_space<hbm>>) target(%arg16 : memref<80x64xf32, #tpu.memory_space<vmem>>) offsets(%dma_start3A_638 : memref<80xi32, #tpu.memory_space<vmem>>) semaphore(%arg22 : memref<!tpu.dma_semaphore, #tpu.memory_space<semaphore_mem>>)
        } else {
        }
        %not3A_631 = arith.constant true
        %not3A_632 = arith.xori %eq3A_1, %not3A_631 : i1
        %convert_element_type3A_633 = arith.extui %not3A_632 : i1 to i32
        %cond3A_634 = arith.constant 0 : i32
        %cond3A_635 = arith.cmpi ne, %convert_element_type3A_633, %cond3A_634 : i32
        scf.if %cond3A_635 {
          %dma_start3A_636 = arith.constant 0 : i32
          %dma_start3A_637 = tpu.memref_slice %arg13[%add3A_627, %dma_start3A_636] : memref<250x80xi32, #tpu.memory_space<vmem>> -> memref<1x80xi32, #tpu.memory_space<vmem>>
          %dma_start3A_638 = tpu.memref_squeeze %dma_start3A_637 : memref<1x80xi32, #tpu.memory_space<vmem>> -> memref<80xi32, #tpu.memory_space<vmem>>
          %dma_start3A_639 = arith.constant 0 : i32
          %dma_start3A_640 = arith.constant 0 : i32
          %dma_start3A_641 = tpu.memref_slice %arg3[%dma_start3A_639, %dma_start3A_640] : memref<10000x64xf32, #tpu.memory_space<hbm>> -> memref<10000x64xf32, #tpu.memory_space<hbm>>
          tpu.enqueue_indirect_dma source(%dma_start3A_641 : memref<10000x64xf32, #tpu.memory_space<hbm>>) target(%arg16 : memref<80x64xf32, #tpu.memory_space<vmem>>) offsets(%dma_start3A_638 : memref<80xi32, #tpu.memory_space<vmem>>) semaphore(%arg22 : memref<!tpu.dma_semaphore, #tpu.memory_space<semaphore_mem>>)
        } else {
        }
      } else {
      }
      %dma_wait3A_567 = arith.constant 0 : i32
      %dma_wait3A_568 = arith.constant 0 : i32
      %dma_wait3A_569 = tpu.memref_slice %arg14[%dma_wait3A_567, %dma_wait3A_568] : memref<250x80xi32, #tpu.memory_space<vmem>> -> memref<1x80xi32, #tpu.memory_space<vmem>>
      %dma_wait3A_570 = tpu.memref_squeeze %dma_wait3A_569 : memref<1x80xi32, #tpu.memory_space<vmem>> -> memref<80xi32, #tpu.memory_space<vmem>>
      %dma_wait3A_571 = arith.constant 0 : i32
      %dma_wait3A_572 = arith.constant 0 : i32
      %dma_wait3A_573 = tpu.memref_slice %arg11[%dma_wait3A_571, %dma_wait3A_572] : memref<10240x64xf32, #tpu.memory_space<vmem_shared>> -> memref<10240x64xf32, #tpu.memory_space<vmem_shared>>
      tpu.wait_indirect_dma semaphore(%arg28 : memref<!tpu.dma_semaphore, #tpu.memory_space<semaphore_mem>>) src(%arg17 : memref<80x64xf32, #tpu.memory_space<vmem>>) dst(%dma_wait3A_573 : memref<10240x64xf32, #tpu.memory_space<vmem_shared>>)
      %add3A_574 = arith.constant 1 : i32
      %add3A_575 = arith.addi %scan3A_442, %add3A_574 : i32
      %lt3A_576 = arith.constant 50 : i32
      %lt3A_577 = arith.cmpi slt, %add3A_575, %lt3A_576 : i32
      %convert_element_type3A_578 = arith.extui %lt3A_577 : i1 to i32
      %cond3A_579 = arith.constant 0 : i32
      %cond3A_580 = arith.cmpi ne, %convert_element_type3A_578, %cond3A_579 : i32
      scf.if %cond3A_580 {
        %add3A_624 = arith.constant 5 : i32
        %add3A_625 = arith.addi %mul3A_444, %add3A_624 : i32
        %add3A_626 = arith.constant 2 : i32
        %add3A_627 = arith.addi %add3A_625, %add3A_626 : i32
        %convert_element_type3A_628 = arith.extui %eq3A_1 : i1 to i32
        %cond3A_629 = arith.constant 0 : i32
        %cond3A_630 = arith.cmpi ne, %convert_element_type3A_628, %cond3A_629 : i32
        scf.if %cond3A_630 {
          %dma_start3A_636 = arith.constant 0 : i32
          %dma_start3A_637 = tpu.memref_slice %arg13[%add3A_627, %dma_start3A_636] : memref<250x80xi32, #tpu.memory_space<vmem>> -> memref<1x80xi32, #tpu.memory_space<vmem>>
          %dma_start3A_638 = tpu.memref_squeeze %dma_start3A_637 : memref<1x80xi32, #tpu.memory_space<vmem>> -> memref<80xi32, #tpu.memory_space<vmem>>
          %dma_start3A_639 = arith.constant 0 : i32
          %dma_start3A_640 = arith.constant 0 : i32
          %dma_start3A_641 = tpu.memref_slice %arg2[%dma_start3A_639, %dma_start3A_640] : memref<10000x64xf32, #tpu.memory_space<hbm>> -> memref<10000x64xf32, #tpu.memory_space<hbm>>
          tpu.enqueue_indirect_dma source(%dma_start3A_641 : memref<10000x64xf32, #tpu.memory_space<hbm>>) target(%arg17 : memref<80x64xf32, #tpu.memory_space<vmem>>) offsets(%dma_start3A_638 : memref<80xi32, #tpu.memory_space<vmem>>) semaphore(%arg23 : memref<!tpu.dma_semaphore, #tpu.memory_space<semaphore_mem>>)
        } else {
        }
        %not3A_631 = arith.constant true
        %not3A_632 = arith.xori %eq3A_1, %not3A_631 : i1
        %convert_element_type3A_633 = arith.extui %not3A_632 : i1 to i32
        %cond3A_634 = arith.constant 0 : i32
        %cond3A_635 = arith.cmpi ne, %convert_element_type3A_633, %cond3A_634 : i32
        scf.if %cond3A_635 {
          %dma_start3A_636 = arith.constant 0 : i32
          %dma_start3A_637 = tpu.memref_slice %arg13[%add3A_627, %dma_start3A_636] : memref<250x80xi32, #tpu.memory_space<vmem>> -> memref<1x80xi32, #tpu.memory_space<vmem>>
          %dma_start3A_638 = tpu.memref_squeeze %dma_start3A_637 : memref<1x80xi32, #tpu.memory_space<vmem>> -> memref<80xi32, #tpu.memory_space<vmem>>
          %dma_start3A_639 = arith.constant 0 : i32
          %dma_start3A_640 = arith.constant 0 : i32
          %dma_start3A_641 = tpu.memref_slice %arg3[%dma_start3A_639, %dma_start3A_640] : memref<10000x64xf32, #tpu.memory_space<hbm>> -> memref<10000x64xf32, #tpu.memory_space<hbm>>
          tpu.enqueue_indirect_dma source(%dma_start3A_641 : memref<10000x64xf32, #tpu.memory_space<hbm>>) target(%arg17 : memref<80x64xf32, #tpu.memory_space<vmem>>) offsets(%dma_start3A_638 : memref<80xi32, #tpu.memory_space<vmem>>) semaphore(%arg23 : memref<!tpu.dma_semaphore, #tpu.memory_space<semaphore_mem>>)
        } else {
        }
      } else {
      }
      %dma_wait3A_581 = arith.constant 0 : i32
      %dma_wait3A_582 = arith.constant 0 : i32
      %dma_wait3A_583 = tpu.memref_slice %arg14[%dma_wait3A_581, %dma_wait3A_582] : memref<250x80xi32, #tpu.memory_space<vmem>> -> memref<1x80xi32, #tpu.memory_space<vmem>>
      %dma_wait3A_584 = tpu.memref_squeeze %dma_wait3A_583 : memref<1x80xi32, #tpu.memory_space<vmem>> -> memref<80xi32, #tpu.memory_space<vmem>>
      %dma_wait3A_585 = arith.constant 0 : i32
      %dma_wait3A_586 = arith.constant 0 : i32
      %dma_wait3A_587 = tpu.memref_slice %arg11[%dma_wait3A_585, %dma_wait3A_586] : memref<10240x64xf32, #tpu.memory_space<vmem_shared>> -> memref<10240x64xf32, #tpu.memory_space<vmem_shared>>
      tpu.wait_indirect_dma semaphore(%arg29 : memref<!tpu.dma_semaphore, #tpu.memory_space<semaphore_mem>>) src(%arg18 : memref<80x64xf32, #tpu.memory_space<vmem>>) dst(%dma_wait3A_587 : memref<10240x64xf32, #tpu.memory_space<vmem_shared>>)
      %add3A_588 = arith.constant 1 : i32
      %add3A_589 = arith.addi %scan3A_442, %add3A_588 : i32
      %lt3A_590 = arith.constant 50 : i32
      %lt3A_591 = arith.cmpi slt, %add3A_589, %lt3A_590 : i32
      %convert_element_type3A_592 = arith.extui %lt3A_591 : i1 to i32
      %cond3A_593 = arith.constant 0 : i32
      %cond3A_594 = arith.cmpi ne, %convert_element_type3A_592, %cond3A_593 : i32
      scf.if %cond3A_594 {
        %add3A_624 = arith.constant 5 : i32
        %add3A_625 = arith.addi %mul3A_444, %add3A_624 : i32
        %add3A_626 = arith.constant 3 : i32
        %add3A_627 = arith.addi %add3A_625, %add3A_626 : i32
        %convert_element_type3A_628 = arith.extui %eq3A_1 : i1 to i32
        %cond3A_629 = arith.constant 0 : i32
        %cond3A_630 = arith.cmpi ne, %convert_element_type3A_628, %cond3A_629 : i32
        scf.if %cond3A_630 {
          %dma_start3A_636 = arith.constant 0 : i32
          %dma_start3A_637 = tpu.memref_slice %arg13[%add3A_627, %dma_start3A_636] : memref<250x80xi32, #tpu.memory_space<vmem>> -> memref<1x80xi32, #tpu.memory_space<vmem>>
          %dma_start3A_638 = tpu.memref_squeeze %dma_start3A_637 : memref<1x80xi32, #tpu.memory_space<vmem>> -> memref<80xi32, #tpu.memory_space<vmem>>
          %dma_start3A_639 = arith.constant 0 : i32
          %dma_start3A_640 = arith.constant 0 : i32
          %dma_start3A_641 = tpu.memref_slice %arg2[%dma_start3A_639, %dma_start3A_640] : memref<10000x64xf32, #tpu.memory_space<hbm>> -> memref<10000x64xf32, #tpu.memory_space<hbm>>
          tpu.enqueue_indirect_dma source(%dma_start3A_641 : memref<10000x64xf32, #tpu.memory_space<hbm>>) target(%arg18 : memref<80x64xf32, #tpu.memory_space<vmem>>) offsets(%dma_start3A_638 : memref<80xi32, #tpu.memory_space<vmem>>) semaphore(%arg24 : memref<!tpu.dma_semaphore, #tpu.memory_space<semaphore_mem>>)
        } else {
        }
        %not3A_631 = arith.constant true
        %not3A_632 = arith.xori %eq3A_1, %not3A_631 : i1
        %convert_element_type3A_633 = arith.extui %not3A_632 : i1 to i32
        %cond3A_634 = arith.constant 0 : i32
        %cond3A_635 = arith.cmpi ne, %convert_element_type3A_633, %cond3A_634 : i32
        scf.if %cond3A_635 {
          %dma_start3A_636 = arith.constant 0 : i32
          %dma_start3A_637 = tpu.memref_slice %arg13[%add3A_627, %dma_start3A_636] : memref<250x80xi32, #tpu.memory_space<vmem>> -> memref<1x80xi32, #tpu.memory_space<vmem>>
          %dma_start3A_638 = tpu.memref_squeeze %dma_start3A_637 : memref<1x80xi32, #tpu.memory_space<vmem>> -> memref<80xi32, #tpu.memory_space<vmem>>
          %dma_start3A_639 = arith.constant 0 : i32
          %dma_start3A_640 = arith.constant 0 : i32
          %dma_start3A_641 = tpu.memref_slice %arg3[%dma_start3A_639, %dma_start3A_640] : memref<10000x64xf32, #tpu.memory_space<hbm>> -> memref<10000x64xf32, #tpu.memory_space<hbm>>
          tpu.enqueue_indirect_dma source(%dma_start3A_641 : memref<10000x64xf32, #tpu.memory_space<hbm>>) target(%arg18 : memref<80x64xf32, #tpu.memory_space<vmem>>) offsets(%dma_start3A_638 : memref<80xi32, #tpu.memory_space<vmem>>) semaphore(%arg24 : memref<!tpu.dma_semaphore, #tpu.memory_space<semaphore_mem>>)
        } else {
        }
      } else {
      }
      %dma_wait3A_595 = arith.constant 0 : i32
      %dma_wait3A_596 = arith.constant 0 : i32
      %dma_wait3A_597 = tpu.memref_slice %arg14[%dma_wait3A_595, %dma_wait3A_596] : memref<250x80xi32, #tpu.memory_space<vmem>> -> memref<1x80xi32, #tpu.memory_space<vmem>>
      %dma_wait3A_598 = tpu.memref_squeeze %dma_wait3A_597 : memref<1x80xi32, #tpu.memory_space<vmem>> -> memref<80xi32, #tpu.memory_space<vmem>>
      %dma_wait3A_599 = arith.constant 0 : i32
      %dma_wait3A_600 = arith.constant 0 : i32
      %dma_wait3A_601 = tpu.memref_slice %arg11[%dma_wait3A_599, %dma_wait3A_600] : memref<10240x64xf32, #tpu.memory_space<vmem_shared>> -> memref<10240x64xf32, #tpu.memory_space<vmem_shared>>
      tpu.wait_indirect_dma semaphore(%arg30 : memref<!tpu.dma_semaphore, #tpu.memory_space<semaphore_mem>>) src(%arg19 : memref<80x64xf32, #tpu.memory_space<vmem>>) dst(%dma_wait3A_601 : memref<10240x64xf32, #tpu.memory_space<vmem_shared>>)
      %add3A_602 = arith.constant 1 : i32
      %add3A_603 = arith.addi %scan3A_442, %add3A_602 : i32
      %lt3A_604 = arith.constant 50 : i32
      %lt3A_605 = arith.cmpi slt, %add3A_603, %lt3A_604 : i32
      %convert_element_type3A_606 = arith.extui %lt3A_605 : i1 to i32
      %cond3A_607 = arith.constant 0 : i32
      %cond3A_608 = arith.cmpi ne, %convert_element_type3A_606, %cond3A_607 : i32
      scf.if %cond3A_608 {
        %add3A_624 = arith.constant 5 : i32
        %add3A_625 = arith.addi %mul3A_444, %add3A_624 : i32
        %add3A_626 = arith.constant 4 : i32
        %add3A_627 = arith.addi %add3A_625, %add3A_626 : i32
        %convert_element_type3A_628 = arith.extui %eq3A_1 : i1 to i32
        %cond3A_629 = arith.constant 0 : i32
        %cond3A_630 = arith.cmpi ne, %convert_element_type3A_628, %cond3A_629 : i32
        scf.if %cond3A_630 {
          %dma_start3A_636 = arith.constant 0 : i32
          %dma_start3A_637 = tpu.memref_slice %arg13[%add3A_627, %dma_start3A_636] : memref<250x80xi32, #tpu.memory_space<vmem>> -> memref<1x80xi32, #tpu.memory_space<vmem>>
          %dma_start3A_638 = tpu.memref_squeeze %dma_start3A_637 : memref<1x80xi32, #tpu.memory_space<vmem>> -> memref<80xi32, #tpu.memory_space<vmem>>
          %dma_start3A_639 = arith.constant 0 : i32
          %dma_start3A_640 = arith.constant 0 : i32
          %dma_start3A_641 = tpu.memref_slice %arg2[%dma_start3A_639, %dma_start3A_640] : memref<10000x64xf32, #tpu.memory_space<hbm>> -> memref<10000x64xf32, #tpu.memory_space<hbm>>
          tpu.enqueue_indirect_dma source(%dma_start3A_641 : memref<10000x64xf32, #tpu.memory_space<hbm>>) target(%arg19 : memref<80x64xf32, #tpu.memory_space<vmem>>) offsets(%dma_start3A_638 : memref<80xi32, #tpu.memory_space<vmem>>) semaphore(%arg25 : memref<!tpu.dma_semaphore, #tpu.memory_space<semaphore_mem>>)
        } else {
        }
        %not3A_631 = arith.constant true
        %not3A_632 = arith.xori %eq3A_1, %not3A_631 : i1
        %convert_element_type3A_633 = arith.extui %not3A_632 : i1 to i32
        %cond3A_634 = arith.constant 0 : i32
        %cond3A_635 = arith.cmpi ne, %convert_element_type3A_633, %cond3A_634 : i32
        scf.if %cond3A_635 {
          %dma_start3A_636 = arith.constant 0 : i32
          %dma_start3A_637 = tpu.memref_slice %arg13[%add3A_627, %dma_start3A_636] : memref<250x80xi32, #tpu.memory_space<vmem>> -> memref<1x80xi32, #tpu.memory_space<vmem>>
          %dma_start3A_638 = tpu.memref_squeeze %dma_start3A_637 : memref<1x80xi32, #tpu.memory_space<vmem>> -> memref<80xi32, #tpu.memory_space<vmem>>
          %dma_start3A_639 = arith.constant 0 : i32
          %dma_start3A_640 = arith.constant 0 : i32
          %dma_start3A_641 = tpu.memref_slice %arg3[%dma_start3A_639, %dma_start3A_640] : memref<10000x64xf32, #tpu.memory_space<hbm>> -> memref<10000x64xf32, #tpu.memory_space<hbm>>
          tpu.enqueue_indirect_dma source(%dma_start3A_641 : memref<10000x64xf32, #tpu.memory_space<hbm>>) target(%arg19 : memref<80x64xf32, #tpu.memory_space<vmem>>) offsets(%dma_start3A_638 : memref<80xi32, #tpu.memory_space<vmem>>) semaphore(%arg25 : memref<!tpu.dma_semaphore, #tpu.memory_space<semaphore_mem>>)
        } else {
        }
      } else {
      }
      %convert_element_type3A_609 = arith.extui %eq3A_448 : i1 to i32
      %cond3A_610 = arith.constant 0 : i32
      %cond3A_611 = arith.cmpi ne, %convert_element_type3A_609, %cond3A_610 : i32
      scf.if %cond3A_611 {
        %dma_wait3A_624 = arith.constant 0 : i32
        %dma_wait3A_625 = arith.constant 0 : i32
        %dma_wait3A_626 = tpu.memref_slice %arg14[%dma_wait3A_624, %dma_wait3A_625] : memref<250x80xi32, #tpu.memory_space<vmem>> -> memref<1x80xi32, #tpu.memory_space<vmem>>
        %dma_wait3A_627 = tpu.memref_squeeze %dma_wait3A_626 : memref<1x80xi32, #tpu.memory_space<vmem>> -> memref<80xi32, #tpu.memory_space<vmem>>
        %dma_wait3A_628 = arith.constant 0 : i32
        %dma_wait3A_629 = arith.constant 0 : i32
        %dma_wait3A_630 = tpu.memref_slice %arg12[%dma_wait3A_628, %dma_wait3A_629] : memref<10240x16xf32, #tpu.memory_space<vmem_shared>> -> memref<10240x16xf32, #tpu.memory_space<vmem_shared>>
        tpu.wait_indirect_dma semaphore(%arg31 : memref<!tpu.dma_semaphore, #tpu.memory_space<semaphore_mem>>) src(%arg20 : memref<80x16xf32, #tpu.memory_space<vmem>>) dst(%dma_wait3A_630 : memref<10240x16xf32, #tpu.memory_space<vmem_shared>>)
      } else {
      }
      %convert_element_type3A_612 = arith.extui %eq3A_448 : i1 to i32
      %cond3A_613 = arith.constant 0 : i32
      %cond3A_614 = arith.cmpi ne, %convert_element_type3A_612, %cond3A_613 : i32
      scf.if %cond3A_614 {
        %dma_wait3A_624 = arith.constant 0 : i32
        %dma_wait3A_625 = arith.constant 0 : i32
        %dma_wait3A_626 = tpu.memref_slice %arg14[%dma_wait3A_624, %dma_wait3A_625] : memref<250x80xi32, #tpu.memory_space<vmem>> -> memref<1x80xi32, #tpu.memory_space<vmem>>
        %dma_wait3A_627 = tpu.memref_squeeze %dma_wait3A_626 : memref<1x80xi32, #tpu.memory_space<vmem>> -> memref<80xi32, #tpu.memory_space<vmem>>
        %dma_wait3A_628 = arith.constant 0 : i32
        %dma_wait3A_629 = arith.constant 0 : i32
        %dma_wait3A_630 = tpu.memref_slice %arg12[%dma_wait3A_628, %dma_wait3A_629] : memref<10240x16xf32, #tpu.memory_space<vmem_shared>> -> memref<10240x16xf32, #tpu.memory_space<vmem_shared>>
        tpu.wait_indirect_dma semaphore(%arg31 : memref<!tpu.dma_semaphore, #tpu.memory_space<semaphore_mem>>) src(%arg20 : memref<80x16xf32, #tpu.memory_space<vmem>>) dst(%dma_wait3A_630 : memref<10240x16xf32, #tpu.memory_space<vmem_shared>>)
      } else {
      }
      %convert_element_type3A_615 = arith.extui %eq3A_448 : i1 to i32
      %cond3A_616 = arith.constant 0 : i32
      %cond3A_617 = arith.cmpi ne, %convert_element_type3A_615, %cond3A_616 : i32
      scf.if %cond3A_617 {
        %dma_wait3A_624 = arith.constant 0 : i32
        %dma_wait3A_625 = arith.constant 0 : i32
        %dma_wait3A_626 = tpu.memref_slice %arg14[%dma_wait3A_624, %dma_wait3A_625] : memref<250x80xi32, #tpu.memory_space<vmem>> -> memref<1x80xi32, #tpu.memory_space<vmem>>
        %dma_wait3A_627 = tpu.memref_squeeze %dma_wait3A_626 : memref<1x80xi32, #tpu.memory_space<vmem>> -> memref<80xi32, #tpu.memory_space<vmem>>
        %dma_wait3A_628 = arith.constant 0 : i32
        %dma_wait3A_629 = arith.constant 0 : i32
        %dma_wait3A_630 = tpu.memref_slice %arg12[%dma_wait3A_628, %dma_wait3A_629] : memref<10240x16xf32, #tpu.memory_space<vmem_shared>> -> memref<10240x16xf32, #tpu.memory_space<vmem_shared>>
        tpu.wait_indirect_dma semaphore(%arg31 : memref<!tpu.dma_semaphore, #tpu.memory_space<semaphore_mem>>) src(%arg20 : memref<80x16xf32, #tpu.memory_space<vmem>>) dst(%dma_wait3A_630 : memref<10240x16xf32, #tpu.memory_space<vmem_shared>>)
      } else {
      }
      %convert_element_type3A_618 = arith.extui %eq3A_448 : i1 to i32
      %cond3A_619 = arith.constant 0 : i32
      %cond3A_620 = arith.cmpi ne, %convert_element_type3A_618, %cond3A_619 : i32
      scf.if %cond3A_620 {
        %dma_wait3A_624 = arith.constant 0 : i32
        %dma_wait3A_625 = arith.constant 0 : i32
        %dma_wait3A_626 = tpu.memref_slice %arg14[%dma_wait3A_624, %dma_wait3A_625] : memref<250x80xi32, #tpu.memory_space<vmem>> -> memref<1x80xi32, #tpu.memory_space<vmem>>
        %dma_wait3A_627 = tpu.memref_squeeze %dma_wait3A_626 : memref<1x80xi32, #tpu.memory_space<vmem>> -> memref<80xi32, #tpu.memory_space<vmem>>
        %dma_wait3A_628 = arith.constant 0 : i32
        %dma_wait3A_629 = arith.constant 0 : i32
        %dma_wait3A_630 = tpu.memref_slice %arg12[%dma_wait3A_628, %dma_wait3A_629] : memref<10240x16xf32, #tpu.memory_space<vmem_shared>> -> memref<10240x16xf32, #tpu.memory_space<vmem_shared>>
        tpu.wait_indirect_dma semaphore(%arg31 : memref<!tpu.dma_semaphore, #tpu.memory_space<semaphore_mem>>) src(%arg20 : memref<80x16xf32, #tpu.memory_space<vmem>>) dst(%dma_wait3A_630 : memref<10240x16xf32, #tpu.memory_space<vmem_shared>>)
      } else {
      }
      %convert_element_type3A_621 = arith.extui %eq3A_448 : i1 to i32
      %cond3A_622 = arith.constant 0 : i32
      %cond3A_623 = arith.cmpi ne, %convert_element_type3A_621, %cond3A_622 : i32
      scf.if %cond3A_623 {
        %dma_wait3A_624 = arith.constant 0 : i32
        %dma_wait3A_625 = arith.constant 0 : i32
        %dma_wait3A_626 = tpu.memref_slice %arg14[%dma_wait3A_624, %dma_wait3A_625] : memref<250x80xi32, #tpu.memory_space<vmem>> -> memref<1x80xi32, #tpu.memory_space<vmem>>
        %dma_wait3A_627 = tpu.memref_squeeze %dma_wait3A_626 : memref<1x80xi32, #tpu.memory_space<vmem>> -> memref<80xi32, #tpu.memory_space<vmem>>
        %dma_wait3A_628 = arith.constant 0 : i32
        %dma_wait3A_629 = arith.constant 0 : i32
        %dma_wait3A_630 = tpu.memref_slice %arg12[%dma_wait3A_628, %dma_wait3A_629] : memref<10240x16xf32, #tpu.memory_space<vmem_shared>> -> memref<10240x16xf32, #tpu.memory_space<vmem_shared>>
        tpu.wait_indirect_dma semaphore(%arg31 : memref<!tpu.dma_semaphore, #tpu.memory_space<semaphore_mem>>) src(%arg20 : memref<80x16xf32, #tpu.memory_space<vmem>>) dst(%dma_wait3A_630 : memref<10240x16xf32, #tpu.memory_space<vmem_shared>>)
      } else {
      }
    }
    %scan3A_264 = arith.constant 50 : i32
    %barrier3A_265 = arith.constant 0 : index
    tpu.barrier barrier_id(%barrier3A_265)
    %add3A_266 = arith.constant 0 : i32
    %add3A_267 = arith.addi %mul3A_0, %add3A_266 : i32
    "tpu.region"() ({
      %run_scoped3A = tpu.sem_alloc : memref<!tpu.dma_semaphore, #tpu.memory_space<semaphore_mem>>
      %dma_start3A_442 = arith.constant 0 : i32
      %dma_start3A_443 = tpu.memref_slice %arg11[%add3A_267, %dma_start3A_442] : memref<10240x64xf32, #tpu.memory_space<vmem_shared>> -> memref<80x64xf32, #tpu.memory_space<vmem_shared>>
      %dma_start3A_444 = arith.constant 0 : i32
      %dma_start3A_445 = tpu.memref_slice %arg11[%add3A_267, %dma_start3A_444] : memref<10240x64xf32, #tpu.memory_space<vmem_shared>> -> memref<80x64xf32, #tpu.memory_space<vmem_shared>>
      tpu.enqueue_dma source(%dma_start3A_445 : memref<80x64xf32, #tpu.memory_space<vmem_shared>>) target(%arg15 : memref<80x64xf32, #tpu.memory_space<vmem>>) target_semaphore(%run_scoped3A : memref<!tpu.dma_semaphore, #tpu.memory_space<semaphore_mem>>)
      %dma_wait3A_446 = arith.constant 0 : i32
      %dma_wait3A_447 = tpu.memref_slice %arg11[%add3A_267, %dma_wait3A_446] : memref<10240x64xf32, #tpu.memory_space<vmem_shared>> -> memref<80x64xf32, #tpu.memory_space<vmem_shared>>
      %dma_wait3A_448 = arith.constant 0 : i32
      %dma_wait3A_449 = tpu.memref_slice %arg11[%add3A_267, %dma_wait3A_448] : memref<10240x64xf32, #tpu.memory_space<vmem_shared>> -> memref<80x64xf32, #tpu.memory_space<vmem_shared>>
      tpu.wait_dma2 semaphore(%run_scoped3A : memref<!tpu.dma_semaphore, #tpu.memory_space<semaphore_mem>>) src(%dma_wait3A_449 : memref<80x64xf32, #tpu.memory_space<vmem_shared>>) dst(%arg15 : memref<80x64xf32, #tpu.memory_space<vmem>>)
      tpu.yield
    }) : () -> ()
    %add3A_268 = arith.constant 0 : i32
    %add3A_269 = arith.addi %mul3A_0, %add3A_268 : i32
    %dma_start3A_270 = arith.constant 0 : i32
    %dma_start3A_271 = tpu.memref_slice %arg9[%arg0, %add3A_269, %dma_start3A_270] : memref<2x10240x64xf32, #tpu.memory_space<hbm>> -> memref<1x80x64xf32, #tpu.memory_space<hbm>>
    %dma_start3A_272 = tpu.memref_squeeze %dma_start3A_271 : memref<1x80x64xf32, #tpu.memory_space<hbm>> -> memref<80x64xf32, #tpu.memory_space<hbm>>
    %dma_start3A_273 = arith.constant 0 : i32
    %dma_start3A_274 = tpu.memref_slice %arg9[%arg0, %add3A_269, %dma_start3A_273] : memref<2x10240x64xf32, #tpu.memory_space<hbm>> -> memref<1x80x64xf32, #tpu.memory_space<hbm>>
    %dma_start3A_275 = tpu.memref_squeeze %dma_start3A_274 : memref<1x80x64xf32, #tpu.memory_space<hbm>> -> memref<80x64xf32, #tpu.memory_space<hbm>>
    tpu.enqueue_dma source(%arg15 : memref<80x64xf32, #tpu.memory_space<vmem>>) target(%dma_start3A_275 : memref<80x64xf32, #tpu.memory_space<hbm>>) target_semaphore(%arg26 : memref<!tpu.dma_semaphore, #tpu.memory_space<semaphore_mem>>)
    %add3A_276 = arith.constant 80 : i32
    %add3A_277 = arith.addi %mul3A_0, %add3A_276 : i32
    "tpu.region"() ({
      %run_scoped3A = tpu.sem_alloc : memref<!tpu.dma_semaphore, #tpu.memory_space<semaphore_mem>>
      %dma_start3A_442 = arith.constant 0 : i32
      %dma_start3A_443 = tpu.memref_slice %arg11[%add3A_277, %dma_start3A_442] : memref<10240x64xf32, #tpu.memory_space<vmem_shared>> -> memref<80x64xf32, #tpu.memory_space<vmem_shared>>
      %dma_start3A_444 = arith.constant 0 : i32
      %dma_start3A_445 = tpu.memref_slice %arg11[%add3A_277, %dma_start3A_444] : memref<10240x64xf32, #tpu.memory_space<vmem_shared>> -> memref<80x64xf32, #tpu.memory_space<vmem_shared>>
      tpu.enqueue_dma source(%dma_start3A_445 : memref<80x64xf32, #tpu.memory_space<vmem_shared>>) target(%arg16 : memref<80x64xf32, #tpu.memory_space<vmem>>) target_semaphore(%run_scoped3A : memref<!tpu.dma_semaphore, #tpu.memory_space<semaphore_mem>>)
      %dma_wait3A_446 = arith.constant 0 : i32
      %dma_wait3A_447 = tpu.memref_slice %arg11[%add3A_277, %dma_wait3A_446] : memref<10240x64xf32, #tpu.memory_space<vmem_shared>> -> memref<80x64xf32, #tpu.memory_space<vmem_shared>>
      %dma_wait3A_448 = arith.constant 0 : i32
      %dma_wait3A_449 = tpu.memref_slice %arg11[%add3A_277, %dma_wait3A_448] : memref<10240x64xf32, #tpu.memory_space<vmem_shared>> -> memref<80x64xf32, #tpu.memory_space<vmem_shared>>
      tpu.wait_dma2 semaphore(%run_scoped3A : memref<!tpu.dma_semaphore, #tpu.memory_space<semaphore_mem>>) src(%dma_wait3A_449 : memref<80x64xf32, #tpu.memory_space<vmem_shared>>) dst(%arg16 : memref<80x64xf32, #tpu.memory_space<vmem>>)
      tpu.yield
    }) : () -> ()
    %add3A_278 = arith.constant 80 : i32
    %add3A_279 = arith.addi %mul3A_0, %add3A_278 : i32
    %dma_start3A_280 = arith.constant 0 : i32
    %dma_start3A_281 = tpu.memref_slice %arg9[%arg0, %add3A_279, %dma_start3A_280] : memref<2x10240x64xf32, #tpu.memory_space<hbm>> -> memref<1x80x64xf32, #tpu.memory_space<hbm>>
    %dma_start3A_282 = tpu.memref_squeeze %dma_start3A_281 : memref<1x80x64xf32, #tpu.memory_space<hbm>> -> memref<80x64xf32, #tpu.memory_space<hbm>>
    %dma_start3A_283 = arith.constant 0 : i32
    %dma_start3A_284 = tpu.memref_slice %arg9[%arg0, %add3A_279, %dma_start3A_283] : memref<2x10240x64xf32, #tpu.memory_space<hbm>> -> memref<1x80x64xf32, #tpu.memory_space<hbm>>
    %dma_start3A_285 = tpu.memref_squeeze %dma_start3A_284 : memref<1x80x64xf32, #tpu.memory_space<hbm>> -> memref<80x64xf32, #tpu.memory_space<hbm>>
    tpu.enqueue_dma source(%arg16 : memref<80x64xf32, #tpu.memory_space<vmem>>) target(%dma_start3A_285 : memref<80x64xf32, #tpu.memory_space<hbm>>) target_semaphore(%arg27 : memref<!tpu.dma_semaphore, #tpu.memory_space<semaphore_mem>>)
    %add3A_286 = arith.constant 160 : i32
    %add3A_287 = arith.addi %mul3A_0, %add3A_286 : i32
    "tpu.region"() ({
      %run_scoped3A = tpu.sem_alloc : memref<!tpu.dma_semaphore, #tpu.memory_space<semaphore_mem>>
      %dma_start3A_442 = arith.constant 0 : i32
      %dma_start3A_443 = tpu.memref_slice %arg11[%add3A_287, %dma_start3A_442] : memref<10240x64xf32, #tpu.memory_space<vmem_shared>> -> memref<80x64xf32, #tpu.memory_space<vmem_shared>>
      %dma_start3A_444 = arith.constant 0 : i32
      %dma_start3A_445 = tpu.memref_slice %arg11[%add3A_287, %dma_start3A_444] : memref<10240x64xf32, #tpu.memory_space<vmem_shared>> -> memref<80x64xf32, #tpu.memory_space<vmem_shared>>
      tpu.enqueue_dma source(%dma_start3A_445 : memref<80x64xf32, #tpu.memory_space<vmem_shared>>) target(%arg17 : memref<80x64xf32, #tpu.memory_space<vmem>>) target_semaphore(%run_scoped3A : memref<!tpu.dma_semaphore, #tpu.memory_space<semaphore_mem>>)
      %dma_wait3A_446 = arith.constant 0 : i32
      %dma_wait3A_447 = tpu.memref_slice %arg11[%add3A_287, %dma_wait3A_446] : memref<10240x64xf32, #tpu.memory_space<vmem_shared>> -> memref<80x64xf32, #tpu.memory_space<vmem_shared>>
      %dma_wait3A_448 = arith.constant 0 : i32
      %dma_wait3A_449 = tpu.memref_slice %arg11[%add3A_287, %dma_wait3A_448] : memref<10240x64xf32, #tpu.memory_space<vmem_shared>> -> memref<80x64xf32, #tpu.memory_space<vmem_shared>>
      tpu.wait_dma2 semaphore(%run_scoped3A : memref<!tpu.dma_semaphore, #tpu.memory_space<semaphore_mem>>) src(%dma_wait3A_449 : memref<80x64xf32, #tpu.memory_space<vmem_shared>>) dst(%arg17 : memref<80x64xf32, #tpu.memory_space<vmem>>)
      tpu.yield
    }) : () -> ()
    %add3A_288 = arith.constant 160 : i32
    %add3A_289 = arith.addi %mul3A_0, %add3A_288 : i32
    %dma_start3A_290 = arith.constant 0 : i32
    %dma_start3A_291 = tpu.memref_slice %arg9[%arg0, %add3A_289, %dma_start3A_290] : memref<2x10240x64xf32, #tpu.memory_space<hbm>> -> memref<1x80x64xf32, #tpu.memory_space<hbm>>
    %dma_start3A_292 = tpu.memref_squeeze %dma_start3A_291 : memref<1x80x64xf32, #tpu.memory_space<hbm>> -> memref<80x64xf32, #tpu.memory_space<hbm>>
    %dma_start3A_293 = arith.constant 0 : i32
    %dma_start3A_294 = tpu.memref_slice %arg9[%arg0, %add3A_289, %dma_start3A_293] : memref<2x10240x64xf32, #tpu.memory_space<hbm>> -> memref<1x80x64xf32, #tpu.memory_space<hbm>>
    %dma_start3A_295 = tpu.memref_squeeze %dma_start3A_294 : memref<1x80x64xf32, #tpu.memory_space<hbm>> -> memref<80x64xf32, #tpu.memory_space<hbm>>
    tpu.enqueue_dma source(%arg17 : memref<80x64xf32, #tpu.memory_space<vmem>>) target(%dma_start3A_295 : memref<80x64xf32, #tpu.memory_space<hbm>>) target_semaphore(%arg28 : memref<!tpu.dma_semaphore, #tpu.memory_space<semaphore_mem>>)
    %add3A_296 = arith.constant 240 : i32
    %add3A_297 = arith.addi %mul3A_0, %add3A_296 : i32
    "tpu.region"() ({
      %run_scoped3A = tpu.sem_alloc : memref<!tpu.dma_semaphore, #tpu.memory_space<semaphore_mem>>
      %dma_start3A_442 = arith.constant 0 : i32
      %dma_start3A_443 = tpu.memref_slice %arg11[%add3A_297, %dma_start3A_442] : memref<10240x64xf32, #tpu.memory_space<vmem_shared>> -> memref<80x64xf32, #tpu.memory_space<vmem_shared>>
      %dma_start3A_444 = arith.constant 0 : i32
      %dma_start3A_445 = tpu.memref_slice %arg11[%add3A_297, %dma_start3A_444] : memref<10240x64xf32, #tpu.memory_space<vmem_shared>> -> memref<80x64xf32, #tpu.memory_space<vmem_shared>>
      tpu.enqueue_dma source(%dma_start3A_445 : memref<80x64xf32, #tpu.memory_space<vmem_shared>>) target(%arg18 : memref<80x64xf32, #tpu.memory_space<vmem>>) target_semaphore(%run_scoped3A : memref<!tpu.dma_semaphore, #tpu.memory_space<semaphore_mem>>)
      %dma_wait3A_446 = arith.constant 0 : i32
      %dma_wait3A_447 = tpu.memref_slice %arg11[%add3A_297, %dma_wait3A_446] : memref<10240x64xf32, #tpu.memory_space<vmem_shared>> -> memref<80x64xf32, #tpu.memory_space<vmem_shared>>
      %dma_wait3A_448 = arith.constant 0 : i32
      %dma_wait3A_449 = tpu.memref_slice %arg11[%add3A_297, %dma_wait3A_448] : memref<10240x64xf32, #tpu.memory_space<vmem_shared>> -> memref<80x64xf32, #tpu.memory_space<vmem_shared>>
      tpu.wait_dma2 semaphore(%run_scoped3A : memref<!tpu.dma_semaphore, #tpu.memory_space<semaphore_mem>>) src(%dma_wait3A_449 : memref<80x64xf32, #tpu.memory_space<vmem_shared>>) dst(%arg18 : memref<80x64xf32, #tpu.memory_space<vmem>>)
      tpu.yield
    }) : () -> ()
    %add3A_298 = arith.constant 240 : i32
    %add3A_299 = arith.addi %mul3A_0, %add3A_298 : i32
    %dma_start3A_300 = arith.constant 0 : i32
    %dma_start3A_301 = tpu.memref_slice %arg9[%arg0, %add3A_299, %dma_start3A_300] : memref<2x10240x64xf32, #tpu.memory_space<hbm>> -> memref<1x80x64xf32, #tpu.memory_space<hbm>>
    %dma_start3A_302 = tpu.memref_squeeze %dma_start3A_301 : memref<1x80x64xf32, #tpu.memory_space<hbm>> -> memref<80x64xf32, #tpu.memory_space<hbm>>
    %dma_start3A_303 = arith.constant 0 : i32
    %dma_start3A_304 = tpu.memref_slice %arg9[%arg0, %add3A_299, %dma_start3A_303] : memref<2x10240x64xf32, #tpu.memory_space<hbm>> -> memref<1x80x64xf32, #tpu.memory_space<hbm>>
    %dma_start3A_305 = tpu.memref_squeeze %dma_start3A_304 : memref<1x80x64xf32, #tpu.memory_space<hbm>> -> memref<80x64xf32, #tpu.memory_space<hbm>>
    tpu.enqueue_dma source(%arg18 : memref<80x64xf32, #tpu.memory_space<vmem>>) target(%dma_start3A_305 : memref<80x64xf32, #tpu.memory_space<hbm>>) target_semaphore(%arg29 : memref<!tpu.dma_semaphore, #tpu.memory_space<semaphore_mem>>)
    %add3A_306 = arith.constant 320 : i32
    %add3A_307 = arith.addi %mul3A_0, %add3A_306 : i32
    "tpu.region"() ({
      %run_scoped3A = tpu.sem_alloc : memref<!tpu.dma_semaphore, #tpu.memory_space<semaphore_mem>>
      %dma_start3A_442 = arith.constant 0 : i32
      %dma_start3A_443 = tpu.memref_slice %arg11[%add3A_307, %dma_start3A_442] : memref<10240x64xf32, #tpu.memory_space<vmem_shared>> -> memref<80x64xf32, #tpu.memory_space<vmem_shared>>
      %dma_start3A_444 = arith.constant 0 : i32
      %dma_start3A_445 = tpu.memref_slice %arg11[%add3A_307, %dma_start3A_444] : memref<10240x64xf32, #tpu.memory_space<vmem_shared>> -> memref<80x64xf32, #tpu.memory_space<vmem_shared>>
      tpu.enqueue_dma source(%dma_start3A_445 : memref<80x64xf32, #tpu.memory_space<vmem_shared>>) target(%arg19 : memref<80x64xf32, #tpu.memory_space<vmem>>) target_semaphore(%run_scoped3A : memref<!tpu.dma_semaphore, #tpu.memory_space<semaphore_mem>>)
      %dma_wait3A_446 = arith.constant 0 : i32
      %dma_wait3A_447 = tpu.memref_slice %arg11[%add3A_307, %dma_wait3A_446] : memref<10240x64xf32, #tpu.memory_space<vmem_shared>> -> memref<80x64xf32, #tpu.memory_space<vmem_shared>>
      %dma_wait3A_448 = arith.constant 0 : i32
      %dma_wait3A_449 = tpu.memref_slice %arg11[%add3A_307, %dma_wait3A_448] : memref<10240x64xf32, #tpu.memory_space<vmem_shared>> -> memref<80x64xf32, #tpu.memory_space<vmem_shared>>
      tpu.wait_dma2 semaphore(%run_scoped3A : memref<!tpu.dma_semaphore, #tpu.memory_space<semaphore_mem>>) src(%dma_wait3A_449 : memref<80x64xf32, #tpu.memory_space<vmem_shared>>) dst(%arg19 : memref<80x64xf32, #tpu.memory_space<vmem>>)
      tpu.yield
    }) : () -> ()
    %add3A_308 = arith.constant 320 : i32
    %add3A_309 = arith.addi %mul3A_0, %add3A_308 : i32
    %dma_start3A_310 = arith.constant 0 : i32
    %dma_start3A_311 = tpu.memref_slice %arg9[%arg0, %add3A_309, %dma_start3A_310] : memref<2x10240x64xf32, #tpu.memory_space<hbm>> -> memref<1x80x64xf32, #tpu.memory_space<hbm>>
    %dma_start3A_312 = tpu.memref_squeeze %dma_start3A_311 : memref<1x80x64xf32, #tpu.memory_space<hbm>> -> memref<80x64xf32, #tpu.memory_space<hbm>>
    %dma_start3A_313 = arith.constant 0 : i32
    %dma_start3A_314 = tpu.memref_slice %arg9[%arg0, %add3A_309, %dma_start3A_313] : memref<2x10240x64xf32, #tpu.memory_space<hbm>> -> memref<1x80x64xf32, #tpu.memory_space<hbm>>
    %dma_start3A_315 = tpu.memref_squeeze %dma_start3A_314 : memref<1x80x64xf32, #tpu.memory_space<hbm>> -> memref<80x64xf32, #tpu.memory_space<hbm>>
    tpu.enqueue_dma source(%arg19 : memref<80x64xf32, #tpu.memory_space<vmem>>) target(%dma_start3A_315 : memref<80x64xf32, #tpu.memory_space<hbm>>) target_semaphore(%arg30 : memref<!tpu.dma_semaphore, #tpu.memory_space<semaphore_mem>>)
    %add3A_316 = arith.constant 0 : i32
    %add3A_317 = arith.addi %mul3A_0, %add3A_316 : i32
    %dma_wait3A_318 = arith.constant 0 : i32
    %dma_wait3A_319 = tpu.memref_slice %arg9[%arg0, %add3A_317, %dma_wait3A_318] : memref<2x10240x64xf32, #tpu.memory_space<hbm>> -> memref<1x80x64xf32, #tpu.memory_space<hbm>>
    %dma_wait3A_320 = tpu.memref_squeeze %dma_wait3A_319 : memref<1x80x64xf32, #tpu.memory_space<hbm>> -> memref<80x64xf32, #tpu.memory_space<hbm>>
    %dma_wait3A_321 = arith.constant 0 : i32
    %dma_wait3A_322 = tpu.memref_slice %arg9[%arg0, %add3A_317, %dma_wait3A_321] : memref<2x10240x64xf32, #tpu.memory_space<hbm>> -> memref<1x80x64xf32, #tpu.memory_space<hbm>>
    %dma_wait3A_323 = tpu.memref_squeeze %dma_wait3A_322 : memref<1x80x64xf32, #tpu.memory_space<hbm>> -> memref<80x64xf32, #tpu.memory_space<hbm>>
    tpu.wait_dma2 semaphore(%arg26 : memref<!tpu.dma_semaphore, #tpu.memory_space<semaphore_mem>>) src(%arg15 : memref<80x64xf32, #tpu.memory_space<vmem>>) dst(%dma_wait3A_323 : memref<80x64xf32, #tpu.memory_space<hbm>>)
    %add3A_324 = arith.constant 400 : i32
    %add3A_325 = arith.addi %mul3A_0, %add3A_324 : i32
    "tpu.region"() ({
      %run_scoped3A = tpu.sem_alloc : memref<!tpu.dma_semaphore, #tpu.memory_space<semaphore_mem>>
      %dma_start3A_442 = arith.constant 0 : i32
      %dma_start3A_443 = tpu.memref_slice %arg11[%add3A_325, %dma_start3A_442] : memref<10240x64xf32, #tpu.memory_space<vmem_shared>> -> memref<80x64xf32, #tpu.memory_space<vmem_shared>>
      %dma_start3A_444 = arith.constant 0 : i32
      %dma_start3A_445 = tpu.memref_slice %arg11[%add3A_325, %dma_start3A_444] : memref<10240x64xf32, #tpu.memory_space<vmem_shared>> -> memref<80x64xf32, #tpu.memory_space<vmem_shared>>
      tpu.enqueue_dma source(%dma_start3A_445 : memref<80x64xf32, #tpu.memory_space<vmem_shared>>) target(%arg15 : memref<80x64xf32, #tpu.memory_space<vmem>>) target_semaphore(%run_scoped3A : memref<!tpu.dma_semaphore, #tpu.memory_space<semaphore_mem>>)
      %dma_wait3A_446 = arith.constant 0 : i32
      %dma_wait3A_447 = tpu.memref_slice %arg11[%add3A_325, %dma_wait3A_446] : memref<10240x64xf32, #tpu.memory_space<vmem_shared>> -> memref<80x64xf32, #tpu.memory_space<vmem_shared>>
      %dma_wait3A_448 = arith.constant 0 : i32
      %dma_wait3A_449 = tpu.memref_slice %arg11[%add3A_325, %dma_wait3A_448] : memref<10240x64xf32, #tpu.memory_space<vmem_shared>> -> memref<80x64xf32, #tpu.memory_space<vmem_shared>>
      tpu.wait_dma2 semaphore(%run_scoped3A : memref<!tpu.dma_semaphore, #tpu.memory_space<semaphore_mem>>) src(%dma_wait3A_449 : memref<80x64xf32, #tpu.memory_space<vmem_shared>>) dst(%arg15 : memref<80x64xf32, #tpu.memory_space<vmem>>)
      tpu.yield
    }) : () -> ()
    %add3A_326 = arith.constant 400 : i32
    %add3A_327 = arith.addi %mul3A_0, %add3A_326 : i32
    %dma_start3A_328 = arith.constant 0 : i32
    %dma_start3A_329 = tpu.memref_slice %arg9[%arg0, %add3A_327, %dma_start3A_328] : memref<2x10240x64xf32, #tpu.memory_space<hbm>> -> memref<1x80x64xf32, #tpu.memory_space<hbm>>
    %dma_start3A_330 = tpu.memref_squeeze %dma_start3A_329 : memref<1x80x64xf32, #tpu.memory_space<hbm>> -> memref<80x64xf32, #tpu.memory_space<hbm>>
    %dma_start3A_331 = arith.constant 0 : i32
    %dma_start3A_332 = tpu.memref_slice %arg9[%arg0, %add3A_327, %dma_start3A_331] : memref<2x10240x64xf32, #tpu.memory_space<hbm>> -> memref<1x80x64xf32, #tpu.memory_space<hbm>>
    %dma_start3A_333 = tpu.memref_squeeze %dma_start3A_332 : memref<1x80x64xf32, #tpu.memory_space<hbm>> -> memref<80x64xf32, #tpu.memory_space<hbm>>
    tpu.enqueue_dma source(%arg15 : memref<80x64xf32, #tpu.memory_space<vmem>>) target(%dma_start3A_333 : memref<80x64xf32, #tpu.memory_space<hbm>>) target_semaphore(%arg26 : memref<!tpu.dma_semaphore, #tpu.memory_space<semaphore_mem>>)
    %add3A_334 = arith.constant 80 : i32
    %add3A_335 = arith.addi %mul3A_0, %add3A_334 : i32
    %dma_wait3A_336 = arith.constant 0 : i32
    %dma_wait3A_337 = tpu.memref_slice %arg9[%arg0, %add3A_335, %dma_wait3A_336] : memref<2x10240x64xf32, #tpu.memory_space<hbm>> -> memref<1x80x64xf32, #tpu.memory_space<hbm>>
    %dma_wait3A_338 = tpu.memref_squeeze %dma_wait3A_337 : memref<1x80x64xf32, #tpu.memory_space<hbm>> -> memref<80x64xf32, #tpu.memory_space<hbm>>
    %dma_wait3A_339 = arith.constant 0 : i32
    %dma_wait3A_340 = tpu.memref_slice %arg9[%arg0, %add3A_335, %dma_wait3A_339] : memref<2x10240x64xf32, #tpu.memory_space<hbm>> -> memref<1x80x64xf32, #tpu.memory_space<hbm>>
    %dma_wait3A_341 = tpu.memref_squeeze %dma_wait3A_340 : memref<1x80x64xf32, #tpu.memory_space<hbm>> -> memref<80x64xf32, #tpu.memory_space<hbm>>
    tpu.wait_dma2 semaphore(%arg27 : memref<!tpu.dma_semaphore, #tpu.memory_space<semaphore_mem>>) src(%arg16 : memref<80x64xf32, #tpu.memory_space<vmem>>) dst(%dma_wait3A_341 : memref<80x64xf32, #tpu.memory_space<hbm>>)
    %add3A_342 = arith.constant 480 : i32
    %add3A_343 = arith.addi %mul3A_0, %add3A_342 : i32
    "tpu.region"() ({
      %run_scoped3A = tpu.sem_alloc : memref<!tpu.dma_semaphore, #tpu.memory_space<semaphore_mem>>
      %dma_start3A_442 = arith.constant 0 : i32
      %dma_start3A_443 = tpu.memref_slice %arg11[%add3A_343, %dma_start3A_442] : memref<10240x64xf32, #tpu.memory_space<vmem_shared>> -> memref<80x64xf32, #tpu.memory_space<vmem_shared>>
      %dma_start3A_444 = arith.constant 0 : i32
      %dma_start3A_445 = tpu.memref_slice %arg11[%add3A_343, %dma_start3A_444] : memref<10240x64xf32, #tpu.memory_space<vmem_shared>> -> memref<80x64xf32, #tpu.memory_space<vmem_shared>>
      tpu.enqueue_dma source(%dma_start3A_445 : memref<80x64xf32, #tpu.memory_space<vmem_shared>>) target(%arg16 : memref<80x64xf32, #tpu.memory_space<vmem>>) target_semaphore(%run_scoped3A : memref<!tpu.dma_semaphore, #tpu.memory_space<semaphore_mem>>)
      %dma_wait3A_446 = arith.constant 0 : i32
      %dma_wait3A_447 = tpu.memref_slice %arg11[%add3A_343, %dma_wait3A_446] : memref<10240x64xf32, #tpu.memory_space<vmem_shared>> -> memref<80x64xf32, #tpu.memory_space<vmem_shared>>
      %dma_wait3A_448 = arith.constant 0 : i32
      %dma_wait3A_449 = tpu.memref_slice %arg11[%add3A_343, %dma_wait3A_448] : memref<10240x64xf32, #tpu.memory_space<vmem_shared>> -> memref<80x64xf32, #tpu.memory_space<vmem_shared>>
      tpu.wait_dma2 semaphore(%run_scoped3A : memref<!tpu.dma_semaphore, #tpu.memory_space<semaphore_mem>>) src(%dma_wait3A_449 : memref<80x64xf32, #tpu.memory_space<vmem_shared>>) dst(%arg16 : memref<80x64xf32, #tpu.memory_space<vmem>>)
      tpu.yield
    }) : () -> ()
    %add3A_344 = arith.constant 480 : i32
    %add3A_345 = arith.addi %mul3A_0, %add3A_344 : i32
    %dma_start3A_346 = arith.constant 0 : i32
    %dma_start3A_347 = tpu.memref_slice %arg9[%arg0, %add3A_345, %dma_start3A_346] : memref<2x10240x64xf32, #tpu.memory_space<hbm>> -> memref<1x80x64xf32, #tpu.memory_space<hbm>>
    %dma_start3A_348 = tpu.memref_squeeze %dma_start3A_347 : memref<1x80x64xf32, #tpu.memory_space<hbm>> -> memref<80x64xf32, #tpu.memory_space<hbm>>
    %dma_start3A_349 = arith.constant 0 : i32
    %dma_start3A_350 = tpu.memref_slice %arg9[%arg0, %add3A_345, %dma_start3A_349] : memref<2x10240x64xf32, #tpu.memory_space<hbm>> -> memref<1x80x64xf32, #tpu.memory_space<hbm>>
    %dma_start3A_351 = tpu.memref_squeeze %dma_start3A_350 : memref<1x80x64xf32, #tpu.memory_space<hbm>> -> memref<80x64xf32, #tpu.memory_space<hbm>>
    tpu.enqueue_dma source(%arg16 : memref<80x64xf32, #tpu.memory_space<vmem>>) target(%dma_start3A_351 : memref<80x64xf32, #tpu.memory_space<hbm>>) target_semaphore(%arg27 : memref<!tpu.dma_semaphore, #tpu.memory_space<semaphore_mem>>)
    %add3A_352 = arith.constant 160 : i32
    %add3A_353 = arith.addi %mul3A_0, %add3A_352 : i32
    %dma_wait3A_354 = arith.constant 0 : i32
    %dma_wait3A_355 = tpu.memref_slice %arg9[%arg0, %add3A_353, %dma_wait3A_354] : memref<2x10240x64xf32, #tpu.memory_space<hbm>> -> memref<1x80x64xf32, #tpu.memory_space<hbm>>
    %dma_wait3A_356 = tpu.memref_squeeze %dma_wait3A_355 : memref<1x80x64xf32, #tpu.memory_space<hbm>> -> memref<80x64xf32, #tpu.memory_space<hbm>>
    %dma_wait3A_357 = arith.constant 0 : i32
    %dma_wait3A_358 = tpu.memref_slice %arg9[%arg0, %add3A_353, %dma_wait3A_357] : memref<2x10240x64xf32, #tpu.memory_space<hbm>> -> memref<1x80x64xf32, #tpu.memory_space<hbm>>
    %dma_wait3A_359 = tpu.memref_squeeze %dma_wait3A_358 : memref<1x80x64xf32, #tpu.memory_space<hbm>> -> memref<80x64xf32, #tpu.memory_space<hbm>>
    tpu.wait_dma2 semaphore(%arg28 : memref<!tpu.dma_semaphore, #tpu.memory_space<semaphore_mem>>) src(%arg17 : memref<80x64xf32, #tpu.memory_space<vmem>>) dst(%dma_wait3A_359 : memref<80x64xf32, #tpu.memory_space<hbm>>)
    %add3A_360 = arith.constant 560 : i32
    %add3A_361 = arith.addi %mul3A_0, %add3A_360 : i32
    "tpu.region"() ({
      %run_scoped3A = tpu.sem_alloc : memref<!tpu.dma_semaphore, #tpu.memory_space<semaphore_mem>>
      %dma_start3A_442 = arith.constant 0 : i32
      %dma_start3A_443 = tpu.memref_slice %arg11[%add3A_361, %dma_start3A_442] : memref<10240x64xf32, #tpu.memory_space<vmem_shared>> -> memref<80x64xf32, #tpu.memory_space<vmem_shared>>
      %dma_start3A_444 = arith.constant 0 : i32
      %dma_start3A_445 = tpu.memref_slice %arg11[%add3A_361, %dma_start3A_444] : memref<10240x64xf32, #tpu.memory_space<vmem_shared>> -> memref<80x64xf32, #tpu.memory_space<vmem_shared>>
      tpu.enqueue_dma source(%dma_start3A_445 : memref<80x64xf32, #tpu.memory_space<vmem_shared>>) target(%arg17 : memref<80x64xf32, #tpu.memory_space<vmem>>) target_semaphore(%run_scoped3A : memref<!tpu.dma_semaphore, #tpu.memory_space<semaphore_mem>>)
      %dma_wait3A_446 = arith.constant 0 : i32
      %dma_wait3A_447 = tpu.memref_slice %arg11[%add3A_361, %dma_wait3A_446] : memref<10240x64xf32, #tpu.memory_space<vmem_shared>> -> memref<80x64xf32, #tpu.memory_space<vmem_shared>>
      %dma_wait3A_448 = arith.constant 0 : i32
      %dma_wait3A_449 = tpu.memref_slice %arg11[%add3A_361, %dma_wait3A_448] : memref<10240x64xf32, #tpu.memory_space<vmem_shared>> -> memref<80x64xf32, #tpu.memory_space<vmem_shared>>
      tpu.wait_dma2 semaphore(%run_scoped3A : memref<!tpu.dma_semaphore, #tpu.memory_space<semaphore_mem>>) src(%dma_wait3A_449 : memref<80x64xf32, #tpu.memory_space<vmem_shared>>) dst(%arg17 : memref<80x64xf32, #tpu.memory_space<vmem>>)
      tpu.yield
    }) : () -> ()
    %add3A_362 = arith.constant 560 : i32
    %add3A_363 = arith.addi %mul3A_0, %add3A_362 : i32
    %dma_start3A_364 = arith.constant 0 : i32
    %dma_start3A_365 = tpu.memref_slice %arg9[%arg0, %add3A_363, %dma_start3A_364] : memref<2x10240x64xf32, #tpu.memory_space<hbm>> -> memref<1x80x64xf32, #tpu.memory_space<hbm>>
    %dma_start3A_366 = tpu.memref_squeeze %dma_start3A_365 : memref<1x80x64xf32, #tpu.memory_space<hbm>> -> memref<80x64xf32, #tpu.memory_space<hbm>>
    %dma_start3A_367 = arith.constant 0 : i32
    %dma_start3A_368 = tpu.memref_slice %arg9[%arg0, %add3A_363, %dma_start3A_367] : memref<2x10240x64xf32, #tpu.memory_space<hbm>> -> memref<1x80x64xf32, #tpu.memory_space<hbm>>
    %dma_start3A_369 = tpu.memref_squeeze %dma_start3A_368 : memref<1x80x64xf32, #tpu.memory_space<hbm>> -> memref<80x64xf32, #tpu.memory_space<hbm>>
    tpu.enqueue_dma source(%arg17 : memref<80x64xf32, #tpu.memory_space<vmem>>) target(%dma_start3A_369 : memref<80x64xf32, #tpu.memory_space<hbm>>) target_semaphore(%arg28 : memref<!tpu.dma_semaphore, #tpu.memory_space<semaphore_mem>>)
    %add3A_370 = arith.constant 0 : i32
    %add3A_371 = arith.addi %mul3A_0, %add3A_370 : i32
    "tpu.region"() ({
      %run_scoped3A = tpu.sem_alloc : memref<!tpu.dma_semaphore, #tpu.memory_space<semaphore_mem>>
      %dma_start3A_442 = arith.constant 0 : i32
      %dma_start3A_443 = tpu.memref_slice %arg12[%add3A_371, %dma_start3A_442] : memref<10240x16xf32, #tpu.memory_space<vmem_shared>> -> memref<80x16xf32, #tpu.memory_space<vmem_shared>>
      %dma_start3A_444 = arith.constant 0 : i32
      %dma_start3A_445 = tpu.memref_slice %arg12[%add3A_371, %dma_start3A_444] : memref<10240x16xf32, #tpu.memory_space<vmem_shared>> -> memref<80x16xf32, #tpu.memory_space<vmem_shared>>
      tpu.enqueue_dma source(%dma_start3A_445 : memref<80x16xf32, #tpu.memory_space<vmem_shared>>) target(%arg20 : memref<80x16xf32, #tpu.memory_space<vmem>>) target_semaphore(%run_scoped3A : memref<!tpu.dma_semaphore, #tpu.memory_space<semaphore_mem>>)
      %dma_wait3A_446 = arith.constant 0 : i32
      %dma_wait3A_447 = tpu.memref_slice %arg12[%add3A_371, %dma_wait3A_446] : memref<10240x16xf32, #tpu.memory_space<vmem_shared>> -> memref<80x16xf32, #tpu.memory_space<vmem_shared>>
      %dma_wait3A_448 = arith.constant 0 : i32
      %dma_wait3A_449 = tpu.memref_slice %arg12[%add3A_371, %dma_wait3A_448] : memref<10240x16xf32, #tpu.memory_space<vmem_shared>> -> memref<80x16xf32, #tpu.memory_space<vmem_shared>>
      tpu.wait_dma2 semaphore(%run_scoped3A : memref<!tpu.dma_semaphore, #tpu.memory_space<semaphore_mem>>) src(%dma_wait3A_449 : memref<80x16xf32, #tpu.memory_space<vmem_shared>>) dst(%arg20 : memref<80x16xf32, #tpu.memory_space<vmem>>)
      tpu.yield
    }) : () -> ()
    %add3A_372 = arith.constant 0 : i32
    %add3A_373 = arith.addi %mul3A_0, %add3A_372 : i32
    "tpu.region"() ({
      %run_scoped3A = tpu.sem_alloc : memref<!tpu.dma_semaphore, #tpu.memory_space<semaphore_mem>>
      %dma_start3A_442 = arith.constant 0 : i32
      %dma_start3A_443 = tpu.memref_slice %arg10[%arg0, %add3A_373, %dma_start3A_442] : memref<2x10240x16xf32, #tpu.memory_space<hbm>> -> memref<1x80x16xf32, #tpu.memory_space<hbm>>
      %dma_start3A_444 = tpu.memref_squeeze %dma_start3A_443 : memref<1x80x16xf32, #tpu.memory_space<hbm>> -> memref<80x16xf32, #tpu.memory_space<hbm>>
      %dma_start3A_445 = arith.constant 0 : i32
      %dma_start3A_446 = tpu.memref_slice %arg10[%arg0, %add3A_373, %dma_start3A_445] : memref<2x10240x16xf32, #tpu.memory_space<hbm>> -> memref<1x80x16xf32, #tpu.memory_space<hbm>>
      %dma_start3A_447 = tpu.memref_squeeze %dma_start3A_446 : memref<1x80x16xf32, #tpu.memory_space<hbm>> -> memref<80x16xf32, #tpu.memory_space<hbm>>
      tpu.enqueue_dma source(%arg20 : memref<80x16xf32, #tpu.memory_space<vmem>>) target(%dma_start3A_447 : memref<80x16xf32, #tpu.memory_space<hbm>>) target_semaphore(%run_scoped3A : memref<!tpu.dma_semaphore, #tpu.memory_space<semaphore_mem>>)
      %dma_wait3A_448 = arith.constant 0 : i32
      %dma_wait3A_449 = tpu.memref_slice %arg10[%arg0, %add3A_373, %dma_wait3A_448] : memref<2x10240x16xf32, #tpu.memory_space<hbm>> -> memref<1x80x16xf32, #tpu.memory_space<hbm>>
      %dma_wait3A_450 = tpu.memref_squeeze %dma_wait3A_449 : memref<1x80x16xf32, #tpu.memory_space<hbm>> -> memref<80x16xf32, #tpu.memory_space<hbm>>
      %dma_wait3A_451 = arith.constant 0 : i32
      %dma_wait3A_452 = tpu.memref_slice %arg10[%arg0, %add3A_373, %dma_wait3A_451] : memref<2x10240x16xf32, #tpu.memory_space<hbm>> -> memref<1x80x16xf32, #tpu.memory_space<hbm>>
      %dma_wait3A_453 = tpu.memref_squeeze %dma_wait3A_452 : memref<1x80x16xf32, #tpu.memory_space<hbm>> -> memref<80x16xf32, #tpu.memory_space<hbm>>
      tpu.wait_dma2 semaphore(%run_scoped3A : memref<!tpu.dma_semaphore, #tpu.memory_space<semaphore_mem>>) src(%arg20 : memref<80x16xf32, #tpu.memory_space<vmem>>) dst(%dma_wait3A_453 : memref<80x16xf32, #tpu.memory_space<hbm>>)
      tpu.yield
    }) : () -> ()
    %add3A_374 = arith.constant 80 : i32
    %add3A_375 = arith.addi %mul3A_0, %add3A_374 : i32
    "tpu.region"() ({
      %run_scoped3A = tpu.sem_alloc : memref<!tpu.dma_semaphore, #tpu.memory_space<semaphore_mem>>
      %dma_start3A_442 = arith.constant 0 : i32
      %dma_start3A_443 = tpu.memref_slice %arg12[%add3A_375, %dma_start3A_442] : memref<10240x16xf32, #tpu.memory_space<vmem_shared>> -> memref<80x16xf32, #tpu.memory_space<vmem_shared>>
      %dma_start3A_444 = arith.constant 0 : i32
      %dma_start3A_445 = tpu.memref_slice %arg12[%add3A_375, %dma_start3A_444] : memref<10240x16xf32, #tpu.memory_space<vmem_shared>> -> memref<80x16xf32, #tpu.memory_space<vmem_shared>>
      tpu.enqueue_dma source(%dma_start3A_445 : memref<80x16xf32, #tpu.memory_space<vmem_shared>>) target(%arg20 : memref<80x16xf32, #tpu.memory_space<vmem>>) target_semaphore(%run_scoped3A : memref<!tpu.dma_semaphore, #tpu.memory_space<semaphore_mem>>)
      %dma_wait3A_446 = arith.constant 0 : i32
      %dma_wait3A_447 = tpu.memref_slice %arg12[%add3A_375, %dma_wait3A_446] : memref<10240x16xf32, #tpu.memory_space<vmem_shared>> -> memref<80x16xf32, #tpu.memory_space<vmem_shared>>
      %dma_wait3A_448 = arith.constant 0 : i32
      %dma_wait3A_449 = tpu.memref_slice %arg12[%add3A_375, %dma_wait3A_448] : memref<10240x16xf32, #tpu.memory_space<vmem_shared>> -> memref<80x16xf32, #tpu.memory_space<vmem_shared>>
      tpu.wait_dma2 semaphore(%run_scoped3A : memref<!tpu.dma_semaphore, #tpu.memory_space<semaphore_mem>>) src(%dma_wait3A_449 : memref<80x16xf32, #tpu.memory_space<vmem_shared>>) dst(%arg20 : memref<80x16xf32, #tpu.memory_space<vmem>>)
      tpu.yield
    }) : () -> ()
    %add3A_376 = arith.constant 80 : i32
    %add3A_377 = arith.addi %mul3A_0, %add3A_376 : i32
    "tpu.region"() ({
      %run_scoped3A = tpu.sem_alloc : memref<!tpu.dma_semaphore, #tpu.memory_space<semaphore_mem>>
      %dma_start3A_442 = arith.constant 0 : i32
      %dma_start3A_443 = tpu.memref_slice %arg10[%arg0, %add3A_377, %dma_start3A_442] : memref<2x10240x16xf32, #tpu.memory_space<hbm>> -> memref<1x80x16xf32, #tpu.memory_space<hbm>>
      %dma_start3A_444 = tpu.memref_squeeze %dma_start3A_443 : memref<1x80x16xf32, #tpu.memory_space<hbm>> -> memref<80x16xf32, #tpu.memory_space<hbm>>
      %dma_start3A_445 = arith.constant 0 : i32
      %dma_start3A_446 = tpu.memref_slice %arg10[%arg0, %add3A_377, %dma_start3A_445] : memref<2x10240x16xf32, #tpu.memory_space<hbm>> -> memref<1x80x16xf32, #tpu.memory_space<hbm>>
      %dma_start3A_447 = tpu.memref_squeeze %dma_start3A_446 : memref<1x80x16xf32, #tpu.memory_space<hbm>> -> memref<80x16xf32, #tpu.memory_space<hbm>>
      tpu.enqueue_dma source(%arg20 : memref<80x16xf32, #tpu.memory_space<vmem>>) target(%dma_start3A_447 : memref<80x16xf32, #tpu.memory_space<hbm>>) target_semaphore(%run_scoped3A : memref<!tpu.dma_semaphore, #tpu.memory_space<semaphore_mem>>)
      %dma_wait3A_448 = arith.constant 0 : i32
      %dma_wait3A_449 = tpu.memref_slice %arg10[%arg0, %add3A_377, %dma_wait3A_448] : memref<2x10240x16xf32, #tpu.memory_space<hbm>> -> memref<1x80x16xf32, #tpu.memory_space<hbm>>
      %dma_wait3A_450 = tpu.memref_squeeze %dma_wait3A_449 : memref<1x80x16xf32, #tpu.memory_space<hbm>> -> memref<80x16xf32, #tpu.memory_space<hbm>>
      %dma_wait3A_451 = arith.constant 0 : i32
      %dma_wait3A_452 = tpu.memref_slice %arg10[%arg0, %add3A_377, %dma_wait3A_451] : memref<2x10240x16xf32, #tpu.memory_space<hbm>> -> memref<1x80x16xf32, #tpu.memory_space<hbm>>
      %dma_wait3A_453 = tpu.memref_squeeze %dma_wait3A_452 : memref<1x80x16xf32, #tpu.memory_space<hbm>> -> memref<80x16xf32, #tpu.memory_space<hbm>>
      tpu.wait_dma2 semaphore(%run_scoped3A : memref<!tpu.dma_semaphore, #tpu.memory_space<semaphore_mem>>) src(%arg20 : memref<80x16xf32, #tpu.memory_space<vmem>>) dst(%dma_wait3A_453 : memref<80x16xf32, #tpu.memory_space<hbm>>)
      tpu.yield
    }) : () -> ()
    %add3A_378 = arith.constant 160 : i32
    %add3A_379 = arith.addi %mul3A_0, %add3A_378 : i32
    "tpu.region"() ({
      %run_scoped3A = tpu.sem_alloc : memref<!tpu.dma_semaphore, #tpu.memory_space<semaphore_mem>>
      %dma_start3A_442 = arith.constant 0 : i32
      %dma_start3A_443 = tpu.memref_slice %arg12[%add3A_379, %dma_start3A_442] : memref<10240x16xf32, #tpu.memory_space<vmem_shared>> -> memref<80x16xf32, #tpu.memory_space<vmem_shared>>
      %dma_start3A_444 = arith.constant 0 : i32
      %dma_start3A_445 = tpu.memref_slice %arg12[%add3A_379, %dma_start3A_444] : memref<10240x16xf32, #tpu.memory_space<vmem_shared>> -> memref<80x16xf32, #tpu.memory_space<vmem_shared>>
      tpu.enqueue_dma source(%dma_start3A_445 : memref<80x16xf32, #tpu.memory_space<vmem_shared>>) target(%arg20 : memref<80x16xf32, #tpu.memory_space<vmem>>) target_semaphore(%run_scoped3A : memref<!tpu.dma_semaphore, #tpu.memory_space<semaphore_mem>>)
      %dma_wait3A_446 = arith.constant 0 : i32
      %dma_wait3A_447 = tpu.memref_slice %arg12[%add3A_379, %dma_wait3A_446] : memref<10240x16xf32, #tpu.memory_space<vmem_shared>> -> memref<80x16xf32, #tpu.memory_space<vmem_shared>>
      %dma_wait3A_448 = arith.constant 0 : i32
      %dma_wait3A_449 = tpu.memref_slice %arg12[%add3A_379, %dma_wait3A_448] : memref<10240x16xf32, #tpu.memory_space<vmem_shared>> -> memref<80x16xf32, #tpu.memory_space<vmem_shared>>
      tpu.wait_dma2 semaphore(%run_scoped3A : memref<!tpu.dma_semaphore, #tpu.memory_space<semaphore_mem>>) src(%dma_wait3A_449 : memref<80x16xf32, #tpu.memory_space<vmem_shared>>) dst(%arg20 : memref<80x16xf32, #tpu.memory_space<vmem>>)
      tpu.yield
    }) : () -> ()
    %add3A_380 = arith.constant 160 : i32
    %add3A_381 = arith.addi %mul3A_0, %add3A_380 : i32
    "tpu.region"() ({
      %run_scoped3A = tpu.sem_alloc : memref<!tpu.dma_semaphore, #tpu.memory_space<semaphore_mem>>
      %dma_start3A_442 = arith.constant 0 : i32
      %dma_start3A_443 = tpu.memref_slice %arg10[%arg0, %add3A_381, %dma_start3A_442] : memref<2x10240x16xf32, #tpu.memory_space<hbm>> -> memref<1x80x16xf32, #tpu.memory_space<hbm>>
      %dma_start3A_444 = tpu.memref_squeeze %dma_start3A_443 : memref<1x80x16xf32, #tpu.memory_space<hbm>> -> memref<80x16xf32, #tpu.memory_space<hbm>>
      %dma_start3A_445 = arith.constant 0 : i32
      %dma_start3A_446 = tpu.memref_slice %arg10[%arg0, %add3A_381, %dma_start3A_445] : memref<2x10240x16xf32, #tpu.memory_space<hbm>> -> memref<1x80x16xf32, #tpu.memory_space<hbm>>
      %dma_start3A_447 = tpu.memref_squeeze %dma_start3A_446 : memref<1x80x16xf32, #tpu.memory_space<hbm>> -> memref<80x16xf32, #tpu.memory_space<hbm>>
      tpu.enqueue_dma source(%arg20 : memref<80x16xf32, #tpu.memory_space<vmem>>) target(%dma_start3A_447 : memref<80x16xf32, #tpu.memory_space<hbm>>) target_semaphore(%run_scoped3A : memref<!tpu.dma_semaphore, #tpu.memory_space<semaphore_mem>>)
      %dma_wait3A_448 = arith.constant 0 : i32
      %dma_wait3A_449 = tpu.memref_slice %arg10[%arg0, %add3A_381, %dma_wait3A_448] : memref<2x10240x16xf32, #tpu.memory_space<hbm>> -> memref<1x80x16xf32, #tpu.memory_space<hbm>>
      %dma_wait3A_450 = tpu.memref_squeeze %dma_wait3A_449 : memref<1x80x16xf32, #tpu.memory_space<hbm>> -> memref<80x16xf32, #tpu.memory_space<hbm>>
      %dma_wait3A_451 = arith.constant 0 : i32
      %dma_wait3A_452 = tpu.memref_slice %arg10[%arg0, %add3A_381, %dma_wait3A_451] : memref<2x10240x16xf32, #tpu.memory_space<hbm>> -> memref<1x80x16xf32, #tpu.memory_space<hbm>>
      %dma_wait3A_453 = tpu.memref_squeeze %dma_wait3A_452 : memref<1x80x16xf32, #tpu.memory_space<hbm>> -> memref<80x16xf32, #tpu.memory_space<hbm>>
      tpu.wait_dma2 semaphore(%run_scoped3A : memref<!tpu.dma_semaphore, #tpu.memory_space<semaphore_mem>>) src(%arg20 : memref<80x16xf32, #tpu.memory_space<vmem>>) dst(%dma_wait3A_453 : memref<80x16xf32, #tpu.memory_space<hbm>>)
      tpu.yield
    }) : () -> ()
    %add3A_382 = arith.constant 240 : i32
    %add3A_383 = arith.addi %mul3A_0, %add3A_382 : i32
    "tpu.region"() ({
      %run_scoped3A = tpu.sem_alloc : memref<!tpu.dma_semaphore, #tpu.memory_space<semaphore_mem>>
      %dma_start3A_442 = arith.constant 0 : i32
      %dma_start3A_443 = tpu.memref_slice %arg12[%add3A_383, %dma_start3A_442] : memref<10240x16xf32, #tpu.memory_space<vmem_shared>> -> memref<80x16xf32, #tpu.memory_space<vmem_shared>>
      %dma_start3A_444 = arith.constant 0 : i32
      %dma_start3A_445 = tpu.memref_slice %arg12[%add3A_383, %dma_start3A_444] : memref<10240x16xf32, #tpu.memory_space<vmem_shared>> -> memref<80x16xf32, #tpu.memory_space<vmem_shared>>
      tpu.enqueue_dma source(%dma_start3A_445 : memref<80x16xf32, #tpu.memory_space<vmem_shared>>) target(%arg20 : memref<80x16xf32, #tpu.memory_space<vmem>>) target_semaphore(%run_scoped3A : memref<!tpu.dma_semaphore, #tpu.memory_space<semaphore_mem>>)
      %dma_wait3A_446 = arith.constant 0 : i32
      %dma_wait3A_447 = tpu.memref_slice %arg12[%add3A_383, %dma_wait3A_446] : memref<10240x16xf32, #tpu.memory_space<vmem_shared>> -> memref<80x16xf32, #tpu.memory_space<vmem_shared>>
      %dma_wait3A_448 = arith.constant 0 : i32
      %dma_wait3A_449 = tpu.memref_slice %arg12[%add3A_383, %dma_wait3A_448] : memref<10240x16xf32, #tpu.memory_space<vmem_shared>> -> memref<80x16xf32, #tpu.memory_space<vmem_shared>>
      tpu.wait_dma2 semaphore(%run_scoped3A : memref<!tpu.dma_semaphore, #tpu.memory_space<semaphore_mem>>) src(%dma_wait3A_449 : memref<80x16xf32, #tpu.memory_space<vmem_shared>>) dst(%arg20 : memref<80x16xf32, #tpu.memory_space<vmem>>)
      tpu.yield
    }) : () -> ()
    %add3A_384 = arith.constant 240 : i32
    %add3A_385 = arith.addi %mul3A_0, %add3A_384 : i32
    "tpu.region"() ({
      %run_scoped3A = tpu.sem_alloc : memref<!tpu.dma_semaphore, #tpu.memory_space<semaphore_mem>>
      %dma_start3A_442 = arith.constant 0 : i32
      %dma_start3A_443 = tpu.memref_slice %arg10[%arg0, %add3A_385, %dma_start3A_442] : memref<2x10240x16xf32, #tpu.memory_space<hbm>> -> memref<1x80x16xf32, #tpu.memory_space<hbm>>
      %dma_start3A_444 = tpu.memref_squeeze %dma_start3A_443 : memref<1x80x16xf32, #tpu.memory_space<hbm>> -> memref<80x16xf32, #tpu.memory_space<hbm>>
      %dma_start3A_445 = arith.constant 0 : i32
      %dma_start3A_446 = tpu.memref_slice %arg10[%arg0, %add3A_385, %dma_start3A_445] : memref<2x10240x16xf32, #tpu.memory_space<hbm>> -> memref<1x80x16xf32, #tpu.memory_space<hbm>>
      %dma_start3A_447 = tpu.memref_squeeze %dma_start3A_446 : memref<1x80x16xf32, #tpu.memory_space<hbm>> -> memref<80x16xf32, #tpu.memory_space<hbm>>
      tpu.enqueue_dma source(%arg20 : memref<80x16xf32, #tpu.memory_space<vmem>>) target(%dma_start3A_447 : memref<80x16xf32, #tpu.memory_space<hbm>>) target_semaphore(%run_scoped3A : memref<!tpu.dma_semaphore, #tpu.memory_space<semaphore_mem>>)
      %dma_wait3A_448 = arith.constant 0 : i32
      %dma_wait3A_449 = tpu.memref_slice %arg10[%arg0, %add3A_385, %dma_wait3A_448] : memref<2x10240x16xf32, #tpu.memory_space<hbm>> -> memref<1x80x16xf32, #tpu.memory_space<hbm>>
      %dma_wait3A_450 = tpu.memref_squeeze %dma_wait3A_449 : memref<1x80x16xf32, #tpu.memory_space<hbm>> -> memref<80x16xf32, #tpu.memory_space<hbm>>
      %dma_wait3A_451 = arith.constant 0 : i32
      %dma_wait3A_452 = tpu.memref_slice %arg10[%arg0, %add3A_385, %dma_wait3A_451] : memref<2x10240x16xf32, #tpu.memory_space<hbm>> -> memref<1x80x16xf32, #tpu.memory_space<hbm>>
      %dma_wait3A_453 = tpu.memref_squeeze %dma_wait3A_452 : memref<1x80x16xf32, #tpu.memory_space<hbm>> -> memref<80x16xf32, #tpu.memory_space<hbm>>
      tpu.wait_dma2 semaphore(%run_scoped3A : memref<!tpu.dma_semaphore, #tpu.memory_space<semaphore_mem>>) src(%arg20 : memref<80x16xf32, #tpu.memory_space<vmem>>) dst(%dma_wait3A_453 : memref<80x16xf32, #tpu.memory_space<hbm>>)
      tpu.yield
    }) : () -> ()
    %add3A_386 = arith.constant 320 : i32
    %add3A_387 = arith.addi %mul3A_0, %add3A_386 : i32
    "tpu.region"() ({
      %run_scoped3A = tpu.sem_alloc : memref<!tpu.dma_semaphore, #tpu.memory_space<semaphore_mem>>
      %dma_start3A_442 = arith.constant 0 : i32
      %dma_start3A_443 = tpu.memref_slice %arg12[%add3A_387, %dma_start3A_442] : memref<10240x16xf32, #tpu.memory_space<vmem_shared>> -> memref<80x16xf32, #tpu.memory_space<vmem_shared>>
      %dma_start3A_444 = arith.constant 0 : i32
      %dma_start3A_445 = tpu.memref_slice %arg12[%add3A_387, %dma_start3A_444] : memref<10240x16xf32, #tpu.memory_space<vmem_shared>> -> memref<80x16xf32, #tpu.memory_space<vmem_shared>>
      tpu.enqueue_dma source(%dma_start3A_445 : memref<80x16xf32, #tpu.memory_space<vmem_shared>>) target(%arg20 : memref<80x16xf32, #tpu.memory_space<vmem>>) target_semaphore(%run_scoped3A : memref<!tpu.dma_semaphore, #tpu.memory_space<semaphore_mem>>)
      %dma_wait3A_446 = arith.constant 0 : i32
      %dma_wait3A_447 = tpu.memref_slice %arg12[%add3A_387, %dma_wait3A_446] : memref<10240x16xf32, #tpu.memory_space<vmem_shared>> -> memref<80x16xf32, #tpu.memory_space<vmem_shared>>
      %dma_wait3A_448 = arith.constant 0 : i32
      %dma_wait3A_449 = tpu.memref_slice %arg12[%add3A_387, %dma_wait3A_448] : memref<10240x16xf32, #tpu.memory_space<vmem_shared>> -> memref<80x16xf32, #tpu.memory_space<vmem_shared>>
      tpu.wait_dma2 semaphore(%run_scoped3A : memref<!tpu.dma_semaphore, #tpu.memory_space<semaphore_mem>>) src(%dma_wait3A_449 : memref<80x16xf32, #tpu.memory_space<vmem_shared>>) dst(%arg20 : memref<80x16xf32, #tpu.memory_space<vmem>>)
      tpu.yield
    }) : () -> ()
    %add3A_388 = arith.constant 320 : i32
    %add3A_389 = arith.addi %mul3A_0, %add3A_388 : i32
    "tpu.region"() ({
      %run_scoped3A = tpu.sem_alloc : memref<!tpu.dma_semaphore, #tpu.memory_space<semaphore_mem>>
      %dma_start3A_442 = arith.constant 0 : i32
      %dma_start3A_443 = tpu.memref_slice %arg10[%arg0, %add3A_389, %dma_start3A_442] : memref<2x10240x16xf32, #tpu.memory_space<hbm>> -> memref<1x80x16xf32, #tpu.memory_space<hbm>>
      %dma_start3A_444 = tpu.memref_squeeze %dma_start3A_443 : memref<1x80x16xf32, #tpu.memory_space<hbm>> -> memref<80x16xf32, #tpu.memory_space<hbm>>
      %dma_start3A_445 = arith.constant 0 : i32
      %dma_start3A_446 = tpu.memref_slice %arg10[%arg0, %add3A_389, %dma_start3A_445] : memref<2x10240x16xf32, #tpu.memory_space<hbm>> -> memref<1x80x16xf32, #tpu.memory_space<hbm>>
      %dma_start3A_447 = tpu.memref_squeeze %dma_start3A_446 : memref<1x80x16xf32, #tpu.memory_space<hbm>> -> memref<80x16xf32, #tpu.memory_space<hbm>>
      tpu.enqueue_dma source(%arg20 : memref<80x16xf32, #tpu.memory_space<vmem>>) target(%dma_start3A_447 : memref<80x16xf32, #tpu.memory_space<hbm>>) target_semaphore(%run_scoped3A : memref<!tpu.dma_semaphore, #tpu.memory_space<semaphore_mem>>)
      %dma_wait3A_448 = arith.constant 0 : i32
      %dma_wait3A_449 = tpu.memref_slice %arg10[%arg0, %add3A_389, %dma_wait3A_448] : memref<2x10240x16xf32, #tpu.memory_space<hbm>> -> memref<1x80x16xf32, #tpu.memory_space<hbm>>
      %dma_wait3A_450 = tpu.memref_squeeze %dma_wait3A_449 : memref<1x80x16xf32, #tpu.memory_space<hbm>> -> memref<80x16xf32, #tpu.memory_space<hbm>>
      %dma_wait3A_451 = arith.constant 0 : i32
      %dma_wait3A_452 = tpu.memref_slice %arg10[%arg0, %add3A_389, %dma_wait3A_451] : memref<2x10240x16xf32, #tpu.memory_space<hbm>> -> memref<1x80x16xf32, #tpu.memory_space<hbm>>
      %dma_wait3A_453 = tpu.memref_squeeze %dma_wait3A_452 : memref<1x80x16xf32, #tpu.memory_space<hbm>> -> memref<80x16xf32, #tpu.memory_space<hbm>>
      tpu.wait_dma2 semaphore(%run_scoped3A : memref<!tpu.dma_semaphore, #tpu.memory_space<semaphore_mem>>) src(%arg20 : memref<80x16xf32, #tpu.memory_space<vmem>>) dst(%dma_wait3A_453 : memref<80x16xf32, #tpu.memory_space<hbm>>)
      tpu.yield
    }) : () -> ()
    %add3A_390 = arith.constant 400 : i32
    %add3A_391 = arith.addi %mul3A_0, %add3A_390 : i32
    "tpu.region"() ({
      %run_scoped3A = tpu.sem_alloc : memref<!tpu.dma_semaphore, #tpu.memory_space<semaphore_mem>>
      %dma_start3A_442 = arith.constant 0 : i32
      %dma_start3A_443 = tpu.memref_slice %arg12[%add3A_391, %dma_start3A_442] : memref<10240x16xf32, #tpu.memory_space<vmem_shared>> -> memref<80x16xf32, #tpu.memory_space<vmem_shared>>
      %dma_start3A_444 = arith.constant 0 : i32
      %dma_start3A_445 = tpu.memref_slice %arg12[%add3A_391, %dma_start3A_444] : memref<10240x16xf32, #tpu.memory_space<vmem_shared>> -> memref<80x16xf32, #tpu.memory_space<vmem_shared>>
      tpu.enqueue_dma source(%dma_start3A_445 : memref<80x16xf32, #tpu.memory_space<vmem_shared>>) target(%arg20 : memref<80x16xf32, #tpu.memory_space<vmem>>) target_semaphore(%run_scoped3A : memref<!tpu.dma_semaphore, #tpu.memory_space<semaphore_mem>>)
      %dma_wait3A_446 = arith.constant 0 : i32
      %dma_wait3A_447 = tpu.memref_slice %arg12[%add3A_391, %dma_wait3A_446] : memref<10240x16xf32, #tpu.memory_space<vmem_shared>> -> memref<80x16xf32, #tpu.memory_space<vmem_shared>>
      %dma_wait3A_448 = arith.constant 0 : i32
      %dma_wait3A_449 = tpu.memref_slice %arg12[%add3A_391, %dma_wait3A_448] : memref<10240x16xf32, #tpu.memory_space<vmem_shared>> -> memref<80x16xf32, #tpu.memory_space<vmem_shared>>
      tpu.wait_dma2 semaphore(%run_scoped3A : memref<!tpu.dma_semaphore, #tpu.memory_space<semaphore_mem>>) src(%dma_wait3A_449 : memref<80x16xf32, #tpu.memory_space<vmem_shared>>) dst(%arg20 : memref<80x16xf32, #tpu.memory_space<vmem>>)
      tpu.yield
    }) : () -> ()
    %add3A_392 = arith.constant 400 : i32
    %add3A_393 = arith.addi %mul3A_0, %add3A_392 : i32
    "tpu.region"() ({
      %run_scoped3A = tpu.sem_alloc : memref<!tpu.dma_semaphore, #tpu.memory_space<semaphore_mem>>
      %dma_start3A_442 = arith.constant 0 : i32
      %dma_start3A_443 = tpu.memref_slice %arg10[%arg0, %add3A_393, %dma_start3A_442] : memref<2x10240x16xf32, #tpu.memory_space<hbm>> -> memref<1x80x16xf32, #tpu.memory_space<hbm>>
      %dma_start3A_444 = tpu.memref_squeeze %dma_start3A_443 : memref<1x80x16xf32, #tpu.memory_space<hbm>> -> memref<80x16xf32, #tpu.memory_space<hbm>>
      %dma_start3A_445 = arith.constant 0 : i32
      %dma_start3A_446 = tpu.memref_slice %arg10[%arg0, %add3A_393, %dma_start3A_445] : memref<2x10240x16xf32, #tpu.memory_space<hbm>> -> memref<1x80x16xf32, #tpu.memory_space<hbm>>
      %dma_start3A_447 = tpu.memref_squeeze %dma_start3A_446 : memref<1x80x16xf32, #tpu.memory_space<hbm>> -> memref<80x16xf32, #tpu.memory_space<hbm>>
      tpu.enqueue_dma source(%arg20 : memref<80x16xf32, #tpu.memory_space<vmem>>) target(%dma_start3A_447 : memref<80x16xf32, #tpu.memory_space<hbm>>) target_semaphore(%run_scoped3A : memref<!tpu.dma_semaphore, #tpu.memory_space<semaphore_mem>>)
      %dma_wait3A_448 = arith.constant 0 : i32
      %dma_wait3A_449 = tpu.memref_slice %arg10[%arg0, %add3A_393, %dma_wait3A_448] : memref<2x10240x16xf32, #tpu.memory_space<hbm>> -> memref<1x80x16xf32, #tpu.memory_space<hbm>>
      %dma_wait3A_450 = tpu.memref_squeeze %dma_wait3A_449 : memref<1x80x16xf32, #tpu.memory_space<hbm>> -> memref<80x16xf32, #tpu.memory_space<hbm>>
      %dma_wait3A_451 = arith.constant 0 : i32
      %dma_wait3A_452 = tpu.memref_slice %arg10[%arg0, %add3A_393, %dma_wait3A_451] : memref<2x10240x16xf32, #tpu.memory_space<hbm>> -> memref<1x80x16xf32, #tpu.memory_space<hbm>>
      %dma_wait3A_453 = tpu.memref_squeeze %dma_wait3A_452 : memref<1x80x16xf32, #tpu.memory_space<hbm>> -> memref<80x16xf32, #tpu.memory_space<hbm>>
      tpu.wait_dma2 semaphore(%run_scoped3A : memref<!tpu.dma_semaphore, #tpu.memory_space<semaphore_mem>>) src(%arg20 : memref<80x16xf32, #tpu.memory_space<vmem>>) dst(%dma_wait3A_453 : memref<80x16xf32, #tpu.memory_space<hbm>>)
      tpu.yield
    }) : () -> ()
    %add3A_394 = arith.constant 480 : i32
    %add3A_395 = arith.addi %mul3A_0, %add3A_394 : i32
    "tpu.region"() ({
      %run_scoped3A = tpu.sem_alloc : memref<!tpu.dma_semaphore, #tpu.memory_space<semaphore_mem>>
      %dma_start3A_442 = arith.constant 0 : i32
      %dma_start3A_443 = tpu.memref_slice %arg12[%add3A_395, %dma_start3A_442] : memref<10240x16xf32, #tpu.memory_space<vmem_shared>> -> memref<80x16xf32, #tpu.memory_space<vmem_shared>>
      %dma_start3A_444 = arith.constant 0 : i32
      %dma_start3A_445 = tpu.memref_slice %arg12[%add3A_395, %dma_start3A_444] : memref<10240x16xf32, #tpu.memory_space<vmem_shared>> -> memref<80x16xf32, #tpu.memory_space<vmem_shared>>
      tpu.enqueue_dma source(%dma_start3A_445 : memref<80x16xf32, #tpu.memory_space<vmem_shared>>) target(%arg20 : memref<80x16xf32, #tpu.memory_space<vmem>>) target_semaphore(%run_scoped3A : memref<!tpu.dma_semaphore, #tpu.memory_space<semaphore_mem>>)
      %dma_wait3A_446 = arith.constant 0 : i32
      %dma_wait3A_447 = tpu.memref_slice %arg12[%add3A_395, %dma_wait3A_446] : memref<10240x16xf32, #tpu.memory_space<vmem_shared>> -> memref<80x16xf32, #tpu.memory_space<vmem_shared>>
      %dma_wait3A_448 = arith.constant 0 : i32
      %dma_wait3A_449 = tpu.memref_slice %arg12[%add3A_395, %dma_wait3A_448] : memref<10240x16xf32, #tpu.memory_space<vmem_shared>> -> memref<80x16xf32, #tpu.memory_space<vmem_shared>>
      tpu.wait_dma2 semaphore(%run_scoped3A : memref<!tpu.dma_semaphore, #tpu.memory_space<semaphore_mem>>) src(%dma_wait3A_449 : memref<80x16xf32, #tpu.memory_space<vmem_shared>>) dst(%arg20 : memref<80x16xf32, #tpu.memory_space<vmem>>)
      tpu.yield
    }) : () -> ()
    %add3A_396 = arith.constant 480 : i32
    %add3A_397 = arith.addi %mul3A_0, %add3A_396 : i32
    "tpu.region"() ({
      %run_scoped3A = tpu.sem_alloc : memref<!tpu.dma_semaphore, #tpu.memory_space<semaphore_mem>>
      %dma_start3A_442 = arith.constant 0 : i32
      %dma_start3A_443 = tpu.memref_slice %arg10[%arg0, %add3A_397, %dma_start3A_442] : memref<2x10240x16xf32, #tpu.memory_space<hbm>> -> memref<1x80x16xf32, #tpu.memory_space<hbm>>
      %dma_start3A_444 = tpu.memref_squeeze %dma_start3A_443 : memref<1x80x16xf32, #tpu.memory_space<hbm>> -> memref<80x16xf32, #tpu.memory_space<hbm>>
      %dma_start3A_445 = arith.constant 0 : i32
      %dma_start3A_446 = tpu.memref_slice %arg10[%arg0, %add3A_397, %dma_start3A_445] : memref<2x10240x16xf32, #tpu.memory_space<hbm>> -> memref<1x80x16xf32, #tpu.memory_space<hbm>>
      %dma_start3A_447 = tpu.memref_squeeze %dma_start3A_446 : memref<1x80x16xf32, #tpu.memory_space<hbm>> -> memref<80x16xf32, #tpu.memory_space<hbm>>
      tpu.enqueue_dma source(%arg20 : memref<80x16xf32, #tpu.memory_space<vmem>>) target(%dma_start3A_447 : memref<80x16xf32, #tpu.memory_space<hbm>>) target_semaphore(%run_scoped3A : memref<!tpu.dma_semaphore, #tpu.memory_space<semaphore_mem>>)
      %dma_wait3A_448 = arith.constant 0 : i32
      %dma_wait3A_449 = tpu.memref_slice %arg10[%arg0, %add3A_397, %dma_wait3A_448] : memref<2x10240x16xf32, #tpu.memory_space<hbm>> -> memref<1x80x16xf32, #tpu.memory_space<hbm>>
      %dma_wait3A_450 = tpu.memref_squeeze %dma_wait3A_449 : memref<1x80x16xf32, #tpu.memory_space<hbm>> -> memref<80x16xf32, #tpu.memory_space<hbm>>
      %dma_wait3A_451 = arith.constant 0 : i32
      %dma_wait3A_452 = tpu.memref_slice %arg10[%arg0, %add3A_397, %dma_wait3A_451] : memref<2x10240x16xf32, #tpu.memory_space<hbm>> -> memref<1x80x16xf32, #tpu.memory_space<hbm>>
      %dma_wait3A_453 = tpu.memref_squeeze %dma_wait3A_452 : memref<1x80x16xf32, #tpu.memory_space<hbm>> -> memref<80x16xf32, #tpu.memory_space<hbm>>
      tpu.wait_dma2 semaphore(%run_scoped3A : memref<!tpu.dma_semaphore, #tpu.memory_space<semaphore_mem>>) src(%arg20 : memref<80x16xf32, #tpu.memory_space<vmem>>) dst(%dma_wait3A_453 : memref<80x16xf32, #tpu.memory_space<hbm>>)
      tpu.yield
    }) : () -> ()
    %add3A_398 = arith.constant 560 : i32
    %add3A_399 = arith.addi %mul3A_0, %add3A_398 : i32
    "tpu.region"() ({
      %run_scoped3A = tpu.sem_alloc : memref<!tpu.dma_semaphore, #tpu.memory_space<semaphore_mem>>
      %dma_start3A_442 = arith.constant 0 : i32
      %dma_start3A_443 = tpu.memref_slice %arg12[%add3A_399, %dma_start3A_442] : memref<10240x16xf32, #tpu.memory_space<vmem_shared>> -> memref<80x16xf32, #tpu.memory_space<vmem_shared>>
      %dma_start3A_444 = arith.constant 0 : i32
      %dma_start3A_445 = tpu.memref_slice %arg12[%add3A_399, %dma_start3A_444] : memref<10240x16xf32, #tpu.memory_space<vmem_shared>> -> memref<80x16xf32, #tpu.memory_space<vmem_shared>>
      tpu.enqueue_dma source(%dma_start3A_445 : memref<80x16xf32, #tpu.memory_space<vmem_shared>>) target(%arg20 : memref<80x16xf32, #tpu.memory_space<vmem>>) target_semaphore(%run_scoped3A : memref<!tpu.dma_semaphore, #tpu.memory_space<semaphore_mem>>)
      %dma_wait3A_446 = arith.constant 0 : i32
      %dma_wait3A_447 = tpu.memref_slice %arg12[%add3A_399, %dma_wait3A_446] : memref<10240x16xf32, #tpu.memory_space<vmem_shared>> -> memref<80x16xf32, #tpu.memory_space<vmem_shared>>
      %dma_wait3A_448 = arith.constant 0 : i32
      %dma_wait3A_449 = tpu.memref_slice %arg12[%add3A_399, %dma_wait3A_448] : memref<10240x16xf32, #tpu.memory_space<vmem_shared>> -> memref<80x16xf32, #tpu.memory_space<vmem_shared>>
      tpu.wait_dma2 semaphore(%run_scoped3A : memref<!tpu.dma_semaphore, #tpu.memory_space<semaphore_mem>>) src(%dma_wait3A_449 : memref<80x16xf32, #tpu.memory_space<vmem_shared>>) dst(%arg20 : memref<80x16xf32, #tpu.memory_space<vmem>>)
      tpu.yield
    }) : () -> ()
    %add3A_400 = arith.constant 560 : i32
    %add3A_401 = arith.addi %mul3A_0, %add3A_400 : i32
    "tpu.region"() ({
      %run_scoped3A = tpu.sem_alloc : memref<!tpu.dma_semaphore, #tpu.memory_space<semaphore_mem>>
      %dma_start3A_442 = arith.constant 0 : i32
      %dma_start3A_443 = tpu.memref_slice %arg10[%arg0, %add3A_401, %dma_start3A_442] : memref<2x10240x16xf32, #tpu.memory_space<hbm>> -> memref<1x80x16xf32, #tpu.memory_space<hbm>>
      %dma_start3A_444 = tpu.memref_squeeze %dma_start3A_443 : memref<1x80x16xf32, #tpu.memory_space<hbm>> -> memref<80x16xf32, #tpu.memory_space<hbm>>
      %dma_start3A_445 = arith.constant 0 : i32
      %dma_start3A_446 = tpu.memref_slice %arg10[%arg0, %add3A_401, %dma_start3A_445] : memref<2x10240x16xf32, #tpu.memory_space<hbm>> -> memref<1x80x16xf32, #tpu.memory_space<hbm>>
      %dma_start3A_447 = tpu.memref_squeeze %dma_start3A_446 : memref<1x80x16xf32, #tpu.memory_space<hbm>> -> memref<80x16xf32, #tpu.memory_space<hbm>>
      tpu.enqueue_dma source(%arg20 : memref<80x16xf32, #tpu.memory_space<vmem>>) target(%dma_start3A_447 : memref<80x16xf32, #tpu.memory_space<hbm>>) target_semaphore(%run_scoped3A : memref<!tpu.dma_semaphore, #tpu.memory_space<semaphore_mem>>)
      %dma_wait3A_448 = arith.constant 0 : i32
      %dma_wait3A_449 = tpu.memref_slice %arg10[%arg0, %add3A_401, %dma_wait3A_448] : memref<2x10240x16xf32, #tpu.memory_space<hbm>> -> memref<1x80x16xf32, #tpu.memory_space<hbm>>
      %dma_wait3A_450 = tpu.memref_squeeze %dma_wait3A_449 : memref<1x80x16xf32, #tpu.memory_space<hbm>> -> memref<80x16xf32, #tpu.memory_space<hbm>>
      %dma_wait3A_451 = arith.constant 0 : i32
      %dma_wait3A_452 = tpu.memref_slice %arg10[%arg0, %add3A_401, %dma_wait3A_451] : memref<2x10240x16xf32, #tpu.memory_space<hbm>> -> memref<1x80x16xf32, #tpu.memory_space<hbm>>
      %dma_wait3A_453 = tpu.memref_squeeze %dma_wait3A_452 : memref<1x80x16xf32, #tpu.memory_space<hbm>> -> memref<80x16xf32, #tpu.memory_space<hbm>>
      tpu.wait_dma2 semaphore(%run_scoped3A : memref<!tpu.dma_semaphore, #tpu.memory_space<semaphore_mem>>) src(%arg20 : memref<80x16xf32, #tpu.memory_space<vmem>>) dst(%dma_wait3A_453 : memref<80x16xf32, #tpu.memory_space<hbm>>)
      tpu.yield
    }) : () -> ()
    %add3A_402 = arith.constant 240 : i32
    %add3A_403 = arith.addi %mul3A_0, %add3A_402 : i32
    %dma_wait3A_404 = arith.constant 0 : i32
    %dma_wait3A_405 = tpu.memref_slice %arg9[%arg0, %add3A_403, %dma_wait3A_404] : memref<2x10240x64xf32, #tpu.memory_space<hbm>> -> memref<1x80x64xf32, #tpu.memory_space<hbm>>
    %dma_wait3A_406 = tpu.memref_squeeze %dma_wait3A_405 : memref<1x80x64xf32, #tpu.memory_space<hbm>> -> memref<80x64xf32, #tpu.memory_space<hbm>>
    %dma_wait3A_407 = arith.constant 0 : i32
    %dma_wait3A_408 = tpu.memref_slice %arg9[%arg0, %add3A_403, %dma_wait3A_407] : memref<2x10240x64xf32, #tpu.memory_space<hbm>> -> memref<1x80x64xf32, #tpu.memory_space<hbm>>
    %dma_wait3A_409 = tpu.memref_squeeze %dma_wait3A_408 : memref<1x80x64xf32, #tpu.memory_space<hbm>> -> memref<80x64xf32, #tpu.memory_space<hbm>>
    tpu.wait_dma2 semaphore(%arg29 : memref<!tpu.dma_semaphore, #tpu.memory_space<semaphore_mem>>) src(%arg18 : memref<80x64xf32, #tpu.memory_space<vmem>>) dst(%dma_wait3A_409 : memref<80x64xf32, #tpu.memory_space<hbm>>)
    %add3A_410 = arith.constant 320 : i32
    %add3A_411 = arith.addi %mul3A_0, %add3A_410 : i32
    %dma_wait3A_412 = arith.constant 0 : i32
    %dma_wait3A_413 = tpu.memref_slice %arg9[%arg0, %add3A_411, %dma_wait3A_412] : memref<2x10240x64xf32, #tpu.memory_space<hbm>> -> memref<1x80x64xf32, #tpu.memory_space<hbm>>
    %dma_wait3A_414 = tpu.memref_squeeze %dma_wait3A_413 : memref<1x80x64xf32, #tpu.memory_space<hbm>> -> memref<80x64xf32, #tpu.memory_space<hbm>>
    %dma_wait3A_415 = arith.constant 0 : i32
    %dma_wait3A_416 = tpu.memref_slice %arg9[%arg0, %add3A_411, %dma_wait3A_415] : memref<2x10240x64xf32, #tpu.memory_space<hbm>> -> memref<1x80x64xf32, #tpu.memory_space<hbm>>
    %dma_wait3A_417 = tpu.memref_squeeze %dma_wait3A_416 : memref<1x80x64xf32, #tpu.memory_space<hbm>> -> memref<80x64xf32, #tpu.memory_space<hbm>>
    tpu.wait_dma2 semaphore(%arg30 : memref<!tpu.dma_semaphore, #tpu.memory_space<semaphore_mem>>) src(%arg19 : memref<80x64xf32, #tpu.memory_space<vmem>>) dst(%dma_wait3A_417 : memref<80x64xf32, #tpu.memory_space<hbm>>)
    %add3A_418 = arith.constant 400 : i32
    %add3A_419 = arith.addi %mul3A_0, %add3A_418 : i32
    %dma_wait3A_420 = arith.constant 0 : i32
    %dma_wait3A_421 = tpu.memref_slice %arg9[%arg0, %add3A_419, %dma_wait3A_420] : memref<2x10240x64xf32, #tpu.memory_space<hbm>> -> memref<1x80x64xf32, #tpu.memory_space<hbm>>
    %dma_wait3A_422 = tpu.memref_squeeze %dma_wait3A_421 : memref<1x80x64xf32, #tpu.memory_space<hbm>> -> memref<80x64xf32, #tpu.memory_space<hbm>>
    %dma_wait3A_423 = arith.constant 0 : i32
    %dma_wait3A_424 = tpu.memref_slice %arg9[%arg0, %add3A_419, %dma_wait3A_423] : memref<2x10240x64xf32, #tpu.memory_space<hbm>> -> memref<1x80x64xf32, #tpu.memory_space<hbm>>
    %dma_wait3A_425 = tpu.memref_squeeze %dma_wait3A_424 : memref<1x80x64xf32, #tpu.memory_space<hbm>> -> memref<80x64xf32, #tpu.memory_space<hbm>>
    tpu.wait_dma2 semaphore(%arg26 : memref<!tpu.dma_semaphore, #tpu.memory_space<semaphore_mem>>) src(%arg15 : memref<80x64xf32, #tpu.memory_space<vmem>>) dst(%dma_wait3A_425 : memref<80x64xf32, #tpu.memory_space<hbm>>)
    %add3A_426 = arith.constant 480 : i32
    %add3A_427 = arith.addi %mul3A_0, %add3A_426 : i32
    %dma_wait3A_428 = arith.constant 0 : i32
    %dma_wait3A_429 = tpu.memref_slice %arg9[%arg0, %add3A_427, %dma_wait3A_428] : memref<2x10240x64xf32, #tpu.memory_space<hbm>> -> memref<1x80x64xf32, #tpu.memory_space<hbm>>
    %dma_wait3A_430 = tpu.memref_squeeze %dma_wait3A_429 : memref<1x80x64xf32, #tpu.memory_space<hbm>> -> memref<80x64xf32, #tpu.memory_space<hbm>>
    %dma_wait3A_431 = arith.constant 0 : i32
    %dma_wait3A_432 = tpu.memref_slice %arg9[%arg0, %add3A_427, %dma_wait3A_431] : memref<2x10240x64xf32, #tpu.memory_space<hbm>> -> memref<1x80x64xf32, #tpu.memory_space<hbm>>
    %dma_wait3A_433 = tpu.memref_squeeze %dma_wait3A_432 : memref<1x80x64xf32, #tpu.memory_space<hbm>> -> memref<80x64xf32, #tpu.memory_space<hbm>>
    tpu.wait_dma2 semaphore(%arg27 : memref<!tpu.dma_semaphore, #tpu.memory_space<semaphore_mem>>) src(%arg16 : memref<80x64xf32, #tpu.memory_space<vmem>>) dst(%dma_wait3A_433 : memref<80x64xf32, #tpu.memory_space<hbm>>)
    %add3A_434 = arith.constant 560 : i32
    %add3A_435 = arith.addi %mul3A_0, %add3A_434 : i32
    %dma_wait3A_436 = arith.constant 0 : i32
    %dma_wait3A_437 = tpu.memref_slice %arg9[%arg0, %add3A_435, %dma_wait3A_436] : memref<2x10240x64xf32, #tpu.memory_space<hbm>> -> memref<1x80x64xf32, #tpu.memory_space<hbm>>
    %dma_wait3A_438 = tpu.memref_squeeze %dma_wait3A_437 : memref<1x80x64xf32, #tpu.memory_space<hbm>> -> memref<80x64xf32, #tpu.memory_space<hbm>>
    %dma_wait3A_439 = arith.constant 0 : i32
    %dma_wait3A_440 = tpu.memref_slice %arg9[%arg0, %add3A_435, %dma_wait3A_439] : memref<2x10240x64xf32, #tpu.memory_space<hbm>> -> memref<1x80x64xf32, #tpu.memory_space<hbm>>
    %dma_wait3A_441 = tpu.memref_squeeze %dma_wait3A_440 : memref<1x80x64xf32, #tpu.memory_space<hbm>> -> memref<80x64xf32, #tpu.memory_space<hbm>>
    tpu.wait_dma2 semaphore(%arg28 : memref<!tpu.dma_semaphore, #tpu.memory_space<semaphore_mem>>) src(%arg17 : memref<80x64xf32, #tpu.memory_space<vmem>>) dst(%dma_wait3A_441 : memref<80x64xf32, #tpu.memory_space<hbm>>)
    return
  }
}

module attributes {stable_mosaic.version = 14 : i64} {
  func.func @_tc_body(%arg0: i32, %arg1: memref<2x2000x64xf32, #tpu.memory_space<vmem>>, %arg2: memref<2x2000x16xf32, #tpu.memory_space<vmem>>, %arg3: memref<2000x128xf32, #tpu.memory_space<vmem>>, %arg4: memref<4x128x128xf32, #tpu.memory_space<vmem>>, %arg5: memref<4x128xf32, #tpu.memory_space<vmem>>, %arg6: memref<4x128x128xf32, #tpu.memory_space<vmem>>, %arg7: memref<4x128xf32, #tpu.memory_space<vmem>>, %arg8: memref<1x4xf32, #tpu.memory_space<vmem>>, %arg9: memref<2000x128xf32, #tpu.memory_space<vmem>>) attributes {dimension_semantics = [#tpu.dimension_semantics<arbitrary>], iteration_bounds = array<i64: 5>, scalar_prefetch = 0 : i64, scratch_operands = 0 : i64, tpu.core_type = #tpu.core_type<tc>, window_params = [{transform_indices = @transform_0, window_bounds = array<i64: 2, 2000, 64>}, {transform_indices = @transform_1, window_bounds = array<i64: 2, 2000, 16>}, {transform_indices = @transform_2, window_bounds = array<i64: 2000, 128>}, {pipeline_mode = #tpu.pipeline_mode<synchronous>, transform_indices = @transform_3, window_bounds = array<i64: 4, 128, 128>}, {pipeline_mode = #tpu.pipeline_mode<synchronous>, transform_indices = @transform_4, window_bounds = array<i64: 4, 128>}, {pipeline_mode = #tpu.pipeline_mode<synchronous>, transform_indices = @transform_5, window_bounds = array<i64: 4, 128, 128>}, {pipeline_mode = #tpu.pipeline_mode<synchronous>, transform_indices = @transform_6, window_bounds = array<i64: 4, 128>}, {pipeline_mode = #tpu.pipeline_mode<synchronous>, transform_indices = @transform_7, window_bounds = array<i64: 1, 4>}, {transform_indices = @transform_8, window_bounds = array<i64: 2000, 128>}]} {
    %get3A = arith.constant 0 : index
    %get3A_0 = arith.constant 0 : index
    %get3A_1 = vector.load %arg8[%get3A, %get3A_0] : memref<1x4xf32, #tpu.memory_space<vmem>>, vector<1x1xf32>
    %get3A_2 = vector.extract %get3A_1[0, 0] : f32 from vector<1x1xf32>
    %get3A_3 = arith.constant 0 : index
    %get3A_4 = arith.constant 1 : index
    %get3A_5 = vector.load %arg8[%get3A_3, %get3A_4] : memref<1x4xf32, #tpu.memory_space<vmem>>, vector<1x1xf32>
    %get3A_6 = vector.extract %get3A_5[0, 0] : f32 from vector<1x1xf32>
    %get3A_7 = arith.constant 0 : index
    %get3A_8 = arith.constant 2 : index
    %get3A_9 = vector.load %arg8[%get3A_7, %get3A_8] : memref<1x4xf32, #tpu.memory_space<vmem>>, vector<1x1xf32>
    %get3A_10 = vector.extract %get3A_9[0, 0] : f32 from vector<1x1xf32>
    %get3A_11 = arith.constant 0 : index
    %get3A_12 = arith.constant 3 : index
    %get3A_13 = vector.load %arg8[%get3A_11, %get3A_12] : memref<1x4xf32, #tpu.memory_space<vmem>>, vector<1x1xf32>
    %get3A_14 = vector.extract %get3A_13[0, 0] : f32 from vector<1x1xf32>
    %get3A_15 = arith.constant 0 : index
    %get3A_16 = arith.constant 0 : index
    %get3A_17 = arith.constant 0 : index
    %get3A_18 = vector.load %arg4[%get3A_15, %get3A_16, %get3A_17] : memref<4x128x128xf32, #tpu.memory_space<vmem>>, vector<1x128x128xf32>
    %get3A_19 = vector.shape_cast %get3A_18 : vector<1x128x128xf32> to vector<128x128xf32>
    %mul3A = vector.broadcast %get3A_2 : f32 to vector<128x128xf32>
    %mul3A_20 = arith.mulf %mul3A, %get3A_19 : vector<128x128xf32>
    %get3A_21 = arith.constant 1 : index
    %get3A_22 = arith.constant 0 : index
    %get3A_23 = arith.constant 0 : index
    %get3A_24 = vector.load %arg4[%get3A_21, %get3A_22, %get3A_23] : memref<4x128x128xf32, #tpu.memory_space<vmem>>, vector<1x128x128xf32>
    %get3A_25 = vector.shape_cast %get3A_24 : vector<1x128x128xf32> to vector<128x128xf32>
    %mul3A_26 = vector.broadcast %get3A_6 : f32 to vector<128x128xf32>
    %mul3A_27 = arith.mulf %mul3A_26, %get3A_25 : vector<128x128xf32>
    %add3A = arith.addf %mul3A_20, %mul3A_27 : vector<128x128xf32>
    %get3A_28 = arith.constant 2 : index
    %get3A_29 = arith.constant 0 : index
    %get3A_30 = arith.constant 0 : index
    %get3A_31 = vector.load %arg4[%get3A_28, %get3A_29, %get3A_30] : memref<4x128x128xf32, #tpu.memory_space<vmem>>, vector<1x128x128xf32>
    %get3A_32 = vector.shape_cast %get3A_31 : vector<1x128x128xf32> to vector<128x128xf32>
    %mul3A_33 = vector.broadcast %get3A_10 : f32 to vector<128x128xf32>
    %mul3A_34 = arith.mulf %mul3A_33, %get3A_32 : vector<128x128xf32>
    %add3A_35 = arith.addf %add3A, %mul3A_34 : vector<128x128xf32>
    %get3A_36 = arith.constant 3 : index
    %get3A_37 = arith.constant 0 : index
    %get3A_38 = arith.constant 0 : index
    %get3A_39 = vector.load %arg4[%get3A_36, %get3A_37, %get3A_38] : memref<4x128x128xf32, #tpu.memory_space<vmem>>, vector<1x128x128xf32>
    %get3A_40 = vector.shape_cast %get3A_39 : vector<1x128x128xf32> to vector<128x128xf32>
    %mul3A_41 = vector.broadcast %get3A_14 : f32 to vector<128x128xf32>
    %mul3A_42 = arith.mulf %mul3A_41, %get3A_40 : vector<128x128xf32>
    %add3A_43 = arith.addf %add3A_35, %mul3A_42 : vector<128x128xf32>
    %get3A_44 = arith.constant 0 : index
    %get3A_45 = arith.constant 0 : index
    %get3A_46 = arith.constant 0 : index
    %get3A_47 = vector.load %arg6[%get3A_44, %get3A_45, %get3A_46] : memref<4x128x128xf32, #tpu.memory_space<vmem>>, vector<1x128x128xf32>
    %get3A_48 = vector.shape_cast %get3A_47 : vector<1x128x128xf32> to vector<128x128xf32>
    %mul3A_49 = vector.broadcast %get3A_2 : f32 to vector<128x128xf32>
    %mul3A_50 = arith.mulf %mul3A_49, %get3A_48 : vector<128x128xf32>
    %get3A_51 = arith.constant 1 : index
    %get3A_52 = arith.constant 0 : index
    %get3A_53 = arith.constant 0 : index
    %get3A_54 = vector.load %arg6[%get3A_51, %get3A_52, %get3A_53] : memref<4x128x128xf32, #tpu.memory_space<vmem>>, vector<1x128x128xf32>
    %get3A_55 = vector.shape_cast %get3A_54 : vector<1x128x128xf32> to vector<128x128xf32>
    %mul3A_56 = vector.broadcast %get3A_6 : f32 to vector<128x128xf32>
    %mul3A_57 = arith.mulf %mul3A_56, %get3A_55 : vector<128x128xf32>
    %add3A_58 = arith.addf %mul3A_50, %mul3A_57 : vector<128x128xf32>
    %get3A_59 = arith.constant 2 : index
    %get3A_60 = arith.constant 0 : index
    %get3A_61 = arith.constant 0 : index
    %get3A_62 = vector.load %arg6[%get3A_59, %get3A_60, %get3A_61] : memref<4x128x128xf32, #tpu.memory_space<vmem>>, vector<1x128x128xf32>
    %get3A_63 = vector.shape_cast %get3A_62 : vector<1x128x128xf32> to vector<128x128xf32>
    %mul3A_64 = vector.broadcast %get3A_10 : f32 to vector<128x128xf32>
    %mul3A_65 = arith.mulf %mul3A_64, %get3A_63 : vector<128x128xf32>
    %add3A_66 = arith.addf %add3A_58, %mul3A_65 : vector<128x128xf32>
    %get3A_67 = arith.constant 3 : index
    %get3A_68 = arith.constant 0 : index
    %get3A_69 = arith.constant 0 : index
    %get3A_70 = vector.load %arg6[%get3A_67, %get3A_68, %get3A_69] : memref<4x128x128xf32, #tpu.memory_space<vmem>>, vector<1x128x128xf32>
    %get3A_71 = vector.shape_cast %get3A_70 : vector<1x128x128xf32> to vector<128x128xf32>
    %mul3A_72 = vector.broadcast %get3A_14 : f32 to vector<128x128xf32>
    %mul3A_73 = arith.mulf %mul3A_72, %get3A_71 : vector<128x128xf32>
    %add3A_74 = arith.addf %add3A_66, %mul3A_73 : vector<128x128xf32>
    %get3A_75 = arith.constant 0 : index
    %get3A_76 = arith.constant 0 : index
    %get3A_77 = vector.load %arg5[%get3A_75, %get3A_76] : memref<4x128xf32, #tpu.memory_space<vmem>>, vector<1x128xf32>
    %get3A_78 = vector.shape_cast %get3A_77 : vector<1x128xf32> to vector<128xf32>
    %mul3A_79 = vector.broadcast %get3A_2 : f32 to vector<128xf32>
    %mul3A_80 = arith.mulf %mul3A_79, %get3A_78 : vector<128xf32>
    %get3A_81 = arith.constant 1 : index
    %get3A_82 = arith.constant 0 : index
    %get3A_83 = vector.load %arg5[%get3A_81, %get3A_82] : memref<4x128xf32, #tpu.memory_space<vmem>>, vector<1x128xf32>
    %get3A_84 = vector.shape_cast %get3A_83 : vector<1x128xf32> to vector<128xf32>
    %mul3A_85 = vector.broadcast %get3A_6 : f32 to vector<128xf32>
    %mul3A_86 = arith.mulf %mul3A_85, %get3A_84 : vector<128xf32>
    %add3A_87 = arith.addf %mul3A_80, %mul3A_86 : vector<128xf32>
    %get3A_88 = arith.constant 2 : index
    %get3A_89 = arith.constant 0 : index
    %get3A_90 = vector.load %arg5[%get3A_88, %get3A_89] : memref<4x128xf32, #tpu.memory_space<vmem>>, vector<1x128xf32>
    %get3A_91 = vector.shape_cast %get3A_90 : vector<1x128xf32> to vector<128xf32>
    %mul3A_92 = vector.broadcast %get3A_10 : f32 to vector<128xf32>
    %mul3A_93 = arith.mulf %mul3A_92, %get3A_91 : vector<128xf32>
    %add3A_94 = arith.addf %add3A_87, %mul3A_93 : vector<128xf32>
    %get3A_95 = arith.constant 3 : index
    %get3A_96 = arith.constant 0 : index
    %get3A_97 = vector.load %arg5[%get3A_95, %get3A_96] : memref<4x128xf32, #tpu.memory_space<vmem>>, vector<1x128xf32>
    %get3A_98 = vector.shape_cast %get3A_97 : vector<1x128xf32> to vector<128xf32>
    %mul3A_99 = vector.broadcast %get3A_14 : f32 to vector<128xf32>
    %mul3A_100 = arith.mulf %mul3A_99, %get3A_98 : vector<128xf32>
    %add3A_101 = arith.addf %add3A_94, %mul3A_100 : vector<128xf32>
    %get3A_102 = arith.constant 0 : index
    %get3A_103 = arith.constant 0 : index
    %get3A_104 = vector.load %arg7[%get3A_102, %get3A_103] : memref<4x128xf32, #tpu.memory_space<vmem>>, vector<1x128xf32>
    %get3A_105 = vector.shape_cast %get3A_104 : vector<1x128xf32> to vector<128xf32>
    %mul3A_106 = vector.broadcast %get3A_2 : f32 to vector<128xf32>
    %mul3A_107 = arith.mulf %mul3A_106, %get3A_105 : vector<128xf32>
    %get3A_108 = arith.constant 1 : index
    %get3A_109 = arith.constant 0 : index
    %get3A_110 = vector.load %arg7[%get3A_108, %get3A_109] : memref<4x128xf32, #tpu.memory_space<vmem>>, vector<1x128xf32>
    %get3A_111 = vector.shape_cast %get3A_110 : vector<1x128xf32> to vector<128xf32>
    %mul3A_112 = vector.broadcast %get3A_6 : f32 to vector<128xf32>
    %mul3A_113 = arith.mulf %mul3A_112, %get3A_111 : vector<128xf32>
    %add3A_114 = arith.addf %mul3A_107, %mul3A_113 : vector<128xf32>
    %get3A_115 = arith.constant 2 : index
    %get3A_116 = arith.constant 0 : index
    %get3A_117 = vector.load %arg7[%get3A_115, %get3A_116] : memref<4x128xf32, #tpu.memory_space<vmem>>, vector<1x128xf32>
    %get3A_118 = vector.shape_cast %get3A_117 : vector<1x128xf32> to vector<128xf32>
    %mul3A_119 = vector.broadcast %get3A_10 : f32 to vector<128xf32>
    %mul3A_120 = arith.mulf %mul3A_119, %get3A_118 : vector<128xf32>
    %add3A_121 = arith.addf %add3A_114, %mul3A_120 : vector<128xf32>
    %get3A_122 = arith.constant 3 : index
    %get3A_123 = arith.constant 0 : index
    %get3A_124 = vector.load %arg7[%get3A_122, %get3A_123] : memref<4x128xf32, #tpu.memory_space<vmem>>, vector<1x128xf32>
    %get3A_125 = vector.shape_cast %get3A_124 : vector<1x128xf32> to vector<128xf32>
    %mul3A_126 = vector.broadcast %get3A_14 : f32 to vector<128xf32>
    %mul3A_127 = arith.mulf %mul3A_126, %get3A_125 : vector<128xf32>
    %add3A_128 = arith.addf %add3A_121, %mul3A_127 : vector<128xf32>
    %get3A_129 = arith.constant 0 : index
    %get3A_130 = arith.constant 0 : index
    %get3A_131 = arith.constant 0 : index
    %get3A_132 = vector.load %arg2[%get3A_129, %get3A_130, %get3A_131] : memref<2x2000x16xf32, #tpu.memory_space<vmem>>, vector<1x2000x1xf32>
    %get3A_133 = vector.shape_cast %get3A_132 : vector<1x2000x1xf32> to vector<2000x1xf32>
    %get3A_134 = arith.constant 1 : index
    %get3A_135 = arith.constant 0 : index
    %get3A_136 = arith.constant 0 : index
    %get3A_137 = vector.load %arg2[%get3A_134, %get3A_135, %get3A_136] : memref<2x2000x16xf32, #tpu.memory_space<vmem>>, vector<1x2000x1xf32>
    %get3A_138 = vector.shape_cast %get3A_137 : vector<1x2000x1xf32> to vector<2000x1xf32>
    %add3A_139 = arith.addf %get3A_133, %get3A_138 : vector<2000x1xf32>
    %get3A_140 = arith.constant 0 : index
    %get3A_141 = arith.constant 0 : index
    %get3A_142 = arith.constant 0 : index
    %get3A_143 = vector.load %arg1[%get3A_140, %get3A_141, %get3A_142] : memref<2x2000x64xf32, #tpu.memory_space<vmem>>, vector<1x2000x64xf32>
    %get3A_144 = vector.shape_cast %get3A_143 : vector<1x2000x64xf32> to vector<2000x64xf32>
    %slice3A = vector.extract_strided_slice %add3A_43 {offsets = [0, 0], sizes = [64, 128], strides = [1, 1]} : vector<128x128xf32> to vector<64x128xf32>
    %dot_general3A = arith.constant dense<0.000000e+00> : vector<2000x128xf32>
    %dot_general3A_145 = tpu.matmul %get3A_144, %slice3A, %dot_general3A {dimension_numbers = #tpu.dot_dimension_numbers<[1], [0], [0], [1], [0, 0, 1, 1], [], []>, precision = #tpu.contract_precision<fp32>, transpose_lhs_hint = false} : vector<2000x64xf32>, vector<64x128xf32>, vector<2000x128xf32> -> vector<2000x128xf32>
    %get3A_146 = arith.constant 1 : index
    %get3A_147 = arith.constant 0 : index
    %get3A_148 = arith.constant 0 : index
    %get3A_149 = vector.load %arg1[%get3A_146, %get3A_147, %get3A_148] : memref<2x2000x64xf32, #tpu.memory_space<vmem>>, vector<1x2000x64xf32>
    %get3A_150 = vector.shape_cast %get3A_149 : vector<1x2000x64xf32> to vector<2000x64xf32>
    %slice3A_151 = vector.extract_strided_slice %add3A_43 {offsets = [64, 0], sizes = [64, 128], strides = [1, 1]} : vector<128x128xf32> to vector<64x128xf32>
    %dot_general3A_152 = arith.constant dense<0.000000e+00> : vector<2000x128xf32>
    %dot_general3A_153 = tpu.matmul %get3A_150, %slice3A_151, %dot_general3A_152 {dimension_numbers = #tpu.dot_dimension_numbers<[1], [0], [0], [1], [0, 0, 1, 1], [], []>, precision = #tpu.contract_precision<fp32>, transpose_lhs_hint = false} : vector<2000x64xf32>, vector<64x128xf32>, vector<2000x128xf32> -> vector<2000x128xf32>
    %add3A_154 = arith.addf %dot_general3A_145, %dot_general3A_153 : vector<2000x128xf32>
    %get3A_155 = arith.constant 0 : index
    %get3A_156 = arith.constant 0 : index
    %get3A_157 = vector.load %arg3[%get3A_155, %get3A_156] : memref<2000x128xf32, #tpu.memory_space<vmem>>, vector<2000x128xf32>
    %dot_general3A_158 = arith.constant dense<0.000000e+00> : vector<2000x128xf32>
    %dot_general3A_159 = tpu.matmul %get3A_157, %add3A_74, %dot_general3A_158 {dimension_numbers = #tpu.dot_dimension_numbers<[1], [0], [0], [1], [0, 0, 1, 1], [], []>, precision = #tpu.contract_precision<fp32>, transpose_lhs_hint = false} : vector<2000x128xf32>, vector<128x128xf32>, vector<2000x128xf32> -> vector<2000x128xf32>
    %add3A_160 = arith.addf %add3A_154, %dot_general3A_159 : vector<2000x128xf32>
    %reshape3A = vector.shape_cast %add3A_101 : vector<128xf32> to vector<1x128xf32>
    %mul3A_161 = vector.broadcast %add3A_139 : vector<2000x1xf32> to vector<2000x128xf32>
    %mul3A_162 = vector.broadcast %reshape3A : vector<1x128xf32> to vector<2000x128xf32>
    %mul3A_163 = arith.mulf %mul3A_161, %mul3A_162 : vector<2000x128xf32>
    %add3A_164 = arith.addf %add3A_160, %mul3A_163 : vector<2000x128xf32>
    %reshape3A_165 = vector.shape_cast %add3A_128 : vector<128xf32> to vector<1x128xf32>
    %add3A_166 = vector.broadcast %reshape3A_165 : vector<1x128xf32> to vector<2000x128xf32>
    %add3A_167 = arith.addf %add3A_164, %add3A_166 : vector<2000x128xf32>
    %mul3A_168 = arith.mulf %add3A_167, %add3A_167 : vector<2000x128xf32>
    %reduce_sum3A = arith.constant dense<0.000000e+00> : vector<2000xf32>
    %reduce_sum3A_169 = vector.multi_reduction <add>, %mul3A_168, %reduce_sum3A [1] : vector<2000x128xf32> to vector<2000xf32>
    %broadcast_in_dim3A = vector.shape_cast %reduce_sum3A_169 : vector<2000xf32> to vector<2000x1xf32>
    %sqrt3A = math.sqrt %broadcast_in_dim3A : vector<2000x1xf32>
    %max3A = arith.constant 9.99999996E-13 : f32
    %max3A_170 = vector.broadcast %max3A : f32 to vector<2000x1xf32>
    %max3A_171 = arith.maximumf %sqrt3A, %max3A_170 : vector<2000x1xf32>
    %div3A = vector.broadcast %max3A_171 : vector<2000x1xf32> to vector<2000x128xf32>
    %div3A_172 = arith.divf %add3A_167, %div3A : vector<2000x128xf32>
    %swap3A = arith.constant 0 : index
    %swap3A_173 = arith.constant 0 : index
    %swap3A_174 = vector.load %arg9[%swap3A, %swap3A_173] : memref<2000x128xf32, #tpu.memory_space<vmem>>, vector<2000x128xf32>
    tpu.vector_store %arg9[%swap3A, %swap3A_173], %div3A_172 {strides = array<i32>} : memref<2000x128xf32, #tpu.memory_space<vmem>>, vector<2000x128xf32>,
    return
  }
  func.func @transform_0(%arg0: i32) -> (i32, i32, i32) {
    %c0_i32 = arith.constant 0 : i32
    %c0_i32_0 = arith.constant 0 : i32
    %c0_i32_1 = arith.constant 0 : i32
    return %c0_i32, %arg0, %c0_i32_0 : i32, i32, i32
  }
  func.func @transform_1(%arg0: i32) -> (i32, i32, i32) {
    %c0_i32 = arith.constant 0 : i32
    %c0_i32_0 = arith.constant 0 : i32
    %c0_i32_1 = arith.constant 0 : i32
    return %c0_i32, %arg0, %c0_i32_0 : i32, i32, i32
  }
  func.func @transform_2(%arg0: i32) -> (i32, i32) {
    %c0_i32 = arith.constant 0 : i32
    %c0_i32_0 = arith.constant 0 : i32
    return %arg0, %c0_i32 : i32, i32
  }
  func.func @transform_3(%arg0: i32) -> (i32, i32, i32) {
    %c0_i32 = arith.constant 0 : i32
    %c0_i32_0 = arith.constant 0 : i32
    %c0_i32_1 = arith.constant 0 : i32
    %c0_i32_2 = arith.constant 0 : i32
    return %c0_i32, %c0_i32_0, %c0_i32_1 : i32, i32, i32
  }
  func.func @transform_4(%arg0: i32) -> (i32, i32) {
    %c0_i32 = arith.constant 0 : i32
    %c0_i32_0 = arith.constant 0 : i32
    %c0_i32_1 = arith.constant 0 : i32
    return %c0_i32, %c0_i32_0 : i32, i32
  }
  func.func @transform_5(%arg0: i32) -> (i32, i32, i32) {
    %c0_i32 = arith.constant 0 : i32
    %c0_i32_0 = arith.constant 0 : i32
    %c0_i32_1 = arith.constant 0 : i32
    %c0_i32_2 = arith.constant 0 : i32
    return %c0_i32, %c0_i32_0, %c0_i32_1 : i32, i32, i32
  }
  func.func @transform_6(%arg0: i32) -> (i32, i32) {
    %c0_i32 = arith.constant 0 : i32
    %c0_i32_0 = arith.constant 0 : i32
    %c0_i32_1 = arith.constant 0 : i32
    return %c0_i32, %c0_i32_0 : i32, i32
  }
  func.func @transform_7(%arg0: i32) -> (i32, i32) {
    %c0_i32 = arith.constant 0 : i32
    %c0_i32_0 = arith.constant 0 : i32
    %c0_i32_1 = arith.constant 0 : i32
    return %c0_i32, %c0_i32_0 : i32, i32
  }
  func.func @transform_8(%arg0: i32) -> (i32, i32) {
    %c0_i32 = arith.constant 0 : i32
    %c0_i32_0 = arith.constant 0 : i32
    return %arg0, %c0_i32 : i32, i32
  }
}

</mosaic_0001>

<sc_bundles>
// kernel: kernel.4.cloned.1.call-start
scs
__scs_entry_jumppad:
0x0: {  	(pc) =	sbr.rel $0x88, $3  }
0x1: {  	(tag) =	ssettag $0x0;
	lr =	simm.s32 $0x1  }
0x2: {  	[smem:$0x3F9A] =	sst lr;
	_ =	strace $0xD0000000  }
0x3: {  	_ = 	snop  }
0x4: {  	_ = 	snop  }
0x5: {  	_ = 	snop  }
0x6: {  	_ = 	snop  }
0x7: {  	_ = 	snop  }
__scs_overlays_trampoline_lowered:
0x8: {  	[smem:$0x3FA9] =	sst s0  }
0x9: {  	[smem:$0x3FAA] =	sst s1  }
0xa: {  	[smem:$0x3FAB] =	sst s2  }
0xb: {  	[smem:$0x3FAC] =	sst s3  }
0xc: {  	[smem:$0x3FAD] =	sst s4  }
0xd: {  	[smem:$0x3FAE] =	sst s5  }
0xe: {  	[smem:$0x3FAF] =	sst s6  }
0xf: {  	[smem:$0x3FB0] =	sst s7  }
0x10: {  	[smem:$0x3FB1] =	sst s8  }
0x11: {  	[smem:$0x3FB2] =	sst s9;
	s0 =	simm.s32 @!p0 $0x0  }
0x12: {  	s1 =	sld [smem:$0x3F98];
	s0 =	simm.s32 @p0 $0x1  }
0x13: {  	[smem:$0x3FB3] =	sst s0;
	s0 =	simm.s32 @!p1 $0x0  }
0x14: {  	s2 =	sld [smem:$0x3F97];
	s0 =	simm.s32 @p1 $0x1  }
0x15: {  	[smem:$0x3FB4] =	sst s0;
	s0 =	simm.s32 @!p2 $0x0  }
0x16: {  	s3 =	sld [smem:$0x3FDB];
	s0 =	simm.s32 @p2 $0x1  }
0x17: {  	s4 =	simm.s32 $0x1BF5;
	[smem:$0x3FB6] =	sst s0  }
0x18: {  	s0 =	sld [smem:$0x3F99];
	_ =	swait.ge [sflag:s4], $0x0  }
0x19: {  	s7 =	sld [smem:$0x3F9A]  }
0x1a: {  	s8 =	sadd.s32 $0xFFFFE003, lr  }
0x1b: {  	s9 =	sadd.s32 $0xFFFFFEF7, lr;
	s5 =	simm.s32 $0xFFFFFFFF;
	p2 =	slt.u32 s8, $0xFFFFF086  }
0x1c: {  	p1 =	slt.u32 s9, $0xF7A;
	s5 =	simm.s32 @!p2 $0x0  }
0x1d: {  	s5 =	simm.s32 @p1 $0x1;
	p0 =	seq.s32 s7, s2  }
0x1e: {  	s7 =	smul.u32 @!p0 $0xF7A, s2;
	p2 =	seq.s32 @!p0 s5, $0x0  }
0x1f: {  	s9 =	smul.u32 $0xF7A, s1;
	s8 =	simm.s32 @!p0 $0x1BF5;
	p2 =	por !p2, p0  }
0x20: {  	[sflag:s8] =	ssyncset.s32 @!p0 $0xFFFFF086;
	s6 =	sadd.s32 @!p0 s3, s7;
	s7 =	simm.s32 @!p0 $0x108  }
0x21: {  	s3 =	sadd.s32 s3, s9;
	s6 =	sadd.s32 @!p0 $0x88, s6;
	s7 =	simm.s32 @p2 $0x1082  }
0x22: {  	[simem:s7], [sflag:s8] =	dma.local @!p0 [hbm:s6], $0xF7A  }
0x23: {  	s9 =	sor.u32 $0xD0000000, s2;
	s6 =	simm.s32 $0x108;
	_ =	swait.ge @!p0 [sflag:s8], $0x0  }
0x24: {  	s3 =	sadd.s32 $0x88, s3;
	s6 =	simm.s32 @!p1 $0x1082;
	[sflag:s4] =	ssyncset.s32 $0xFFFFF086  }
0x25: {  	[simem:s6], [sflag:s4] =	dma.local [hbm:s3], $0xF7A  }
0x26: {  	[smem:$0x3F9A] =	sst s1;
	(tag) =	ssettag s2;
	_ =	strace s9  }
0x27: {  	s1 =	sld [smem:$0x3FAA]  }
0x28: {  	s2 =	sld [smem:$0x3FAB]  }
0x29: {  	s4 =	sld [smem:$0x3FAD]  }
0x2a: {  	p0 =	seq.s32 s5, $0x0;
	s5 =	sld [smem:$0x3FAE]  }
0x2b: {  	s6 =	sld [smem:$0x3FAF]  }
0x2c: {  	s7 =	sld [smem:$0x3FB0]  }
0x2d: {  	s3 =	simm.s32 $0x108;
	s8 =	sld [smem:$0x3FB1]  }
0x2e: {  	s3 =	simm.s32 @!p0 $0x1082;
	s9 =	sld [smem:$0x3FB2]  }
0x2f: {  	lr =	sadd.s32 s0, s3;
	s0 =	sld [smem:$0x3FA9]  }
0x30: {  	s3 =	sld [smem:$0x3FAC]  }
0x31: {  	[smem:$0x3FB5] =	sst s10  }
0x32: {  	s10 =	sld [smem:$0x3FB3];
	_ =	sdelay $0x3  }
0x33: {  	p0 =	seq.s32 s10, $0x1;
	s10 =	sld [smem:$0x3FB5];
	_ =	sdelay $0x3  }
0x34: {  	[smem:$0x3FB5] =	sst s10  }
0x35: {  	s10 =	sld [smem:$0x3FB4];
	_ =	sdelay $0x3  }
0x36: {  	p1 =	seq.s32 s10, $0x1;
	s10 =	sld [smem:$0x3FB5];
	_ =	sdelay $0x3  }
0x37: {  	[smem:$0x3FB5] =	sst s10  }
0x38: {  	s10 =	sld [smem:$0x3FB6]  }
0x39: {  	_ = 	snop;
	(pc) =	sbr.ind lr, $3  }
0x3a: {  	_ = 	snop  }
0x3b: {  	_ = 	snop  }
0x3c: {  	p2 =	seq.s32 s10, $0x1;
	s10 =	sld [smem:$0x3FB5]  }
0x3d: {  	_ =	shalt  }
0x3e: {  	_ =	shalt  }
0x3f: {  	_ =	shalt  }
0x40: {  	_ =	shalt  }
0x41: {  	_ =	shalt  }
0x42: {  	_ =	shalt  }
0x43: {  	_ =	shalt  }
0x44: {  	_ =	shalt  }
0x45: {  	_ =	shalt  }
0x46: {  	_ =	shalt  }
0x47: {  	_ =	shalt  }
0x48: {  	_ =	shalt  }
0x49: {  	_ =	shalt  }
0x4a: {  	_ =	shalt  }
0x4b: {  	_ =	shalt  }
0x4c: {  	_ =	shalt  }
0x4d: {  	_ =	shalt  }
0x4e: {  	_ =	shalt  }
0x4f: {  	_ =	shalt  }
0x50: {  	_ =	shalt  }
0x51: {  	_ =	shalt  }
0x52: {  	_ =	shalt  }
0x53: {  	_ =	shalt  }
0x54: {  	_ =	shalt  }
0x55: {  	_ =	shalt  }
0x56: {  	_ =	shalt  }
0x57: {  	_ =	shalt  }
0x58: {  	_ =	shalt  }
0x59: {  	_ =	shalt  }
0x5a: {  	_ =	shalt  }
0x5b: {  	_ =	shalt  }
0x5c: {  	_ =	shalt  }
0x5d: {  	_ =	shalt  }
0x5e: {  	_ =	shalt  }
0x5f: {  	_ =	shalt  }
0x60: {  	_ =	shalt  }
0x61: {  	_ =	shalt  }
0x62: {  	_ =	shalt  }
0x63: {  	_ =	shalt  }
0x64: {  	_ =	shalt  }
0x65: {  	_ =	shalt  }
0x66: {  	_ =	shalt  }
0x67: {  	_ =	shalt  }
0x68: {  	_ =	shalt  }
0x69: {  	_ =	shalt  }
0x6a: {  	_ =	shalt  }
0x6b: {  	_ =	shalt  }
0x6c: {  	_ =	shalt  }
0x6d: {  	_ =	shalt  }
0x6e: {  	_ =	shalt  }
0x6f: {  	_ =	shalt  }
0x70: {  	_ =	shalt  }
0x71: {  	_ =	shalt  }
0x72: {  	_ =	shalt  }
0x73: {  	_ =	shalt  }
0x74: {  	_ =	shalt  }
0x75: {  	_ =	shalt  }
0x76: {  	_ =	shalt  }
0x77: {  	_ =	shalt  }
0x78: {  	_ =	shalt  }
0x79: {  	_ =	shalt  }
0x7a: {  	_ =	shalt  }
0x7b: {  	_ =	shalt  }
0x7c: {  	_ =	shalt  }
0x7d: {  	_ =	shalt  }
0x7e: {  	_ =	shalt  }
0x7f: {  	_ =	shalt  }
0x80: {  	_ =	shalt  }
0x81: {  	_ =	shalt  }
0x82: {  	_ =	shalt  }
0x83: {  	_ =	shalt  }
0x84: {  	_ =	shalt  }
0x85: {  	_ =	shalt  }
0x86: {  	_ =	shalt  }
0x87: {  	_ =	shalt  }
.Lfunc_end0:
.L_simem_size_0:
called_computation_lowered:
.L_overlay_start_0:
0x88: {  	s2 =	sld [smem:$0x3FD9]  }
0x89: {  	s3 =	sld [smem:$0x3FFE];
	_ =	sdelay $0x1  }
0x8a: {  	s1 =	srdreg.scid  }
0x8b: {  	s0 =	sand.u32 $0x1, s1  }
0x8c: {  	s17 =	sshll.u32 s0, $0xA;
	s2 =	sadd.s32 s3, s2  }
0x8d: {  	s2 =	sadd.s32 s2, s17  }
0x8e: {  	[smem:$0x3FC1] =	sst s2  }
0x8f: {  	_ = 	snop  }
0x90: {  	s2 =	sld [smem:$0x3FD0];
	(tm) =	ssettm $0x1  }
0x91: {  	s18 =	sld [smem:$0x3FFB];
	_ =	sdelay $0x3  }
0x92: {  	_ =	strace s18  }
0x93: {  	s3 =	sld [smem:$0x3FFC];
	_ =	sdelay $0x3  }
0x94: {  	_ =	strace s3  }
0x95: {  	s3 =	sld [smem:$0x3FFD];
	_ =	sdelay $0x3  }
0x96: {  	_ =	strace s3  }
0x97: {  	_ =	strace $0x8FFFFFFF  }
0x98: {  	s19 =	sld [smem:$0x3FDB];
	_ =	sdelay $0x1  }
0x99: {  	s4 =	simm.s32 $_scs_section_size  }
0x9a: {  	s5 =	simm.s32 $_size__tile_overlayer_lowered;
	s6 =	simm.s32 $_tile_overlayer_lowered  }
0x9b: {  	s22 =	simm.s32 $0x1BFF;
	s21 =	sshll.u32 s6, $0x1;
	s3 =	sadd.s32 s4, s19  }
0x9c: {  	s7 =	simm.s32 $0x0;
	s20 =	sshll.u32 s5, $0x1;
	s5 =	sadd.s32 s21, s3  }
0x9d: {  	[timem:s7], [sflag:s22] =	dma.local [hbm:s5], s20  }
0x9e: {  	_ =	swait.ge [sflag:s22], s20  }
0x9f: {  	s4 =	ssub.s32 $0x0, s20;
	[sflag:s22] =	ssyncset.done $0x0  }
0xa0: {  	[sflag:s22] =	ssyncadd.s32 s4;
	_ =	sdelay $0x1  }
0xa1: {  	s23 =	simm.s32 $0x1B8B  }
0xa2: {  	_ =	swait.ge [sflag:s23], $0x1  }
0xa3: {  	[sflag:s23] =	ssyncset.done $0x0  }
0xa4: {  	s25 =	simm.s32 $0x1B8E;
	s24 =	sld [smem:$0x3FFE];
	[sflag:s23] =	ssyncadd.s32 $0xFFFFFFFF  }
0xa5: {  	s26 =	simm.s32 $execute0_lowered;
	[smem:$0x3FD2] =	sst s25  }
0xa6: {  	s5 =	sshll.u32 s26, $0x1;
	_ =	strace $0x80000046;
	[dreg:$0x1] =	wrdreg $0xFFFFFFFF  }
0xa7: {  	s28 =	simm.s32 $_size_execute0_lowered;
	s3 =	sadd.s32 s3, s5;
	[dreg:$0x0] =	wrdreg $0x0  }
0xa8: {  	s5 =	sshll.u32 s28, $0x1;
	[dreg:$0x2] =	wrdreg s3  }
0xa9: {  	[dreg:$0x3] =	wrdreg s5  }
0xaa: {  	[dreg:$0x4] =	wrdreg $0xC0  }
0xab: {  	_ =	task [dreg:s7], $0x5FFFF  }
0xac: {  	[dreg:$0x1] =	wrdreg $0xFFFFFFFF  }
0xad: {  	[dreg:$0x0] =	wrdreg $0x60  }
0xae: {  	[dreg:$0x2] =	wrdreg s2  }
0xaf: {  	[dreg:$0x3] =	wrdreg s24  }
0xb0: {  	[dreg:$0x4] =	wrdreg $0x0  }
0xb1: {  	[dreg:$0x5] =	wrdreg $0xA0000  }
0xb2: {  	[dreg:$0x6] =	wrdreg $0x9  }
0xb3: {  	_ =	task.clear_ibuf [dreg:s7], $0x7FFFF;
	_ =	strace $0x90000046  }
0xb4: {  	s29 =	simm.s32 $0x9;
	_ =	strace $0x80000048  }
0xb5: {  	_ =	swait.ge [sflag:s29], $0x1  }
0xb6: {  	[sflag:s29] =	ssyncadd.s32 $0xFFFFFFFF  }
0xb7: {  	_ =	strace $0x90000048  }
0xb8: {  	_ =	sfence  }
0xb9: {  	s30 =	sld [smem:$0x0];
	_ =	sdelay $0x2  }
0xba: {  	s31 =	sshll.u32 s1, $0xD;
	s1 =	sshrl.u32 s1, $0x2  }
0xbb: {  	s3 =	sand.u32 $0x4000, s31;
	s1 =	sadd.s32 s1, s30  }
0xbc: {  	s0 =	sor.u32 s3, s0;
	s1 =	sshll.u32 s1, $0x11  }
0xbd: {  	s0 =	sor.u32 s1, s0  }
0xbe: {  	s0 =	sadd.s32 $0x8F2B, s0  }
0xbf: {  	[sflag:s0] =	ssyncadd.remote.s32 $0x1  }
0xc0: {  	_ =	sfence.sel $0xFFFF  }
0xc1: {  	[dreg:$0x0] =	wrdreg $0xFFFFFFFF;
	(pc) =	sbr.abs _section_cstart, $3  }
0xc2: {  	[dreg:$0x1] =	wrdreg $0xFFFFFFFF  }
0xc3: {  	_ =	task.clear_ibuf [dreg:s7], $0x2FFFF;
	_ =	strace $0x9FFFFFFF  }
0xc4: {  	(tm) =	ssettm $0x7FFFFFFF  }
0xc5: {  	_ =	shalt  }
tec
execute0_lowered:
.L_overlay_start_1:
0x0: {  	(tag) =	ssettag $0x1  }
0x1: {  	s0 =	srdreg.scid  }
0x2: {  	s26 =	stileid.u32;
	s2 =	rddreg [dreg:$0x1]  }
0x3: {  	s28 =	simm.s32 $0x0;
	s1 =	sand.u32 $0x1, s0;
	s9 =	smul.u32 $0x280, s26  }
0x4: {  	s12 =	sadd.s32 $0x29000, s2;
	[smem:$0x7FF] =	sst s28;
	s0 =	ssub.s32 $0x2, s1  }
0x5: {  	s18 =	smul.u32 $0xA0000, s1;
	s3 =	sshrl.u32 s0, $0x1;
	s13 =	sor.u32 $0x50, s9  }
0x6: {  	s14 =	sadd.s32 $0xA0, s9;
	s15 =	sadd.s32 $0xF0, s9;
	s16 =	sadd.s32 $0x140, s9  }
0x7: {  	s17 =	sadd.s32 $0x190, s9;
	s19 =	sadd.s32 $0x1E0, s9;
	s21 =	sadd.s32 $0x230, s9  }
0x8: {  	s0 =	ssub.s32 s0, s3;
	s3 =	smul.u32 $0xA000, s26;
	s4 =	sshll.u32 s13, $0x6  }
0x9: {  	s5 =	sshll.u32 s14, $0x6;
	s6 =	sshll.u32 s15, $0x6;
	s7 =	sshll.u32 s16, $0x6  }
0xa: {  	s8 =	sshll.u32 s17, $0x6;
	s10 =	sshll.u32 s19, $0x6;
	s13 =	sshll.u32 s13, $0x4  }
0xb: {  	s14 =	sshll.u32 s14, $0x4;
	s17 =	sshll.u32 s17, $0x4;
	s20 =	sadd.s32 s18, s4  }
0xc: {  	s24 =	sadd.s32 s18, s5;
	s30 =	sadd.s32 s18, s7;
	s22 =	sshrl.u32 s20, $0x3  }
0xd: {  	s11 =	sadd.s32 s3, s18;
	s20 =	sshrl.u32 s30, $0x3;
	s23 =	sadd.s32 s12, s22  }
0xe: {  	s11 =	sshrl.u32 s11, $0x3;
	s22 =	sadd.s32 s12, s20;
	[dreg:$0x6] =	wrdreg s23  }
0xf: {  	s25 =	sadd.s32 s18, s6;
	s9 =	sadd.s32 s12, s11;
	[dreg:$0x9] =	wrdreg s22  }
0x10: {  	s11 =	sshrl.u32 s25, $0x3;
	[dreg:$0x5] =	wrdreg s9;
	s9 =	sshrl.u32 s24, $0x3  }
0x11: {  	s23 =	sadd.s32 s18, s8;
	s22 =	sshll.u32 s15, $0x4;
	s9 =	sadd.s32 s12, s9  }
0x12: {  	s24 =	sadd.s32 s18, s10;
	[dreg:$0x7] =	wrdreg s9;
	s9 =	sadd.s32 s12, s11  }
0x13: {  	s11 =	sshll.u32 s21, $0x6;
	[dreg:$0x8] =	wrdreg s9;
	s9 =	sshrl.u32 s23, $0x3  }
0x14: {  	s25 =	sshrl.u32 s24, $0x3;
	s18 =	sadd.s32 s18, s11;
	s9 =	sadd.s32 s12, s9  }
0x15: {  	s24 =	sshll.u32 s19, $0x4;
	s18 =	sshrl.u32 s18, $0x3;
	[dreg:$0xa] =	wrdreg s9  }
0x16: {  	s9 =	sadd.s32 s12, s25;
	s12 =	sadd.s32 s12, s18;
	s18 =	smul.u32 $0x28000, s1  }
0x17: {  	s21 =	sshll.u32 s21, $0x4;
	[dreg:$0xc] =	wrdreg s12;
	s12 =	smul.u32 $0x2800, s26  }
0x18: {  	s23 =	sshll.u32 s16, $0x4;
	s16 =	rddreg [dreg:$0x0];
	s25 =	sadd.s32 $0x51000, s2  }
0x19: {  	[dreg:$0xb] =	wrdreg s9;
	s9 =	sadd.s32 s18, s13;
	s30 =	sadd.s32 s12, s18  }
0x1a: {  	s20 =	sadd.s32 s18, s14;
	s19 =	sshrl.u32 s9, $0x3;
	s15 =	sshrl.u32 s30, $0x3  }
0x1b: {  	s9 =	sadd.s32 s18, s22;
	s30 =	sshrl.u32 s20, $0x3;
	s15 =	sadd.s32 s25, s15  }
0x1c: {  	s20 =	sadd.s32 s18, s23;
	[dreg:$0xd] =	wrdreg s15;
	s15 =	sadd.s32 s25, s19  }
0x1d: {  	s19 =	sshrl.u32 s9, $0x3;
	[dreg:$0xe] =	wrdreg s15;
	s15 =	sadd.s32 s25, s30  }
0x1e: {  	s30 =	sshrl.u32 s20, $0x3;
	[dreg:$0xf] =	wrdreg s15;
	s15 =	sadd.s32 s25, s19  }
0x1f: {  	s9 =	sadd.s32 s18, s17;
	[dreg:$0x10] =	wrdreg s15;
	s15 =	sadd.s32 s25, s30  }
0x20: {  	s26 =	smul.u32 $0x9C4, s26;
	s19 =	sshrl.u32 s9, $0x3;
	[dreg:$0x11] =	wrdreg s15  }
0x21: {  	s20 =	sadd.s32 s18, s24;
	s15 =	sadd.s32 s25, s19;
	s19 =	rddreg [dreg:$0x2]  }
0x22: {  	s18 =	sadd.s32 s18, s21;
	[dreg:$0x12] =	wrdreg s15;
	s15 =	sshrl.u32 s20, $0x3  }
0x23: {  	s18 =	sshrl.u32 s18, $0x3;
	s20 =	rddreg [dreg:$0x3];
	s15 =	sadd.s32 s25, s15  }
0x24: {  	s25 =	sadd.s32 s25, s18;
	[dreg:$0x13] =	wrdreg s15  }
0x25: {  	s26 =	sadd.s32 s26, s2;
	s30 =	sadd.s32 $0x28C00, s2;
	[dreg:$0x14] =	wrdreg s25  }
0x26: {  	s9 =	sadd.s32 $0x28A00, s2;
	_ =	strace $0x80000047;
	[dreg:$0x15] =	wrdreg s30  }
0x27: {  	s15 =	sadd.s32 $0x14E00, s2;
	s2 =	sadd.s32 $0x28800, s2;
	[dreg:$0x16] =	wrdreg s9  }
0x28: {  	s25 =	sadd.s32 $0xB000, s26;
	[dreg:$0x17] =	wrdreg s2  }
0x29: {  	s31 =	simm.s32 $0x50;
	s26 =	sadd.s32 $0x1200, s26;
	[dreg:$0x18] =	wrdreg s25  }
0x2a: {  	p0 =	seq.s32 s1, $0x0;
	s0 =	smax.u32 s0, $0x1;
	[dreg:$0x19] =	wrdreg s26  }
0x2b: {  	s18 =	sadd.s32 s11, s19;
	s29 =	sadd.s32 s21, s20;
	[smem:$0x7F3] =	sst s0  }
0x2c: {  	s21 =	simm.s32 $0x3;
	s30 =	sadd.s32 s3, s19;
	[smem:$0x7FD] =	sst s29  }
0x2d: {  	s3 =	sadd.s32 s4, s19;
	s4 =	sadd.s32 s5, s19;
	[dreg:$0x1a] =	wrdreg s30  }
0x2e: {  	s5 =	sadd.s32 s6, s19;
	s6 =	sadd.s32 s7, s19;
	[dreg:$0x1b] =	wrdreg s3  }
0x2f: {  	s7 =	sadd.s32 s8, s19;
	s9 =	sadd.s32 s10, s19;
	[dreg:$0x1c] =	wrdreg s4  }
0x30: {  	s25 =	sadd.s32 s12, s20;
	s12 =	smov.u32 s18;
	[dreg:$0x1d] =	wrdreg s5  }
0x31: {  	s26 =	sadd.s32 s13, s20;
	s18 =	sadd.s32 s24, s20;
	[smem:$0x7F5] =	sst s12  }
0x32: {  	s24 =	simm.s32 $0xC;
	s8 =	smov.u32 s6;
	[smem:$0x7FC] =	sst s18  }
0x33: {  	s0 =	simm.s32 $0x18C40;
	s10 =	smov.u32 s7;
	[dreg:$0x1e] =	wrdreg s8  }
0x34: {  	s2 =	simm.s32 $0x1B440;
	s11 =	smov.u32 s9;
	[dreg:$0x1f] =	wrdreg s10  }
0x35: {  	s13 =	smov.u32 s25;
	s30 =	sadd.s32 s14, s20;
	[smem:$0x7F4] =	sst s11  }
0x36: {  	s14 =	smov.u32 s26;
	s7 =	sadd.s32 s22, s20;
	[smem:$0x7F6] =	sst s13  }
0x37: {  	s9 =	sadd.s32 s23, s20;
	s25 =	sadd.s32 s17, s20;
	[smem:$0x7F7] =	sst s14  }
0x38: {  	s23 =	smov.u32 s15;
	s22 =	simm.s32 $0x16440;
	[smem:$0x7F9] =	sst s7  }
0x39: {  	s26 =	simm.s32 $0x1;
	s3 =	simm.s32 $0x5;
	[smem:$0x7FA] =	sst s9  }
0x3a: {  	s4 =	simm.s32 $0x6;
	s17 =	smov.u32 s30;
	[smem:$0x7FB] =	sst s25  }
0x3b: {  	s6 =	simm.s32 $0x0;
	s23 =	smov.u32 @p0 s16;
	[smem:$0x7F8] =	sst s17  }
.LBB2_1:
0x3c: {  	[smem:$0x7F2] =	sst s6  }
0x3d: {  	s5 =	rddreg [dreg:$0x18];
	s30 =	simm.s32 $0xC800  }
0x3e: {  	[tilespmem:s30], [sflag:$0x9] =	stream.linear.gather [hbm4b:s5+s28], $0x4E20, $0x38;
	[tilespmem:$0x1CD40] =	vst v63  }
0x3f: {  	s5 =	rddreg [dreg:$0x19];
	s30 =	simm.s32 $0x11620  }
0x40: {  	[tilespmem:s30], [sflag:$0xA] =	stream.linear.gather [hbm4b:s5+s28], $0x4E20, $0x38;
	[tilespmem:$0x1CD40] =	vst v63  }
0x41: {  	s30 =	rddreg [dreg:$0x15]  }
0x42: {  	[tilespmem:s22], [sflag:$0xC] =	stream.linear.gather [hbm4b:s30+s28], $0x1400, $0x38;
	[tilespmem:$0x1CD40] =	vst v63  }
0x43: {  	_ =	swait.ge [sflag:s24], $0x1400  }
0x44: {  	[sflag:s24] =	ssyncset.done $0x0  }
0x45: {  	s30 =	rddreg [dreg:$0x1a];
	[sflag:s24] =	ssyncadd.s32 $0xFFFFEC00  }
0x46: {  	[spmem:s30] =	stream.linear.scatter [tilespmem:s22], [sflag:$0x1], $0x1400, $0x38;
	[tilespmem:$0x1CD40] =	vst v63  }
0x47: {  	s30 =	rddreg [dreg:$0x1b]  }
0x48: {  	[spmem:s30] =	stream.linear.scatter [tilespmem:s22], [sflag:$0x2], $0x1400, $0x38;
	[tilespmem:$0x1CD40] =	vst v63  }
0x49: {  	s30 =	rddreg [dreg:$0x1c]  }
0x4a: {  	[spmem:s30] =	stream.linear.scatter [tilespmem:s22], [sflag:$0x3], $0x1400, $0x38;
	[tilespmem:$0x1CD40] =	vst v63  }
0x4b: {  	s30 =	rddreg [dreg:$0x1d]  }
0x4c: {  	[spmem:s30] =	stream.linear.scatter [tilespmem:s22], [sflag:$0x1], $0x1400, $0x38;
	[tilespmem:$0x1CD40] =	vst v63  }
0x4d: {  	_ = 	snop  }
0x4e: {  	[spmem:s8] =	stream.linear.scatter [tilespmem:s22], [sflag:$0x2], $0x1400, $0x38;
	[tilespmem:$0x1CD40] =	vst v63  }
0x4f: {  	_ = 	snop  }
0x50: {  	[spmem:s10] =	stream.linear.scatter [tilespmem:s22], [sflag:$0x3], $0x1400, $0x38;
	[tilespmem:$0x1CD40] =	vst v63  }
0x51: {  	_ = 	snop  }
0x52: {  	[spmem:s11] =	stream.linear.scatter [tilespmem:s22], [sflag:$0x1], $0x1400, $0x38;
	[tilespmem:$0x1CD40] =	vst v63  }
0x53: {  	_ = 	snop  }
0x54: {  	[spmem:s12] =	stream.linear.scatter [tilespmem:s22], [sflag:$0x2], $0x1400, $0x38;
	[tilespmem:$0x1CD40] =	vst v63  }
0x55: {  	s6 =	simm.s32 $0x1C840;
	s8 =	rddreg [dreg:$0x16]  }
0x56: {  	[tilespmem:s6], [sflag:$0xC] =	stream.linear.gather [hbm4b:s8+s28], $0x500, $0x38;
	[tilespmem:$0x1CD40] =	vst v63  }
0x57: {  	_ =	swait.ge [sflag:s24], $0x500  }
0x58: {  	[sflag:s24] =	ssyncset.done $0x0  }
0x59: {  	[sflag:s24] =	ssyncadd.s32 $0xFFFFFB00  }
0x5a: {  	[spmem:s13] =	stream.linear.scatter [tilespmem:s6], [sflag:$0xB], $0x500, $0x38;
	[tilespmem:$0x1CD40] =	vst v63  }
0x5b: {  	_ = 	snop  }
0x5c: {  	[spmem:s14] =	stream.linear.scatter [tilespmem:s6], [sflag:$0xB], $0x500, $0x38;
	[tilespmem:$0x1CD40] =	vst v63  }
0x5d: {  	_ = 	snop  }
0x5e: {  	[spmem:s17] =	stream.linear.scatter [tilespmem:s6], [sflag:$0xB], $0x500, $0x38;
	[tilespmem:$0x1CD40] =	vst v63  }
0x5f: {  	_ = 	snop  }
0x60: {  	[spmem:s7] =	stream.linear.scatter [tilespmem:s6], [sflag:$0xB], $0x500, $0x38;
	[tilespmem:$0x1CD40] =	vst v63  }
0x61: {  	_ = 	snop  }
0x62: {  	[spmem:s9] =	stream.linear.scatter [tilespmem:s6], [sflag:$0xB], $0x500, $0x38;
	[tilespmem:$0x1CD40] =	vst v63  }
0x63: {  	_ = 	snop  }
0x64: {  	[spmem:s25] =	stream.linear.scatter [tilespmem:s6], [sflag:$0xB], $0x500, $0x38;
	[tilespmem:$0x1CD40] =	vst v63  }
0x65: {  	_ = 	snop  }
0x66: {  	[spmem:s18] =	stream.linear.scatter [tilespmem:s6], [sflag:$0xB], $0x500, $0x38;
	[tilespmem:$0x1CD40] =	vst v63  }
0x67: {  	_ = 	snop  }
0x68: {  	[spmem:s29] =	stream.linear.scatter [tilespmem:s6], [sflag:$0xB], $0x500, $0x38;
	[tilespmem:$0x1CD40] =	vst v63  }
0x69: {  	_ =	swait.ge [sflag:s26], $0x1400  }
0x6a: {  	[sflag:s26] =	ssyncset.done $0x0  }
0x6b: {  	s9 =	simm.s32 $0xB;
	[sflag:s26] =	ssyncadd.s32 $0xFFFFEC00  }
0x6c: {  	_ =	swait.ge [sflag:s9], $0x500  }
0x6d: {  	[sflag:s9] =	ssyncset.done $0x0  }
0x6e: {  	s10 =	simm.s32 $0x2;
	[sflag:s9] =	ssyncadd.s32 $0xFFFFFB00  }
0x6f: {  	_ =	swait.ge [sflag:s10], $0x1400  }
0x70: {  	[sflag:s10] =	ssyncset.done $0x0  }
0x71: {  	[sflag:s10] =	ssyncadd.s32 $0xFFFFEC00  }
0x72: {  	_ =	swait.ge [sflag:s9], $0x500  }
0x73: {  	[sflag:s9] =	ssyncset.done $0x0  }
0x74: {  	[sflag:s9] =	ssyncadd.s32 $0xFFFFFB00  }
0x75: {  	_ =	swait.ge [sflag:s21], $0x1400  }
0x76: {  	[sflag:s21] =	ssyncset.done $0x0  }
0x77: {  	[sflag:s21] =	ssyncadd.s32 $0xFFFFEC00  }
0x78: {  	_ =	swait.ge [sflag:s9], $0x500  }
0x79: {  	[sflag:s9] =	ssyncset.done $0x0  }
0x7a: {  	[sflag:s9] =	ssyncadd.s32 $0xFFFFFB00  }
0x7b: {  	_ =	swait.ge [sflag:s26], $0x1400  }
0x7c: {  	[sflag:s26] =	ssyncset.done $0x0  }
0x7d: {  	[sflag:s26] =	ssyncadd.s32 $0xFFFFEC00  }
0x7e: {  	_ =	swait.ge [sflag:s9], $0x500  }
0x7f: {  	[sflag:s9] =	ssyncset.done $0x0  }
0x80: {  	[sflag:s9] =	ssyncadd.s32 $0xFFFFFB00  }
0x81: {  	_ =	swait.ge [sflag:s10], $0x1400  }
0x82: {  	[sflag:s10] =	ssyncset.done $0x0  }
0x83: {  	[sflag:s10] =	ssyncadd.s32 $0xFFFFEC00  }
0x84: {  	_ =	swait.ge [sflag:s9], $0x500  }
0x85: {  	[sflag:s9] =	ssyncset.done $0x0  }
0x86: {  	[sflag:s9] =	ssyncadd.s32 $0xFFFFFB00  }
0x87: {  	_ =	swait.ge [sflag:s21], $0x1400  }
0x88: {  	[sflag:s21] =	ssyncset.done $0x0  }
0x89: {  	[sflag:s21] =	ssyncadd.s32 $0xFFFFEC00  }
0x8a: {  	_ =	swait.ge [sflag:s9], $0x500  }
0x8b: {  	[sflag:s9] =	ssyncset.done $0x0  }
0x8c: {  	[sflag:s9] =	ssyncadd.s32 $0xFFFFFB00  }
0x8d: {  	_ =	swait.ge [sflag:s26], $0x1400  }
0x8e: {  	[sflag:s26] =	ssyncset.done $0x0  }
0x8f: {  	[sflag:s26] =	ssyncadd.s32 $0xFFFFEC00  }
0x90: {  	_ =	swait.ge [sflag:s9], $0x500  }
0x91: {  	[sflag:s9] =	ssyncset.done $0x0  }
0x92: {  	[sflag:s9] =	ssyncadd.s32 $0xFFFFFB00  }
0x93: {  	_ =	swait.ge [sflag:s10], $0x1400  }
0x94: {  	[sflag:s10] =	ssyncset.done $0x0  }
0x95: {  	[sflag:s10] =	ssyncadd.s32 $0xFFFFEC00  }
0x96: {  	_ =	swait.ge [sflag:s9], $0x500  }
0x97: {  	[sflag:s9] =	ssyncset.done $0x0  }
0x98: {  	s11 =	rddreg [dreg:$0x17];
	[sflag:s9] =	ssyncadd.s32 $0xFFFFFB00  }
0x99: {  	[tilespmem:s6], [sflag:$0xC] =	stream.linear.gather [hbm4b:s11+s28], $0x500, $0x38;
	[tilespmem:$0x1CD40] =	vst v63  }
0x9a: {  	_ =	swait.ge [sflag:s24], $0x500  }
0x9b: {  	[sflag:s24] =	ssyncset.done $0x0  }
0x9c: {  	s12 =	simm.s32 $0x9;
	[sflag:s24] =	ssyncadd.s32 $0xFFFFFB00  }
0x9d: {  	_ =	swait.ge [sflag:s12], $0x4E20  }
0x9e: {  	[sflag:s12] =	ssyncset.done $0x0  }
0x9f: {  	s13 =	simm.s32 $0xA;
	[sflag:s12] =	ssyncadd.s32 $0xFFFFB1E0  }
0xa0: {  	_ =	swait.ge [sflag:s13], $0x4E20  }
0xa1: {  	[sflag:s13] =	ssyncset.done $0x0  }
0xa2: {  	[sflag:s13] =	ssyncadd.s32 $0xFFFFB1E0  }
0xa3: {  	s14 =	simm.s32 $0xC800;
	[bflag:$0x0] =	sbarrier.arrive $0xFFFF  }
0xa4: {  	[tilespmem:s22], [sflag:$0x1] =	stream.indirect.gather [hbm4b:s23+s31], $0x40, s14, s31, $0xb8;
	[tilespmem:$0x1CD40] =	vst v63  }
0xa5: {  	s17 =	simm.s32 $0xC850;
	s18 =	simm.s32 $0x17840  }
0xa6: {  	[tilespmem:s18], [sflag:$0x2] =	stream.indirect.gather [hbm4b:s23+s31], $0x40, s17, s31, $0xb8;
	[tilespmem:$0x1CD40] =	vst v63  }
0xa7: {  	s25 =	simm.s32 $0xC8A0  }
0xa8: {  	[tilespmem:s0], [sflag:$0x3] =	stream.indirect.gather [hbm4b:s23+s31], $0x40, s25, s31, $0xb8;
	[tilespmem:$0x1CD40] =	vst v63  }
0xa9: {  	p2 =	por $0x0, $0x0;
	s29 =	simm.s32 $0x1A040;
	s28 =	simm.s32 $0xC8F0  }
0xaa: {  	[tilespmem:s29], [sflag:$0x4] =	stream.indirect.gather [hbm4b:s23+s31], $0x40, s28, s31, $0xb8;
	[tilespmem:$0x1CD40] =	vst v63  }
0xab: {  	s30 =	simm.s32 $0xC940;
	s8 =	simm.s32 $0x1;
	s10 =	simm.s32 $0x1  }
0xac: {  	[tilespmem:s2], [sflag:$0x5] =	stream.indirect.gather [hbm4b:s23+s31], $0x40, s30, s31, $0xb8;
	[tilespmem:$0x1CD40] =	vst v63  }
0xad: {  	s8 =	simm.s32 @!p0 $0x0;
	s10 =	simm.s32 @!p2 $0x0;
	_ =	swait.ge [sflag:s26], $0x1400  }
0xae: {  	p1 =	seq.s32 s8, s10;
	[sflag:s26] =	ssyncset.done $0x0  }
0xaf: {  	s10 =	simm.s32 $0x11620;
	s11 =	simm.s32 @p1 $0x2;
	[sflag:s26] =	ssyncadd.s32 $0xFFFFEC00  }
0xb0: {  	[spmem:s19] =	stream.indirect.scatter.add.f32 [tilespmem:s22], [sflag:$0x6], $0x40, s10, s31, $0xb8;
	[tilespmem:$0x1CD40] =	vst v63  }
0xb1: {  	_ =	swait.ge @p1 [sflag:s11], $0x1400  }
0xb2: {  	s12 =	simm.s32 @p1 $0x11670;
	[sflag:s11] =	ssyncset.done @p1 $0x0  }
0xb3: {  	s13 =	simm.s32 @p1 $0x50;
	[sflag:s11] =	ssyncadd.s32 @p1 $0xFFFFEC00;
	s11 =	simm.s32 @p1 $0x17840  }
0xb4: {  	[spmem:s19] =	stream.indirect.scatter.add.f32 @p1 [tilespmem:s11], [sflag:$0x7], $0x40, s12, s13, $0xb8;
	[tilespmem:$0x1CD40] =	vst v63  }
0xb5: {  	s11 =	simm.s32 @!p1 $0x50;
	s12 =	simm.s32 @!p1 $0x1C840;
	s13 =	simm.s32 @!p1 $0x2  }
0xb6: {  	[spmem:s20] =	stream.indirect.scatter.add.f32 @!p1 [tilespmem:s12], [sflag:$0xB], $0x10, s10, s11, $0xb8;
	[tilespmem:$0x1CD40] =	vst v63  }
0xb7: {  	_ =	swait.ge @!p1 [sflag:s13], $0x1400  }
0xb8: {  	[sflag:s13] =	ssyncset.done @!p1 $0x0  }
0xb9: {  	s10 =	simm.s32 @!p1 $0x11670;
	[sflag:s13] =	ssyncadd.s32 @!p1 $0xFFFFEC00;
	s13 =	simm.s32 @!p1 $0x17840  }
0xba: {  	[spmem:s19] =	stream.indirect.scatter.add.f32 @!p1 [tilespmem:s13], [sflag:$0x7], $0x40, s10, s11, $0xb8;
	[tilespmem:$0x1CD40] =	vst v63  }
0xbb: {  	_ = 	snop  }
0xbc: {  	[spmem:s20] =	stream.indirect.scatter.add.f32 @!p1 [tilespmem:s12], [sflag:$0xB], $0x10, s10, s11, $0xb8;
	[tilespmem:$0x1CD40] =	vst v63  }
0xbd: {  	p1 =	por !p2, !p2;
	_ =	swait.ge [sflag:s21], $0x1400  }
0xbe: {  	p1 =	por @!p0 p2, p2;
	[sflag:s21] =	ssyncset.done $0x0  }
0xbf: {  	s10 =	simm.s32 $0x116C0;
	s11 =	simm.s32 @!p1 $0x4;
	[sflag:s21] =	ssyncadd.s32 $0xFFFFEC00  }
0xc0: {  	[spmem:s19] =	stream.indirect.scatter.add.f32 [tilespmem:s0], [sflag:$0x8], $0x40, s10, s31, $0xb8;
	[tilespmem:$0x1CD40] =	vst v63  }
0xc1: {  	_ =	swait.ge @!p1 [sflag:s11], $0x1400  }
0xc2: {  	s12 =	simm.s32 @!p1 $0x11710;
	[sflag:s11] =	ssyncset.done @!p1 $0x0  }
0xc3: {  	s13 =	simm.s32 @!p1 $0x1A040;
	[sflag:s11] =	ssyncadd.s32 @!p1 $0xFFFFEC00;
	s11 =	simm.s32 @!p1 $0x50  }
0xc4: {  	[spmem:s19] =	stream.indirect.scatter.add.f32 @!p1 [tilespmem:s13], [sflag:$0x9], $0x40, s12, s11, $0xb8;
	[tilespmem:$0x1CD40] =	vst v63  }
0xc5: {  	s11 =	simm.s32 @p1 $0x50;
	s12 =	simm.s32 @p1 $0x1C840;
	s13 =	simm.s32 @p1 $0x4  }
0xc6: {  	[spmem:s20] =	stream.indirect.scatter.add.f32 @p1 [tilespmem:s12], [sflag:$0xB], $0x10, s10, s11, $0xb8;
	[tilespmem:$0x1CD40] =	vst v63  }
0xc7: {  	_ =	swait.ge @p1 [sflag:s13], $0x1400  }
0xc8: {  	[sflag:s13] =	ssyncset.done @p1 $0x0  }
0xc9: {  	s10 =	simm.s32 @p1 $0x11710;
	[sflag:s13] =	ssyncadd.s32 @p1 $0xFFFFEC00;
	s13 =	simm.s32 @p1 $0x1A040  }
0xca: {  	[spmem:s19] =	stream.indirect.scatter.add.f32 @p1 [tilespmem:s13], [sflag:$0x9], $0x40, s10, s11, $0xb8;
	[tilespmem:$0x1CD40] =	vst v63  }
0xcb: {  	_ = 	snop  }
0xcc: {  	[spmem:s20] =	stream.indirect.scatter.add.f32 @p1 [tilespmem:s12], [sflag:$0xB], $0x10, s10, s11, $0xb8;
	[tilespmem:$0x1CD40] =	vst v63  }
0xcd: {  	_ =	swait.ge [sflag:s3], $0x1400  }
0xce: {  	[sflag:s3] =	ssyncset.done $0x0  }
0xcf: {  	s10 =	simm.s32 $0x11760;
	[sflag:s3] =	ssyncadd.s32 $0xFFFFEC00  }
0xd0: {  	[spmem:s19] =	stream.indirect.scatter.add.f32 [tilespmem:s2], [sflag:$0xA], $0x40, s10, s31, $0xb8;
	[tilespmem:$0x1CD40] =	vst v63  }
0xd1: {  	_ = 	snop  }
0xd2: {  	[spmem:s20] =	stream.indirect.scatter.add.f32 @p1 [tilespmem:s12], [sflag:$0xB], $0x10, s10, s11, $0xb8;
	[tilespmem:$0x1CD40] =	vst v63  }
0xd3: {  	_ =	swait.ge [sflag:s4], $0x1400  }
0xd4: {  	p2 =	por $0x0, $0x0;
	[sflag:s4] =	ssyncset.done $0x0  }
0xd5: {  	s10 =	simm.s32 @p2 $0x7;
	[sflag:s4] =	ssyncadd.s32 $0xFFFFEC00  }
0xd6: {  	_ =	swait.ge @p2 [sflag:s10], $0x1400  }
0xd7: {  	[sflag:s10] =	ssyncset.done @p2 $0x0  }
0xd8: {  	[sflag:s10] =	ssyncadd.s32 @p2 $0xFFFFEC00;
	s10 =	simm.s32 @p2 $0x8  }
0xd9: {  	_ =	swait.ge @p2 [sflag:s10], $0x1400  }
0xda: {  	[sflag:s10] =	ssyncset.done @p2 $0x0  }
0xdb: {  	[sflag:s10] =	ssyncadd.s32 @p2 $0xFFFFEC00;
	s10 =	simm.s32 @p2 $0x9  }
0xdc: {  	_ =	swait.ge @p2 [sflag:s10], $0x1400  }
0xdd: {  	[sflag:s10] =	ssyncset.done @p2 $0x0  }
0xde: {  	[sflag:s10] =	ssyncadd.s32 @p2 $0xFFFFEC00;
	s10 =	simm.s32 @p2 $0xA  }
0xdf: {  	_ =	swait.ge @p2 [sflag:s10], $0x1400  }
0xe0: {  	s11 =	simm.s32 @!p2 $0xC990;
	[sflag:s10] =	ssyncset.done @p2 $0x0  }
0xe1: {  	s12 =	simm.s32 @!p2 $0x16440;
	[sflag:s10] =	ssyncadd.s32 @p2 $0xFFFFEC00;
	s10 =	simm.s32 @!p2 $0x50  }
0xe2: {  	[tilespmem:s12], [sflag:$0x1] =	stream.indirect.gather @!p2 [hbm4b:s23+s10], $0x40, s11, s10, $0xb8;
	[tilespmem:$0x1CD40] =	vst v63  }
0xe3: {  	s11 =	simm.s32 @!p2 $0x7  }
0xe4: {  	_ =	swait.ge @!p2 [sflag:s11], $0x1400  }
0xe5: {  	[sflag:s11] =	ssyncset.done @!p2 $0x0  }
0xe6: {  	s12 =	simm.s32 @!p2 $0xC9E0;
	[sflag:s11] =	ssyncadd.s32 @!p2 $0xFFFFEC00;
	s11 =	simm.s32 @!p2 $0x17840  }
0xe7: {  	[tilespmem:s11], [sflag:$0x2] =	stream.indirect.gather @!p2 [hbm4b:s23+s10], $0x40, s12, s10, $0xb8;
	[tilespmem:$0x1CD40] =	vst v63  }
0xe8: {  	s11 =	simm.s32 @!p2 $0x8  }
0xe9: {  	_ =	swait.ge @!p2 [sflag:s11], $0x1400  }
0xea: {  	[sflag:s11] =	ssyncset.done @!p2 $0x0  }
0xeb: {  	s12 =	simm.s32 @!p2 $0xCA30;
	[sflag:s11] =	ssyncadd.s32 @!p2 $0xFFFFEC00;
	s11 =	simm.s32 @!p2 $0x18C40  }
0xec: {  	[tilespmem:s11], [sflag:$0x3] =	stream.indirect.gather @!p2 [hbm4b:s23+s10], $0x40, s12, s10, $0xb8;
	[tilespmem:$0x1CD40] =	vst v63  }
0xed: {  	s11 =	simm.s32 @!p2 $0x9  }
0xee: {  	_ =	swait.ge @!p2 [sflag:s11], $0x1400  }
0xef: {  	[sflag:s11] =	ssyncset.done @!p2 $0x0  }
0xf0: {  	s12 =	simm.s32 @!p2 $0xCA80;
	[sflag:s11] =	ssyncadd.s32 @!p2 $0xFFFFEC00;
	s11 =	simm.s32 @!p2 $0x1A040  }
0xf1: {  	[tilespmem:s11], [sflag:$0x4] =	stream.indirect.gather @!p2 [hbm4b:s23+s10], $0x40, s12, s10, $0xb8;
	[tilespmem:$0x1CD40] =	vst v63  }
0xf2: {  	p3 =	seq.s32 @!p2 s1, $0x0;
	s10 =	simm.s32 @!p2 $0xA  }
0xf3: {  	p4 =	por !p3, p2;
	_ =	swait.ge @!p2 [sflag:s10], $0x1400  }
0xf4: {  	p3 =	por p3, p2;
	s11 =	simm.s32 @!p2 $0xCAD0;
	[sflag:s10] =	ssyncset.done @!p2 $0x0  }
0xf5: {  	s12 =	simm.s32 @!p4 $0x1B440;
	[sflag:s10] =	ssyncadd.s32 @!p2 $0xFFFFEC00;
	s10 =	simm.s32 @!p4 $0x50  }
0xf6: {  	[tilespmem:s12], [sflag:$0x5] =	stream.indirect.gather @!p4 [hbm4b:s16+s10], $0x40, s11, s10, $0xb8;
	[tilespmem:$0x1CD40] =	vst v63  }
0xf7: {  	s13 =	simm.s32 @p1 $0xB;
	s10 =	simm.s32 @!p3 $0x50;
	s12 =	simm.s32 @!p3 $0x1B440  }
0xf8: {  	[tilespmem:s12], [sflag:$0x5] =	stream.indirect.gather @!p3 [hbm4b:s15+s10], $0x40, s11, s10, $0xb8;
	[tilespmem:$0x1CD40] =	vst v63  }
0xf9: {  	_ =	swait.ge @p1 [sflag:s13], $0x500  }
0xfa: {  	[sflag:s13] =	ssyncset.done @p1 $0x0  }
0xfb: {  	[sflag:s13] =	ssyncadd.s32 @p1 $0xFFFFFB00  }
0xfc: {  	_ =	swait.ge @p1 [sflag:s13], $0x500  }
0xfd: {  	[sflag:s13] =	ssyncset.done @p1 $0x0  }
0xfe: {  	[sflag:s13] =	ssyncadd.s32 @p1 $0xFFFFFB00  }
0xff: {  	_ =	swait.ge @p1 [sflag:s13], $0x500  }
0x100: {  	[sflag:s13] =	ssyncset.done @p1 $0x0  }
0x101: {  	[sflag:s13] =	ssyncadd.s32 @p1 $0xFFFFFB00  }
0x102: {  	_ =	swait.ge @p1 [sflag:s13], $0x500  }
0x103: {  	s7 =	simm.s32 $0x0;
	[sflag:s13] =	ssyncset.done @p1 $0x0  }
0x104: {  	s9 =	simm.s32 $0x17840;
	s25 =	simm.s32 $0x1A040;
	[sflag:s13] =	ssyncadd.s32 @p1 $0xFFFFFB00  }
0x105: {  	s10 =	simm.s32 $0x640;
	s11 =	simm.s32 $0x0;
	_ =	swait.ge @p1 [sflag:s13], $0x500  }
.LBB2_2:
0x106: {  	[sflag:s13] =	ssyncset.done @p1 $0x0  }
0x107: {  	s11 =	sadd.s32 $0x1, s11;
	s12 =	smov.u32 s10;
	s10 =	sadd.s32 $0x640, s10  }
0x108: {  	s14 =	simm.s32 $0x1;
	p4 =	sgt.u32 s11, $0x18;
	[sflag:s13] =	ssyncadd.s32 @p1 $0xFFFFFB00  }
0x109: {  	s13 =	sshra.s32 s12, $0x2;
	_ =	swait.ge [sflag:s26], $0x1400;
	s14 =	simm.s32 @!p4 $0x0  }
0x10a: {  	s18 =	sadd.s32 $0x11620, s13;
	[sflag:s26] =	ssyncset.done $0x0;
	p3 =	seq.s32 s8, s14  }
0x10b: {  	[sflag:s26] =	ssyncadd.s32 $0xFFFFEC00;
	s14 =	simm.s32 @p3 $0x2;
	s17 =	sshra.s32 @p3 s12, $0x2  }
0x10c: {  	[spmem:s19] =	stream.indirect.scatter.add.f32 [tilespmem:s22], [sflag:$0x6], $0x40, s18, s31, $0xb8;
	[tilespmem:$0x1CD40] =	vst v63  }
0x10d: {  	s30 =	sshra.s32 @!p3 s12, $0x2;
	s17 =	sadd.s32 @p3 $0x11670, s17;
	_ =	swait.ge @p3 [sflag:s14], $0x1400  }
0x10e: {  	s5 =	simm.s32 @p3 $0x50;
	s6 =	simm.s32 @p3 $0x17840;
	[sflag:s14] =	ssyncset.done @p3 $0x0  }
0x10f: {  	s29 =	simm.s32 @!p3 $0x1C840;
	[sflag:s14] =	ssyncadd.s32 @p3 $0xFFFFEC00;
	s14 =	simm.s32 @!p3 $0x50  }
0x110: {  	[spmem:s19] =	stream.indirect.scatter.add.f32 @p3 [tilespmem:s6], [sflag:$0x7], $0x40, s17, s5, $0xb8;
	[tilespmem:$0x1CD40] =	vst v63  }
0x111: {  	p2 =	sne.s32 s10, $0x13880;
	p1 =	por !p4, !p4;
	s5 =	simm.s32 @!p3 $0x2  }
0x112: {  	[spmem:s20] =	stream.indirect.scatter.add.f32 @!p3 [tilespmem:s29], [sflag:$0xB], $0x10, s18, s14, $0xb8;
	[tilespmem:$0x1CD40] =	vst v63  }
0x113: {  	p1 =	por @!p0 p4, p4;
	_ =	swait.ge @!p3 [sflag:s5], $0x1400  }
0x114: {  	s6 =	sadd.s32 @!p3 $0x11670, s30;
	s17 =	simm.s32 @!p3 $0x17840;
	[sflag:s5] =	ssyncset.done @!p3 $0x0  }
0x115: {  	s18 =	sshra.s32 @p1 s12, $0x2;
	[sflag:s5] =	ssyncadd.s32 @!p3 $0xFFFFEC00;
	s5 =	sshra.s32 @!p1 s12, $0x2  }
0x116: {  	[spmem:s19] =	stream.indirect.scatter.add.f32 @!p3 [tilespmem:s17], [sflag:$0x7], $0x40, s6, s14, $0xb8;
	[tilespmem:$0x1CD40] =	vst v63  }
0x117: {  	s5 =	sadd.s32 @!p1 $0x11710, s5  }
0x118: {  	[spmem:s20] =	stream.indirect.scatter.add.f32 @!p3 [tilespmem:s29], [sflag:$0xB], $0x10, s6, s14, $0xb8;
	[tilespmem:$0x1CD40] =	vst v63  }
0x119: {  	_ =	swait.ge [sflag:s21], $0x1400  }
0x11a: {  	s6 =	sadd.s32 $0x116C0, s13;
	[sflag:s21] =	ssyncset.done $0x0  }
0x11b: {  	s14 =	simm.s32 @!p1 $0x4;
	[sflag:s21] =	ssyncadd.s32 $0xFFFFEC00  }
0x11c: {  	[spmem:s19] =	stream.indirect.scatter.add.f32 [tilespmem:s0], [sflag:$0x8], $0x40, s6, s31, $0xb8;
	[tilespmem:$0x1CD40] =	vst v63  }
0x11d: {  	_ =	swait.ge @!p1 [sflag:s14], $0x1400  }
0x11e: {  	[sflag:s14] =	ssyncset.done @!p1 $0x0  }
0x11f: {  	s17 =	simm.s32 @!p1 $0x1A040;
	[sflag:s14] =	ssyncadd.s32 @!p1 $0xFFFFEC00;
	s14 =	simm.s32 @!p1 $0x50  }
0x120: {  	[spmem:s19] =	stream.indirect.scatter.add.f32 @!p1 [tilespmem:s17], [sflag:$0x9], $0x40, s5, s14, $0xb8;
	[tilespmem:$0x1CD40] =	vst v63  }
0x121: {  	s5 =	simm.s32 @p1 $0x50;
	s14 =	simm.s32 @p1 $0x1C840;
	s17 =	simm.s32 @p1 $0x4  }
0x122: {  	[spmem:s20] =	stream.indirect.scatter.add.f32 @p1 [tilespmem:s14], [sflag:$0xB], $0x10, s6, s5, $0xb8;
	[tilespmem:$0x1CD40] =	vst v63  }
0x123: {  	_ =	swait.ge @p1 [sflag:s17], $0x1400  }
0x124: {  	[sflag:s17] =	ssyncset.done @p1 $0x0  }
0x125: {  	s6 =	sadd.s32 @p1 $0x11710, s18;
	[sflag:s17] =	ssyncadd.s32 @p1 $0xFFFFEC00;
	s17 =	simm.s32 @p1 $0x1A040  }
0x126: {  	[spmem:s19] =	stream.indirect.scatter.add.f32 @p1 [tilespmem:s17], [sflag:$0x9], $0x40, s6, s5, $0xb8;
	[tilespmem:$0x1CD40] =	vst v63  }
0x127: {  	_ = 	snop  }
0x128: {  	[spmem:s20] =	stream.indirect.scatter.add.f32 @p1 [tilespmem:s14], [sflag:$0xB], $0x10, s6, s5, $0xb8;
	[tilespmem:$0x1CD40] =	vst v63  }
0x129: {  	_ =	swait.ge [sflag:s3], $0x1400  }
0x12a: {  	[sflag:s3] =	ssyncset.done $0x0  }
0x12b: {  	s6 =	sadd.s32 $0x11760, s13;
	[sflag:s3] =	ssyncadd.s32 $0xFFFFEC00  }
0x12c: {  	[spmem:s19] =	stream.indirect.scatter.add.f32 [tilespmem:s2], [sflag:$0xA], $0x40, s6, s31, $0xb8;
	[tilespmem:$0x1CD40] =	vst v63  }
0x12d: {  	_ = 	snop  }
0x12e: {  	[spmem:s20] =	stream.indirect.scatter.add.f32 @p1 [tilespmem:s14], [sflag:$0xB], $0x10, s6, s5, $0xb8;
	[tilespmem:$0x1CD40] =	vst v63  }
0x12f: {  	_ =	swait.ge [sflag:s4], $0x1400  }
0x130: {  	p3 =	seq.s32 s12, $0x13240;
	[sflag:s4] =	ssyncset.done $0x0  }
0x131: {  	s12 =	sshra.s32 @!p3 s12, $0x2;
	s5 =	simm.s32 @p3 $0x7;
	[sflag:s4] =	ssyncadd.s32 $0xFFFFEC00  }
0x132: {  	s13 =	sadd.s32 @!p3 $0xC9E0, s12;
	s6 =	sadd.s32 @!p3 $0xC990, s12;
	_ =	swait.ge @p3 [sflag:s5], $0x1400  }
0x133: {  	s17 =	sadd.s32 @!p3 $0xCA80, s12;
	s14 =	sadd.s32 @!p3 $0xCA30, s12;
	[sflag:s5] =	ssyncset.done @p3 $0x0  }
0x134: {  	p5 =	seq.s32 @!p3 s1, $0x0;
	[sflag:s5] =	ssyncadd.s32 @p3 $0xFFFFEC00;
	s5 =	simm.s32 @p3 $0x8  }
0x135: {  	p4 =	por !p5, p3;
	_ =	swait.ge @p3 [sflag:s5], $0x1400  }
0x136: {  	[sflag:s5] =	ssyncset.done @p3 $0x0  }
0x137: {  	[sflag:s5] =	ssyncadd.s32 @p3 $0xFFFFEC00;
	s5 =	simm.s32 @p3 $0x9  }
0x138: {  	_ =	swait.ge @p3 [sflag:s5], $0x1400  }
0x139: {  	[sflag:s5] =	ssyncset.done @p3 $0x0  }
0x13a: {  	[sflag:s5] =	ssyncadd.s32 @p3 $0xFFFFEC00;
	s5 =	simm.s32 @p3 $0xA  }
0x13b: {  	_ =	swait.ge @p3 [sflag:s5], $0x1400  }
0x13c: {  	s18 =	simm.s32 @!p3 $0x7;
	[sflag:s5] =	ssyncset.done @p3 $0x0  }
0x13d: {  	s29 =	simm.s32 @!p3 $0x16440;
	[sflag:s5] =	ssyncadd.s32 @p3 $0xFFFFEC00;
	s5 =	simm.s32 @!p3 $0x50  }
0x13e: {  	[tilespmem:s29], [sflag:$0x1] =	stream.indirect.gather @!p3 [hbm4b:s23+s5], $0x40, s6, s5, $0xb8;
	[tilespmem:$0x1CD40] =	vst v63  }
0x13f: {  	_ =	swait.ge @!p3 [sflag:s18], $0x1400  }
0x140: {  	[sflag:s18] =	ssyncset.done @!p3 $0x0  }
0x141: {  	s6 =	simm.s32 @!p3 $0x17840;
	[sflag:s18] =	ssyncadd.s32 @!p3 $0xFFFFEC00;
	s18 =	simm.s32 @!p3 $0x8  }
0x142: {  	[tilespmem:s6], [sflag:$0x2] =	stream.indirect.gather @!p3 [hbm4b:s23+s5], $0x40, s13, s5, $0xb8;
	[tilespmem:$0x1CD40] =	vst v63  }
0x143: {  	_ =	swait.ge @!p3 [sflag:s18], $0x1400  }
0x144: {  	[sflag:s18] =	ssyncset.done @!p3 $0x0  }
0x145: {  	s6 =	simm.s32 @!p3 $0x18C40;
	s13 =	simm.s32 @!p3 $0x9;
	[sflag:s18] =	ssyncadd.s32 @!p3 $0xFFFFEC00  }
0x146: {  	[tilespmem:s6], [sflag:$0x3] =	stream.indirect.gather @!p3 [hbm4b:s23+s5], $0x40, s14, s5, $0xb8;
	[tilespmem:$0x1CD40] =	vst v63  }
0x147: {  	_ =	swait.ge @!p3 [sflag:s13], $0x1400  }
0x148: {  	[sflag:s13] =	ssyncset.done @!p3 $0x0  }
0x149: {  	s6 =	simm.s32 @!p3 $0x1A040;
	[sflag:s13] =	ssyncadd.s32 @!p3 $0xFFFFEC00;
	s13 =	simm.s32 @!p3 $0xA  }
0x14a: {  	[tilespmem:s6], [sflag:$0x4] =	stream.indirect.gather @!p3 [hbm4b:s23+s5], $0x40, s17, s5, $0xb8;
	[tilespmem:$0x1CD40] =	vst v63  }
0x14b: {  	_ =	swait.ge @!p3 [sflag:s13], $0x1400  }
0x14c: {  	p5 =	por p5, p3;
	s5 =	sadd.s32 @!p3 $0xCAD0, s12;
	[sflag:s13] =	ssyncset.done @!p3 $0x0  }
0x14d: {  	s6 =	simm.s32 @!p4 $0x50;
	s12 =	simm.s32 @!p4 $0x1B440;
	[sflag:s13] =	ssyncadd.s32 @!p3 $0xFFFFEC00  }
0x14e: {  	[tilespmem:s12], [sflag:$0x5] =	stream.indirect.gather @!p4 [hbm4b:s16+s6], $0x40, s5, s6, $0xb8;
	[tilespmem:$0x1CD40] =	vst v63  }
0x14f: {  	s13 =	simm.s32 @p1 $0xB;
	s6 =	simm.s32 @!p5 $0x50;
	s12 =	simm.s32 @!p5 $0x1B440  }
0x150: {  	[tilespmem:s12], [sflag:$0x5] =	stream.indirect.gather @!p5 [hbm4b:s15+s6], $0x40, s5, s6, $0xb8;
	[tilespmem:$0x1CD40] =	vst v63  }
0x151: {  	_ =	swait.ge @p1 [sflag:s13], $0x500  }
0x152: {  	[sflag:s13] =	ssyncset.done @p1 $0x0  }
0x153: {  	[sflag:s13] =	ssyncadd.s32 @p1 $0xFFFFFB00  }
0x154: {  	_ =	swait.ge @p1 [sflag:s13], $0x500  }
0x155: {  	[sflag:s13] =	ssyncset.done @p1 $0x0  }
0x156: {  	[sflag:s13] =	ssyncadd.s32 @p1 $0xFFFFFB00  }
0x157: {  	_ =	swait.ge @p1 [sflag:s13], $0x500  }
0x158: {  	[sflag:s13] =	ssyncset.done @p1 $0x0  }
.Ltmp0:
0x159: {  	[sflag:s13] =	ssyncadd.s32 @p1 $0xFFFFFB00;
	(pc) =	sbr.rel @p2 .LBB2_2-.Ltmp0, $4  }
0x15a: {  	_ =	swait.ge @p1 [sflag:s13], $0x500  }
0x15b: {  	[sflag:s13] =	ssyncset.done @p1 $0x0  }
0x15c: {  	[sflag:s13] =	ssyncadd.s32 @p1 $0xFFFFFB00  }
0x15d: {  	_ =	swait.ge @p1 [sflag:s13], $0x500  }
0x15e: {  	[sflag:s13] =	ssyncset.done @p1 $0x0  }
0x15f: {  	[sflag:s13] =	ssyncadd.s32 @p1 $0xFFFFFB00  }
0x160: {  	[bflag:$0x0] =	sbarrier.arrive $0xFFFF  }
0x161: {  	s5 =	rddreg [dreg:$0x1a]  }
0x162: {  	[tilespmem:s22], [sflag:$0xC] =	stream.linear.gather [spmem:s5], $0x1400, $0x38;
	[tilespmem:$0x1CD40] =	vst v63  }
0x163: {  	_ =	swait.ge [sflag:s24], $0x1400  }
0x164: {  	[sflag:s24] =	ssyncset.done $0x0  }
0x165: {  	s14 =	rddreg [dreg:$0x5];
	[sflag:s24] =	ssyncadd.s32 $0xFFFFEC00  }
0x166: {  	[hbm4b:s14+s7] =	stream.linear.scatter [tilespmem:s22], [sflag:$0x6], $0x1400, $0x38;
	[tilespmem:$0x1CD40] =	vst v63  }
0x167: {  	s17 =	rddreg [dreg:$0x1b]  }
0x168: {  	[tilespmem:s9], [sflag:$0xC] =	stream.linear.gather [spmem:s17], $0x1400, $0x38;
	[tilespmem:$0x1CD40] =	vst v63  }
0x169: {  	_ =	swait.ge [sflag:s24], $0x1400  }
0x16a: {  	[sflag:s24] =	ssyncset.done $0x0  }
0x16b: {  	s18 =	rddreg [dreg:$0x6];
	[sflag:s24] =	ssyncadd.s32 $0xFFFFEC00  }
0x16c: {  	[hbm4b:s18+s7] =	stream.linear.scatter [tilespmem:s9], [sflag:$0x7], $0x1400, $0x38;
	[tilespmem:$0x1CD40] =	vst v63  }
0x16d: {  	s30 =	rddreg [dreg:$0x1c]  }
0x16e: {  	[tilespmem:s0], [sflag:$0xC] =	stream.linear.gather [spmem:s30], $0x1400, $0x38;
	[tilespmem:$0x1CD40] =	vst v63  }
0x16f: {  	_ =	swait.ge [sflag:s24], $0x1400  }
0x170: {  	[sflag:s24] =	ssyncset.done $0x0  }
0x171: {  	s6 =	rddreg [dreg:$0x7];
	[sflag:s24] =	ssyncadd.s32 $0xFFFFEC00  }
0x172: {  	[hbm4b:s6+s7] =	stream.linear.scatter [tilespmem:s0], [sflag:$0x8], $0x1400, $0x38;
	[tilespmem:$0x1CD40] =	vst v63  }
0x173: {  	s8 =	rddreg [dreg:$0x1d]  }
0x174: {  	[tilespmem:s25], [sflag:$0xC] =	stream.linear.gather [spmem:s8], $0x1400, $0x38;
	[tilespmem:$0x1CD40] =	vst v63  }
0x175: {  	_ =	swait.ge [sflag:s24], $0x1400  }
0x176: {  	[sflag:s24] =	ssyncset.done $0x0  }
0x177: {  	s10 =	rddreg [dreg:$0x8];
	[sflag:s24] =	ssyncadd.s32 $0xFFFFEC00  }
0x178: {  	[hbm4b:s10+s7] =	stream.linear.scatter [tilespmem:s25], [sflag:$0x9], $0x1400, $0x38;
	[tilespmem:$0x1CD40] =	vst v63  }
0x179: {  	s8 =	rddreg [dreg:$0x1e]  }
0x17a: {  	[tilespmem:s2], [sflag:$0xC] =	stream.linear.gather [spmem:s8], $0x1400, $0x38;
	[tilespmem:$0x1CD40] =	vst v63  }
0x17b: {  	_ =	swait.ge [sflag:s24], $0x1400  }
0x17c: {  	[sflag:s24] =	ssyncset.done $0x0  }
0x17d: {  	s11 =	rddreg [dreg:$0x9];
	[sflag:s24] =	ssyncadd.s32 $0xFFFFEC00  }
0x17e: {  	[hbm4b:s11+s7] =	stream.linear.scatter [tilespmem:s2], [sflag:$0xA], $0x1400, $0x38;
	[tilespmem:$0x1CD40] =	vst v63  }
0x17f: {  	_ =	swait.ge [sflag:s4], $0x1400  }
0x180: {  	[sflag:s4] =	ssyncset.done $0x0  }
0x181: {  	s10 =	rddreg [dreg:$0x1f];
	[sflag:s4] =	ssyncadd.s32 $0xFFFFEC00  }
0x182: {  	[tilespmem:s22], [sflag:$0xC] =	stream.linear.gather [spmem:s10], $0x1400, $0x38;
	[tilespmem:$0x1CD40] =	vst v63  }
0x183: {  	_ =	swait.ge [sflag:s24], $0x1400  }
0x184: {  	[sflag:s24] =	ssyncset.done $0x0  }
0x185: {  	s13 =	simm.s32 $0x7;
	s12 =	rddreg [dreg:$0xa];
	[sflag:s24] =	ssyncadd.s32 $0xFFFFEC00  }
0x186: {  	[hbm4b:s12+s7] =	stream.linear.scatter [tilespmem:s22], [sflag:$0x6], $0x1400, $0x38;
	[tilespmem:$0x1CD40] =	vst v63  }
0x187: {  	_ =	swait.ge [sflag:s13], $0x1400  }
0x188: {  	s11 =	sld [smem:$0x7F4]  }
0x189: {  	[sflag:s13] =	ssyncset.done $0x0  }
0x18a: {  	[sflag:s13] =	ssyncadd.s32 $0xFFFFEC00  }
0x18b: {  	[tilespmem:s9], [sflag:$0xC] =	stream.linear.gather [spmem:s11], $0x1400, $0x38;
	[tilespmem:$0x1CD40] =	vst v63  }
0x18c: {  	_ =	swait.ge [sflag:s24], $0x1400  }
0x18d: {  	[sflag:s24] =	ssyncset.done $0x0  }
0x18e: {  	s30 =	simm.s32 $0x8;
	s14 =	rddreg [dreg:$0xb];
	[sflag:s24] =	ssyncadd.s32 $0xFFFFEC00  }
0x18f: {  	[hbm4b:s14+s7] =	stream.linear.scatter [tilespmem:s9], [sflag:$0x7], $0x1400, $0x38;
	[tilespmem:$0x1CD40] =	vst v63  }
0x190: {  	_ =	swait.ge [sflag:s30], $0x1400  }
0x191: {  	s12 =	sld [smem:$0x7F5]  }
0x192: {  	[sflag:s30] =	ssyncset.done $0x0  }
0x193: {  	[sflag:s30] =	ssyncadd.s32 $0xFFFFEC00  }
0x194: {  	[tilespmem:s0], [sflag:$0xC] =	stream.linear.gather [spmem:s12], $0x1400, $0x38;
	[tilespmem:$0x1CD40] =	vst v63  }
0x195: {  	_ =	swait.ge [sflag:s24], $0x1400  }
0x196: {  	[sflag:s24] =	ssyncset.done $0x0;
	s17 =	rddreg [dreg:$0xc]  }
0x197: {  	s13 =	sld [smem:$0x7F6];
	[sflag:s24] =	ssyncadd.s32 $0xFFFFEC00  }
0x198: {  	[hbm4b:s17+s7] =	stream.linear.scatter [tilespmem:s0], [sflag:$0x8], $0x1400, $0x38;
	[tilespmem:$0x1CD40] =	vst v63  }
0x199: {  	s6 =	simm.s32 $0x1C840  }
0x19a: {  	[tilespmem:s6], [sflag:$0xC] =	stream.linear.gather [spmem:s13], $0x500, $0x38;
	[tilespmem:$0x1CD40] =	vst v63  }
0x19b: {  	_ =	swait.ge [sflag:s24], $0x500  }
0x19c: {  	[sflag:s24] =	ssyncset.done $0x0  }
0x19d: {  	s18 =	rddreg [dreg:$0xd];
	[sflag:s24] =	ssyncadd.s32 $0xFFFFFB00  }
0x19e: {  	[hbm4b:s18+s7] =	stream.linear.scatter [tilespmem:s6], [sflag:$0xC], $0x500, $0x38;
	[tilespmem:$0x1CD40] =	vst v63  }
0x19f: {  	_ =	swait.ge [sflag:s24], $0x500  }
0x1a0: {  	s14 =	sld [smem:$0x7F7]  }
0x1a1: {  	[sflag:s24] =	ssyncset.done $0x0  }
0x1a2: {  	[sflag:s24] =	ssyncadd.s32 $0xFFFFFB00  }
0x1a3: {  	[tilespmem:s6], [sflag:$0xC] =	stream.linear.gather [spmem:s14], $0x500, $0x38;
	[tilespmem:$0x1CD40] =	vst v63  }
0x1a4: {  	_ =	swait.ge [sflag:s24], $0x500  }
0x1a5: {  	[sflag:s24] =	ssyncset.done $0x0  }
0x1a6: {  	s25 =	rddreg [dreg:$0xe];
	[sflag:s24] =	ssyncadd.s32 $0xFFFFFB00  }
0x1a7: {  	[hbm4b:s25+s7] =	stream.linear.scatter [tilespmem:s6], [sflag:$0xC], $0x500, $0x38;
	[tilespmem:$0x1CD40] =	vst v63  }
0x1a8: {  	_ =	swait.ge [sflag:s24], $0x500  }
0x1a9: {  	s17 =	sld [smem:$0x7F8]  }
0x1aa: {  	[sflag:s24] =	ssyncset.done $0x0  }
0x1ab: {  	[sflag:s24] =	ssyncadd.s32 $0xFFFFFB00  }
0x1ac: {  	[tilespmem:s6], [sflag:$0xC] =	stream.linear.gather [spmem:s17], $0x500, $0x38;
	[tilespmem:$0x1CD40] =	vst v63  }
0x1ad: {  	_ =	swait.ge [sflag:s24], $0x500  }
0x1ae: {  	[sflag:s24] =	ssyncset.done $0x0  }
0x1af: {  	s9 =	rddreg [dreg:$0xf];
	[sflag:s24] =	ssyncadd.s32 $0xFFFFFB00  }
0x1b0: {  	[hbm4b:s9+s7] =	stream.linear.scatter [tilespmem:s6], [sflag:$0xC], $0x500, $0x38;
	[tilespmem:$0x1CD40] =	vst v63  }
0x1b1: {  	_ =	swait.ge [sflag:s24], $0x500  }
0x1b2: {  	s7 =	sld [smem:$0x7F9]  }
0x1b3: {  	[sflag:s24] =	ssyncset.done $0x0  }
0x1b4: {  	[sflag:s24] =	ssyncadd.s32 $0xFFFFFB00  }
0x1b5: {  	[tilespmem:s6], [sflag:$0xC] =	stream.linear.gather [spmem:s7], $0x500, $0x38;
	[tilespmem:$0x1CD40] =	vst v63  }
0x1b6: {  	_ =	swait.ge [sflag:s24], $0x500  }
0x1b7: {  	[sflag:s24] =	ssyncset.done $0x0  }
0x1b8: {  	s28 =	simm.s32 $0x0;
	s18 =	rddreg [dreg:$0x10];
	[sflag:s24] =	ssyncadd.s32 $0xFFFFFB00  }
0x1b9: {  	[hbm4b:s18+s28] =	stream.linear.scatter [tilespmem:s6], [sflag:$0xC], $0x500, $0x38;
	[tilespmem:$0x1CD40] =	vst v63  }
0x1ba: {  	_ =	swait.ge [sflag:s24], $0x500  }
0x1bb: {  	s9 =	sld [smem:$0x7FA]  }
0x1bc: {  	[sflag:s24] =	ssyncset.done $0x0  }
0x1bd: {  	[sflag:s24] =	ssyncadd.s32 $0xFFFFFB00  }
0x1be: {  	[tilespmem:s6], [sflag:$0xC] =	stream.linear.gather [spmem:s9], $0x500, $0x38;
	[tilespmem:$0x1CD40] =	vst v63  }
0x1bf: {  	_ =	swait.ge [sflag:s24], $0x500  }
0x1c0: {  	[sflag:s24] =	ssyncset.done $0x0  }
0x1c1: {  	s25 =	rddreg [dreg:$0x11];
	[sflag:s24] =	ssyncadd.s32 $0xFFFFFB00  }
0x1c2: {  	[hbm4b:s25+s28] =	stream.linear.scatter [tilespmem:s6], [sflag:$0xC], $0x500, $0x38;
	[tilespmem:$0x1CD40] =	vst v63  }
0x1c3: {  	_ =	swait.ge [sflag:s24], $0x500  }
0x1c4: {  	s25 =	sld [smem:$0x7FB]  }
0x1c5: {  	[sflag:s24] =	ssyncset.done $0x0  }
0x1c6: {  	[sflag:s24] =	ssyncadd.s32 $0xFFFFFB00  }
0x1c7: {  	[tilespmem:s6], [sflag:$0xC] =	stream.linear.gather [spmem:s25], $0x500, $0x38;
	[tilespmem:$0x1CD40] =	vst v63  }
0x1c8: {  	_ =	swait.ge [sflag:s24], $0x500  }
0x1c9: {  	[sflag:s24] =	ssyncset.done $0x0  }
0x1ca: {  	s18 =	rddreg [dreg:$0x12];
	[sflag:s24] =	ssyncadd.s32 $0xFFFFFB00  }
0x1cb: {  	[hbm4b:s18+s28] =	stream.linear.scatter [tilespmem:s6], [sflag:$0xC], $0x500, $0x38;
	[tilespmem:$0x1CD40] =	vst v63  }
0x1cc: {  	_ =	swait.ge [sflag:s24], $0x500  }
0x1cd: {  	s18 =	sld [smem:$0x7FC]  }
0x1ce: {  	[sflag:s24] =	ssyncset.done $0x0  }
0x1cf: {  	[sflag:s24] =	ssyncadd.s32 $0xFFFFFB00  }
0x1d0: {  	[tilespmem:s6], [sflag:$0xC] =	stream.linear.gather [spmem:s18], $0x500, $0x38;
	[tilespmem:$0x1CD40] =	vst v63  }
0x1d1: {  	_ =	swait.ge [sflag:s24], $0x500  }
0x1d2: {  	[sflag:s24] =	ssyncset.done $0x0  }
0x1d3: {  	s5 =	rddreg [dreg:$0x13];
	[sflag:s24] =	ssyncadd.s32 $0xFFFFFB00  }
0x1d4: {  	[hbm4b:s5+s28] =	stream.linear.scatter [tilespmem:s6], [sflag:$0xC], $0x500, $0x38;
	[tilespmem:$0x1CD40] =	vst v63  }
0x1d5: {  	_ =	swait.ge [sflag:s24], $0x500  }
0x1d6: {  	s29 =	sld [smem:$0x7FD]  }
0x1d7: {  	[sflag:s24] =	ssyncset.done $0x0  }
0x1d8: {  	[sflag:s24] =	ssyncadd.s32 $0xFFFFFB00  }
0x1d9: {  	[tilespmem:s6], [sflag:$0xC] =	stream.linear.gather [spmem:s29], $0x500, $0x38;
	[tilespmem:$0x1CD40] =	vst v63  }
0x1da: {  	_ =	swait.ge [sflag:s24], $0x500  }
0x1db: {  	[sflag:s24] =	ssyncset.done $0x0  }
0x1dc: {  	s5 =	rddreg [dreg:$0x14];
	[sflag:s24] =	ssyncadd.s32 $0xFFFFFB00  }
0x1dd: {  	[hbm4b:s5+s28] =	stream.linear.scatter [tilespmem:s6], [sflag:$0xC], $0x500, $0x38;
	[tilespmem:$0x1CD40] =	vst v63  }
0x1de: {  	_ =	swait.ge [sflag:s24], $0x500  }
0x1df: {  	[sflag:s24] =	ssyncset.done $0x0  }
0x1e0: {  	s6 =	simm.s32 $0x9;
	[sflag:s24] =	ssyncadd.s32 $0xFFFFFB00  }
0x1e1: {  	_ =	swait.ge [sflag:s6], $0x1400  }
0x1e2: {  	[sflag:s6] =	ssyncset.done $0x0  }
0x1e3: {  	[sflag:s6] =	ssyncadd.s32 $0xFFFFEC00;
	s6 =	simm.s32 $0xA  }
0x1e4: {  	_ =	swait.ge [sflag:s6], $0x1400  }
0x1e5: {  	[sflag:s6] =	ssyncset.done $0x0  }
0x1e6: {  	[sflag:s6] =	ssyncadd.s32 $0xFFFFEC00  }
0x1e7: {  	_ =	swait.ge [sflag:s4], $0x1400  }
0x1e8: {  	[sflag:s4] =	ssyncset.done $0x0  }
0x1e9: {  	s6 =	simm.s32 $0x7;
	[sflag:s4] =	ssyncadd.s32 $0xFFFFEC00  }
0x1ea: {  	_ =	swait.ge [sflag:s6], $0x1400  }
0x1eb: {  	[sflag:s6] =	ssyncset.done $0x0  }
0x1ec: {  	[sflag:s6] =	ssyncadd.s32 $0xFFFFEC00  }
0x1ed: {  	_ =	swait.ge [sflag:s30], $0x1400  }
0x1ee: {  	s5 =	sld [smem:$0x7F2];
	_ =	sdelay $0x2  }
0x1ef: {  	s6 =	sadd.s32 $0x1, s5;
	s5 =	sld [smem:$0x7F3];
	_ =	sdelay $0x2  }
0x1f0: {  	p1 =	sne.s32 s6, s5  }
.Ltmp1:
0x1f1: {  	_ = 	snop;
	(pc) =	sbr.rel @p1 .LBB2_1-.Ltmp1, $3  }
0x1f2: {  	_ =	sdelay $0x1  }
0x1f3: {  	[sflag:s30] =	ssyncset.done $0x0  }
0x1f4: {  	[sflag:s30] =	ssyncadd.s32 $0xFFFFEC00  }
0x1f5: {  	_ =	sfence.sel $0x180000  }
0x1f6: {  	[bflag:$0x0] =	sbarrier.arrive $0xFFFF  }
0x1f7: {  	_ =	strace $0x90000047  }
0x1f8: {  	s0 =	stileid.u32;
	[bflag:$0x2] =	sbarrier.arrive $0xFFFF  }
0x1f9: {  	p0 =	sne.s32 s0, $0x0;
	s0 =	rddreg [dreg:$0x4]  }
0x1fa: {  	s0 =	sadd.s32 @!p0 $0x100000, s0  }
0x1fb: {  	[sflag:s0] =	ssyncadd.tile.s32 @!p0 $0x1;
	_ =	shalt  }
.Lfunc_end2:
_tile_overlayer_lowered:
.L_overlay_start_2:
0x1fc: {  	(tag) =	ssettag $0x2  }
0x1fd: {  	s0 =	rddreg [dreg:$0x0];
	s2 =	stileid.u32  }
0x1fe: {  	s1 =	rddreg [dreg:$0x1];
	p0 =	sne.s32 s2, $0x0  }
0x1ff: {  	s3 =	rddreg [dreg:$0x2];
	[bflag:$0x3] =	sbarrier.arrive $0xFFFF;
	s2 =	simm.s32 @!p0 $0x1C0C  }
0x200: {  	[timem:s3], [sflag:s2] =	dma.local @!p0 [hbm:s0], s1  }
0x201: {  	s0 =	simm.s32 @!p0 $0xC  }
0x202: {  	_ =	swait.ge @!p0 [sflag:s0], s1  }
0x203: {  	s1 =	ssub.s32 @!p0 $0x0, s1;
	[sflag:s0] =	ssyncset.done @!p0 $0x0  }
0x204: {  	[sflag:s0] =	ssyncadd.s32 @!p0 s1  }
0x205: {  	[bflag:$0x3] =	sbarrier.arrive $0xFFFF  }
0x206: {  	_ =	shalt  }

</sc_bundles>
